<compile_context>
chip_gen: v7x
topology: tpu7x:2x2x1
jax: 0.10.2.dev20260603
libtpu: 0.0.44.dev20260713+nightly
codegen_flags: <defaults>
</compile_context>

<pallas_src>
import functools

import jax
import jax.numpy as jnp
from jax import lax
from jax.experimental import pallas as pl
from jax.experimental.pallas import tpu as pltpu
from jax.experimental.pallas import tpu_sc as plsc

NUM_Q = 900
HIDDEN = 256
HALF = 128
B_TOTAL = 16384 * 20
NUM_PAIRS = 16
B_PER_P = B_TOTAL // NUM_PAIRS
CHUNK = 32
NCHUNK = B_PER_P // CHUNK

_mesh = plsc.VectorSubcoreMesh(core_axis_name="c", subcore_axis_name="s")
_SPLAT_DNUMS = lax.GatherDimensionNumbers(
    offset_dims=(), collapsed_slice_dims=(0,), start_index_map=(0,)
)


@functools.partial(
    pl.kernel,
    mesh=_mesh,
    out_type=jax.ShapeDtypeStruct((B_TOTAL, HIDDEN), jnp.float32),
    compiler_params=pltpu.CompilerParams(needs_layout_passes=False),
    scratch_types=[
        pltpu.VMEM((NUM_Q * HALF,), jnp.float32),
        pltpu.VMEM((2, CHUNK, HALF), jnp.float32),
        pltpu.VMEM((2 * CHUNK,), jnp.int32),
        pltpu.SemaphoreType.DMA,
        pltpu.SemaphoreType.DMA,
    ],
)
def _embed_gather(tbl0_hbm, tbl1_hbm, idx_hbm, out_hbm, tbl_v, outb, idxb,
                  isem, wsem):
    cid = lax.axis_index("c")
    sid = lax.axis_index("s")
    rowbase = sid * B_PER_P
    colbase = cid * HALF

    @pl.when(cid == 0)
    def _():
        pltpu.sync_copy(tbl0_hbm, tbl_v)

    @pl.when(cid == 1)
    def _():
        pltpu.sync_copy(tbl1_hbm, tbl_v)

    lane = jnp.arange(16, dtype=jnp.int32)

    def start_idx_copy(c, slot):
        pltpu.async_copy(
            idx_hbm.at[pl.ds(rowbase + c * CHUNK, CHUNK)],
            idxb.at[pl.ds(slot * CHUNK, CHUNK)],
            isem,
        )

    def wait_idx():
        pltpu.make_async_copy(
            idx_hbm.at[pl.ds(0, CHUNK)], idxb.at[pl.ds(0, CHUNK)], isem
        ).wait()

    def wait_write():
        pltpu.make_async_copy(
            outb.at[0], out_hbm.at[pl.ds(0, CHUNK), pl.ds(0, HALF)], wsem
        ).wait()

    start_idx_copy(0, 0)

    def chunk_body(c, carry):
        p = lax.rem(c, 2)
        wait_idx()

        @pl.when(c + 1 < NCHUNK)
        def _():
            start_idx_copy(c + 1, 1 - p)

        @pl.when(c >= 2)
        def _():
            wait_write()

        def batch_body(rb, carry2):
            idx16 = idxb[pl.ds(p * CHUNK + rb * 16, 16)]
            addr16 = idx16 * HALF
            for i in range(16):
                raddr = lax.gather(
                    addr16,
                    jnp.full((16, 1), i, jnp.int32),
                    _SPLAT_DNUMS,
                    slice_sizes=(1,),
                    mode=lax.GatherScatterMode.PROMISE_IN_BOUNDS,
                )
                for k in range(HALF // 16):
                    vals = plsc.load_gather(tbl_v, [raddr + (k * 16 + lane)])
                    outb[p, rb * 16 + i, pl.ds(k * 16, 16)] = vals
            return carry2

        lax.fori_loop(0, CHUNK // 16, batch_body, 0)

        pltpu.async_copy(
            outb.at[p],
            out_hbm.at[pl.ds(rowbase + c * CHUNK, CHUNK), pl.ds(colbase, HALF)],
            wsem,
        )
        return carry

    lax.fori_loop(0, NCHUNK, chunk_body, 0)
    wait_write()
    wait_write()


def kernel(indices, query_embed_weight):
    idx = indices.reshape(-1).astype(jnp.int32)
    tbl0 = query_embed_weight[:, :HALF].reshape(-1)
    tbl1 = query_embed_weight[:, HALF:].reshape(-1)
    out = _embed_gather(tbl0, tbl1, idx)
    return out.reshape(indices.shape + (HIDDEN,))

# --- scband reference (transcript-rebuilt; emitter-appended) ---
"""Pipeline reference for scband-detrdecoder-82746839924743 (READ-ONLY COPY).

The authoritative reference and input builder live on the scoring server;
editing this copy changes nothing except your own understanding.
"""

import jax, jax.numpy as jnp
import numpy as np

NUM_QUERIES = 900
HIDDEN_DIM = 256
BATCH = 16384
SEQ = 20

def setup_inputs(seed: int = 0) -> dict:
    key = jax.random.key(seed)
    k_idx, k_w = jax.random.split(key)
    indices = jax.random.randint(k_idx, (BATCH, SEQ), 0, NUM_QUERIES, dtype=jnp.int64)
    # learned parameter: nn.Embedding(num_queries, hidden_dim) weight
    query_embed_weight = jax.random.normal(k_w, (NUM_QUERIES, HIDDEN_DIM), dtype=jnp.float32)
    return {"indices": indices, "query_embed_weight": query_embed_weight}

def reference(indices, query_embed_weight):
    # nn.Embedding forward: table gather by index
    return jnp.take(query_embed_weight, indices, axis=0)

if __name__ == "__main__":
    import jax
    _d = setup_inputs()
    print(jax.jit(kernel)(*tuple(_d.values())))

</pallas_src>

<mosaic_0001>
#map = affine_map<(d0, d1) -> (0)>
#map1 = affine_map<(d0, d1) -> (0, 0)>
module attributes {stable_mosaic.version = 14 : i64} {
  func.func @_embed_gather(%arg0: i32, %arg1: i32, %arg2: memref<115200xf32, #tpu.memory_space<hbm>>, %arg3: memref<115200xf32, #tpu.memory_space<hbm>>, %arg4: memref<327680xi32, #tpu.memory_space<hbm>>, %arg5: memref<327680x256xf32, #tpu.memory_space<hbm>>, %arg6: memref<115200xf32, #tpu.memory_space<vmem>>, %arg7: memref<2x32x128xf32, #tpu.memory_space<vmem>>, %arg8: memref<64xi32, #tpu.memory_space<vmem>>, %arg9: memref<!tpu.dma_semaphore, #tpu.memory_space<semaphore_mem>>, %arg10: memref<!tpu.dma_semaphore, #tpu.memory_space<semaphore_mem>>) attributes {dimension_semantics = [#tpu.dimension_semantics<core_parallel>, #tpu.dimension_semantics<subcore_parallel>], iteration_bounds = array<i64: 2, 16>, scalar_prefetch = 0 : i64, scratch_operands = 5 : i64, tpu.core_type = #tpu.core_type<sc_vector_subcore>, window_params = [{transform_indices = #map}, {transform_indices = #map}, {transform_indices = #map}, {transform_indices = #map1}]} {
    %mul3A = arith.constant 20480 : i32
    %mul3A_0 = arith.muli %arg1, %mul3A : i32
    %mul3A_1 = arith.constant 128 : i32
    %mul3A_2 = arith.muli %arg0, %mul3A_1 : i32
    %eq3A = arith.constant 0 : i32
    %eq3A_3 = arith.cmpi eq, %arg0, %eq3A : i32
    %convert_element_type3A = arith.extui %eq3A_3 : i1 to i32
    %cond3A = arith.constant 0 : i32
    %cond3A_4 = arith.cmpi ne, %convert_element_type3A, %cond3A : i32
    scf.if %cond3A_4 {
      "tpu.region"() ({
        %run_scoped3A = tpu.sem_alloc : memref<!tpu.dma_semaphore, #tpu.memory_space<semaphore_mem>>
        tpu.enqueue_dma source(%arg2 : memref<115200xf32, #tpu.memory_space<hbm>>) target(%arg6 : memref<115200xf32, #tpu.memory_space<vmem>>) target_semaphore(%run_scoped3A : memref<!tpu.dma_semaphore, #tpu.memory_space<semaphore_mem>>)
        tpu.wait_dma2 semaphore(%run_scoped3A : memref<!tpu.dma_semaphore, #tpu.memory_space<semaphore_mem>>) src(%arg2 : memref<115200xf32, #tpu.memory_space<hbm>>) dst(%arg6 : memref<115200xf32, #tpu.memory_space<vmem>>)
        tpu.yield
      }) : () -> ()
    } else {
    }
    %eq3A_5 = arith.constant 1 : i32
    %eq3A_6 = arith.cmpi eq, %arg0, %eq3A_5 : i32
    %convert_element_type3A_7 = arith.extui %eq3A_6 : i1 to i32
    %cond3A_8 = arith.constant 0 : i32
    %cond3A_9 = arith.cmpi ne, %convert_element_type3A_7, %cond3A_8 : i32
    scf.if %cond3A_9 {
      "tpu.region"() ({
        %run_scoped3A = tpu.sem_alloc : memref<!tpu.dma_semaphore, #tpu.memory_space<semaphore_mem>>
        tpu.enqueue_dma source(%arg3 : memref<115200xf32, #tpu.memory_space<hbm>>) target(%arg6 : memref<115200xf32, #tpu.memory_space<vmem>>) target_semaphore(%run_scoped3A : memref<!tpu.dma_semaphore, #tpu.memory_space<semaphore_mem>>)
        tpu.wait_dma2 semaphore(%run_scoped3A : memref<!tpu.dma_semaphore, #tpu.memory_space<semaphore_mem>>) src(%arg3 : memref<115200xf32, #tpu.memory_space<hbm>>) dst(%arg6 : memref<115200xf32, #tpu.memory_space<vmem>>)
        tpu.yield
      }) : () -> ()
    } else {
    }
    %iota3A = tpu.iota {dimensions = array<i32: 0>} : vector<16xi32>
    %add3A = arith.constant 0 : i32
    %add3A_10 = arith.addi %mul3A_0, %add3A : i32
    %dma_start3A = arith.constant 0 : i32
    %dma_start3A_11 = tpu.memref_slice %arg8[%dma_start3A] : memref<64xi32, #tpu.memory_space<vmem>> -> memref<32xi32, #tpu.memory_space<vmem>>
    %dma_start3A_12 = tpu.memref_slice %arg4[%add3A_10] : memref<327680xi32, #tpu.memory_space<hbm>> -> memref<32xi32, #tpu.memory_space<hbm>>
    %dma_start3A_13 = arith.constant 0 : i32
    %dma_start3A_14 = tpu.memref_slice %arg8[%dma_start3A_13] : memref<64xi32, #tpu.memory_space<vmem>> -> memref<32xi32, #tpu.memory_space<vmem>>
    %dma_start3A_15 = tpu.memref_slice %arg4[%add3A_10] : memref<327680xi32, #tpu.memory_space<hbm>> -> memref<32xi32, #tpu.memory_space<hbm>>
    tpu.enqueue_dma source(%dma_start3A_15 : memref<32xi32, #tpu.memory_space<hbm>>) target(%dma_start3A_14 : memref<32xi32, #tpu.memory_space<vmem>>) target_semaphore(%arg9 : memref<!tpu.dma_semaphore, #tpu.memory_space<semaphore_mem>>)
    %scan3A = arith.constant 0 : i32
    %scan3A_16 = arith.constant 0 : i32
    %scan3A_17 = arith.constant 640 : i32
    %scan3A_18 = arith.addi %scan3A_16, %scan3A_17 : i32
    %scan3A_19 = arith.constant 1 : i32
    scf.for %scan3A_50 = %scan3A_16 to %scan3A_18 step %scan3A_19  : i32 {
      %rem3A = arith.constant 2 : i32
      %rem3A_51 = arith.remsi %scan3A_50, %rem3A : i32
      %dma_wait3A_52 = arith.constant 0 : i32
      %dma_wait3A_53 = tpu.memref_slice %arg8[%dma_wait3A_52] : memref<64xi32, #tpu.memory_space<vmem>> -> memref<32xi32, #tpu.memory_space<vmem>>
      %dma_wait3A_54 = arith.constant 0 : i32
      %dma_wait3A_55 = tpu.memref_slice %arg4[%dma_wait3A_54] : memref<327680xi32, #tpu.memory_space<hbm>> -> memref<32xi32, #tpu.memory_space<hbm>>
      %dma_wait3A_56 = arith.constant 0 : i32
      %dma_wait3A_57 = tpu.memref_slice %arg8[%dma_wait3A_56] : memref<64xi32, #tpu.memory_space<vmem>> -> memref<32xi32, #tpu.memory_space<vmem>>
      %dma_wait3A_58 = arith.constant 0 : i32
      %dma_wait3A_59 = tpu.memref_slice %arg4[%dma_wait3A_58] : memref<327680xi32, #tpu.memory_space<hbm>> -> memref<32xi32, #tpu.memory_space<hbm>>
      tpu.wait_dma2 semaphore(%arg9 : memref<!tpu.dma_semaphore, #tpu.memory_space<semaphore_mem>>) src(%dma_wait3A_59 : memref<32xi32, #tpu.memory_space<hbm>>) dst(%dma_wait3A_57 : memref<32xi32, #tpu.memory_space<vmem>>)
      %add3A_60 = arith.constant 1 : i32
      %add3A_61 = arith.addi %scan3A_50, %add3A_60 : i32
      %lt3A = arith.constant 640 : i32
      %lt3A_62 = arith.cmpi slt, %add3A_61, %lt3A : i32
      %convert_element_type3A_63 = arith.extui %lt3A_62 : i1 to i32
      %cond3A_64 = arith.constant 0 : i32
      %cond3A_65 = arith.cmpi ne, %convert_element_type3A_63, %cond3A_64 : i32
      scf.if %cond3A_65 {
        %add3A_89 = arith.constant 1 : i32
        %add3A_90 = arith.addi %scan3A_50, %add3A_89 : i32
        %sub3A = arith.constant 1 : i32
        %sub3A_91 = arith.subi %sub3A, %rem3A_51 : i32
        %mul3A_92 = arith.constant 32 : i32
        %mul3A_93 = arith.muli %add3A_90, %mul3A_92 : i32
        %add3A_94 = arith.addi %mul3A_0, %mul3A_93 : i32
        %mul3A_95 = arith.constant 32 : i32
        %mul3A_96 = arith.muli %sub3A_91, %mul3A_95 : i32
        %dma_start3A_97 = tpu.memref_slice %arg8[%mul3A_96] : memref<64xi32, #tpu.memory_space<vmem>> -> memref<32xi32, #tpu.memory_space<vmem>>
        %dma_start3A_98 = tpu.memref_slice %arg4[%add3A_94] : memref<327680xi32, #tpu.memory_space<hbm>> -> memref<32xi32, #tpu.memory_space<hbm>>
        %dma_start3A_99 = tpu.memref_slice %arg8[%mul3A_96] : memref<64xi32, #tpu.memory_space<vmem>> -> memref<32xi32, #tpu.memory_space<vmem>>
        %dma_start3A_100 = tpu.memref_slice %arg4[%add3A_94] : memref<327680xi32, #tpu.memory_space<hbm>> -> memref<32xi32, #tpu.memory_space<hbm>>
        tpu.enqueue_dma source(%dma_start3A_100 : memref<32xi32, #tpu.memory_space<hbm>>) target(%dma_start3A_99 : memref<32xi32, #tpu.memory_space<vmem>>) target_semaphore(%arg9 : memref<!tpu.dma_semaphore, #tpu.memory_space<semaphore_mem>>)
      } else {
      }
      %ge3A = arith.constant 2 : i32
      %ge3A_66 = arith.cmpi sge, %scan3A_50, %ge3A : i32
      %convert_element_type3A_67 = arith.extui %ge3A_66 : i1 to i32
      %cond3A_68 = arith.constant 0 : i32
      %cond3A_69 = arith.cmpi ne, %convert_element_type3A_67, %cond3A_68 : i32
      scf.if %cond3A_69 {
        %dma_wait3A_89 = arith.constant 0 : i32
        %dma_wait3A_90 = arith.constant 0 : i32
        %dma_wait3A_91 = arith.constant 0 : i32
        %dma_wait3A_92 = tpu.memref_slice %arg7[%dma_wait3A_89, %dma_wait3A_90, %dma_wait3A_91] : memref<2x32x128xf32, #tpu.memory_space<vmem>> -> memref<1x32x128xf32, #tpu.memory_space<vmem>>
        %dma_wait3A_93 = tpu.memref_squeeze %dma_wait3A_92 : memref<1x32x128xf32, #tpu.memory_space<vmem>> -> memref<32x128xf32, #tpu.memory_space<vmem>>
        %dma_wait3A_94 = arith.constant 0 : i32
        %dma_wait3A_95 = arith.constant 0 : i32
        %dma_wait3A_96 = tpu.memref_slice %arg5[%dma_wait3A_94, %dma_wait3A_95] : memref<327680x256xf32, #tpu.memory_space<hbm>> -> memref<32x128xf32, #tpu.memory_space<hbm>>
        %dma_wait3A_97 = arith.constant 0 : i32
        %dma_wait3A_98 = arith.constant 0 : i32
        %dma_wait3A_99 = tpu.memref_slice %arg5[%dma_wait3A_97, %dma_wait3A_98] : memref<327680x256xf32, #tpu.memory_space<hbm>> -> memref<32x128xf32, #tpu.memory_space<hbm>>
        %dma_wait3A_100 = arith.constant 0 : i32
        %dma_wait3A_101 = arith.constant 0 : i32
        %dma_wait3A_102 = tpu.memref_slice %arg7[%dma_wait3A_89, %dma_wait3A_100, %dma_wait3A_101] : memref<2x32x128xf32, #tpu.memory_space<vmem>> -> memref<1x32x128xf32, #tpu.memory_space<vmem>>
        %dma_wait3A_103 = tpu.memref_squeeze %dma_wait3A_102 : memref<1x32x128xf32, #tpu.memory_space<vmem>> -> memref<32x128xf32, #tpu.memory_space<vmem>>
        tpu.wait_dma2 semaphore(%arg10 : memref<!tpu.dma_semaphore, #tpu.memory_space<semaphore_mem>>) src(%dma_wait3A_103 : memref<32x128xf32, #tpu.memory_space<vmem>>) dst(%dma_wait3A_99 : memref<32x128xf32, #tpu.memory_space<hbm>>)
      } else {
      }
      %scan3A_70 = arith.constant 0 : i32
      %scan3A_71 = arith.constant 0 : i32
      %scan3A_72 = arith.constant 2 : i32
      %scan3A_73 = arith.addi %scan3A_71, %scan3A_72 : i32
      %scan3A_74 = arith.constant 1 : i32
      scf.for %scan3A_89 = %scan3A_71 to %scan3A_73 step %scan3A_74  : i32 {
        %mul3A_90 = arith.constant 32 : i32
        %mul3A_91 = arith.muli %rem3A_51, %mul3A_90 : i32
        %mul3A_92 = arith.constant 16 : i32
        %mul3A_93 = arith.muli %scan3A_89, %mul3A_92 : i32
        %add3A_94 = arith.addi %mul3A_91, %mul3A_93 : i32
        %get3A = arith.index_cast %add3A_94 : i32 to index
        %get3A_95 = tpu.vector_load %arg8[%get3A] {strides = array<i32>} : memref<64xi32, #tpu.memory_space<vmem>>, vector<16xi32>,
        %mul3A_96 = arith.constant 128 : i32
        %mul3A_97 = vector.broadcast %mul3A_96 : i32 to vector<16xi32>
        %mul3A_98 = arith.muli %get3A_95, %mul3A_97 : vector<16xi32>
        %broadcast_in_dim3A = arith.constant 0 : i32
        %broadcast_in_dim3A_99 = vector.broadcast %broadcast_in_dim3A : i32 to vector<16x1xi32>
        %gather3A = vector.shape_cast %broadcast_in_dim3A_99 : vector<16x1xi32> to vector<16xi32>
        %gather3A_100 = tpu.dynamic_gather %mul3A_98[%gather3A] in [0] : vector<16xi32>, vector<16xi32> -> vector<16xi32>
        %add3A_101 = arith.constant 0 : i32
        %add3A_102 = vector.broadcast %add3A_101 : i32 to vector<16xi32>
        %add3A_103 = arith.addi %add3A_102, %iota3A : vector<16xi32>
        %add3A_104 = arith.addi %gather3A_100, %add3A_103 : vector<16xi32>
        %gather3A_105 = tpu.vector_load_idx %arg6[%add3A_104] : memref<115200xf32, #tpu.memory_space<vmem>>[vector<16xi32>], vector<16xf32>,
        %mul3A_106 = arith.constant 16 : i32
        %mul3A_107 = arith.muli %scan3A_89, %mul3A_106 : i32
        %add3A_108 = arith.constant 0 : i32
        %add3A_109 = arith.addi %mul3A_107, %add3A_108 : i32
        %swap3A = arith.index_cast %rem3A_51 : i32 to index
        %swap3A_110 = arith.index_cast %add3A_109 : i32 to index
        %swap3A_111 = arith.constant 0 : index
        %swap3A_112 = tpu.vector_load %arg7[%swap3A, %swap3A_110, %swap3A_111] {strides = array<i32>} : memref<2x32x128xf32, #tpu.memory_space<vmem>>, vector<16xf32>,
        tpu.vector_store %arg7[%swap3A, %swap3A_110, %swap3A_111], %gather3A_105 {strides = array<i32>} : memref<2x32x128xf32, #tpu.memory_space<vmem>>, vector<16xf32>,
        %add3A_113 = arith.constant 16 : i32
        %add3A_114 = vector.broadcast %add3A_113 : i32 to vector<16xi32>
        %add3A_115 = arith.addi %add3A_114, %iota3A : vector<16xi32>
        %add3A_116 = arith.addi %gather3A_100, %add3A_115 : vector<16xi32>
        %gather3A_117 = tpu.vector_load_idx %arg6[%add3A_116] : memref<115200xf32, #tpu.memory_space<vmem>>[vector<16xi32>], vector<16xf32>,
        %mul3A_118 = arith.constant 16 : i32
        %mul3A_119 = arith.muli %scan3A_89, %mul3A_118 : i32
        %add3A_120 = arith.constant 0 : i32
        %add3A_121 = arith.addi %mul3A_119, %add3A_120 : i32
        %swap3A_122 = arith.index_cast %rem3A_51 : i32 to index
        %swap3A_123 = arith.index_cast %add3A_121 : i32 to index
        %swap3A_124 = arith.constant 16 : index
        %swap3A_125 = tpu.vector_load %arg7[%swap3A_122, %swap3A_123, %swap3A_124] {strides = array<i32>} : memref<2x32x128xf32, #tpu.memory_space<vmem>>, vector<16xf32>,
        tpu.vector_store %arg7[%swap3A_122, %swap3A_123, %swap3A_124], %gather3A_117 {strides = array<i32>} : memref<2x32x128xf32, #tpu.memory_space<vmem>>, vector<16xf32>,
        %add3A_126 = arith.constant 32 : i32
        %add3A_127 = vector.broadcast %add3A_126 : i32 to vector<16xi32>
        %add3A_128 = arith.addi %add3A_127, %iota3A : vector<16xi32>
        %add3A_129 = arith.addi %gather3A_100, %add3A_128 : vector<16xi32>
        %gather3A_130 = tpu.vector_load_idx %arg6[%add3A_129] : memref<115200xf32, #tpu.memory_space<vmem>>[vector<16xi32>], vector<16xf32>,
        %mul3A_131 = arith.constant 16 : i32
        %mul3A_132 = arith.muli %scan3A_89, %mul3A_131 : i32
        %add3A_133 = arith.constant 0 : i32
        %add3A_134 = arith.addi %mul3A_132, %add3A_133 : i32
        %swap3A_135 = arith.index_cast %rem3A_51 : i32 to index
        %swap3A_136 = arith.index_cast %add3A_134 : i32 to index
        %swap3A_137 = arith.constant 32 : index
        %swap3A_138 = tpu.vector_load %arg7[%swap3A_135, %swap3A_136, %swap3A_137] {strides = array<i32>} : memref<2x32x128xf32, #tpu.memory_space<vmem>>, vector<16xf32>,
        tpu.vector_store %arg7[%swap3A_135, %swap3A_136, %swap3A_137], %gather3A_130 {strides = array<i32>} : memref<2x32x128xf32, #tpu.memory_space<vmem>>, vector<16xf32>,
        %add3A_139 = arith.constant 48 : i32
        %add3A_140 = vector.broadcast %add3A_139 : i32 to vector<16xi32>
        %add3A_141 = arith.addi %add3A_140, %iota3A : vector<16xi32>
        %add3A_142 = arith.addi %gather3A_100, %add3A_141 : vector<16xi32>
        %gather3A_143 = tpu.vector_load_idx %arg6[%add3A_142] : memref<115200xf32, #tpu.memory_space<vmem>>[vector<16xi32>], vector<16xf32>,
        %mul3A_144 = arith.constant 16 : i32
        %mul3A_145 = arith.muli %scan3A_89, %mul3A_144 : i32
        %add3A_146 = arith.constant 0 : i32
        %add3A_147 = arith.addi %mul3A_145, %add3A_146 : i32
        %swap3A_148 = arith.index_cast %rem3A_51 : i32 to index
        %swap3A_149 = arith.index_cast %add3A_147 : i32 to index
        %swap3A_150 = arith.constant 48 : index
        %swap3A_151 = tpu.vector_load %arg7[%swap3A_148, %swap3A_149, %swap3A_150] {strides = array<i32>} : memref<2x32x128xf32, #tpu.memory_space<vmem>>, vector<16xf32>,
        tpu.vector_store %arg7[%swap3A_148, %swap3A_149, %swap3A_150], %gather3A_143 {strides = array<i32>} : memref<2x32x128xf32, #tpu.memory_space<vmem>>, vector<16xf32>,
        %add3A_152 = arith.constant 64 : i32
        %add3A_153 = vector.broadcast %add3A_152 : i32 to vector<16xi32>
        %add3A_154 = arith.addi %add3A_153, %iota3A : vector<16xi32>
        %add3A_155 = arith.addi %gather3A_100, %add3A_154 : vector<16xi32>
        %gather3A_156 = tpu.vector_load_idx %arg6[%add3A_155] : memref<115200xf32, #tpu.memory_space<vmem>>[vector<16xi32>], vector<16xf32>,
        %mul3A_157 = arith.constant 16 : i32
        %mul3A_158 = arith.muli %scan3A_89, %mul3A_157 : i32
        %add3A_159 = arith.constant 0 : i32
        %add3A_160 = arith.addi %mul3A_158, %add3A_159 : i32
        %swap3A_161 = arith.index_cast %rem3A_51 : i32 to index
        %swap3A_162 = arith.index_cast %add3A_160 : i32 to index
        %swap3A_163 = arith.constant 64 : index
        %swap3A_164 = tpu.vector_load %arg7[%swap3A_161, %swap3A_162, %swap3A_163] {strides = array<i32>} : memref<2x32x128xf32, #tpu.memory_space<vmem>>, vector<16xf32>,
        tpu.vector_store %arg7[%swap3A_161, %swap3A_162, %swap3A_163], %gather3A_156 {strides = array<i32>} : memref<2x32x128xf32, #tpu.memory_space<vmem>>, vector<16xf32>,
        %add3A_165 = arith.constant 80 : i32
        %add3A_166 = vector.broadcast %add3A_165 : i32 to vector<16xi32>
        %add3A_167 = arith.addi %add3A_166, %iota3A : vector<16xi32>
        %add3A_168 = arith.addi %gather3A_100, %add3A_167 : vector<16xi32>
        %gather3A_169 = tpu.vector_load_idx %arg6[%add3A_168] : memref<115200xf32, #tpu.memory_space<vmem>>[vector<16xi32>], vector<16xf32>,
        %mul3A_170 = arith.constant 16 : i32
        %mul3A_171 = arith.muli %scan3A_89, %mul3A_170 : i32
        %add3A_172 = arith.constant 0 : i32
        %add3A_173 = arith.addi %mul3A_171, %add3A_172 : i32
        %swap3A_174 = arith.index_cast %rem3A_51 : i32 to index
        %swap3A_175 = arith.index_cast %add3A_173 : i32 to index
        %swap3A_176 = arith.constant 80 : index
        %swap3A_177 = tpu.vector_load %arg7[%swap3A_174, %swap3A_175, %swap3A_176] {strides = array<i32>} : memref<2x32x128xf32, #tpu.memory_space<vmem>>, vector<16xf32>,
        tpu.vector_store %arg7[%swap3A_174, %swap3A_175, %swap3A_176], %gather3A_169 {strides = array<i32>} : memref<2x32x128xf32, #tpu.memory_space<vmem>>, vector<16xf32>,
        %add3A_178 = arith.constant 96 : i32
        %add3A_179 = vector.broadcast %add3A_178 : i32 to vector<16xi32>
        %add3A_180 = arith.addi %add3A_179, %iota3A : vector<16xi32>
        %add3A_181 = arith.addi %gather3A_100, %add3A_180 : vector<16xi32>
        %gather3A_182 = tpu.vector_load_idx %arg6[%add3A_181] : memref<115200xf32, #tpu.memory_space<vmem>>[vector<16xi32>], vector<16xf32>,
        %mul3A_183 = arith.constant 16 : i32
        %mul3A_184 = arith.muli %scan3A_89, %mul3A_183 : i32
        %add3A_185 = arith.constant 0 : i32
        %add3A_186 = arith.addi %mul3A_184, %add3A_185 : i32
        %swap3A_187 = arith.index_cast %rem3A_51 : i32 to index
        %swap3A_188 = arith.index_cast %add3A_186 : i32 to index
        %swap3A_189 = arith.constant 96 : index
        %swap3A_190 = tpu.vector_load %arg7[%swap3A_187, %swap3A_188, %swap3A_189] {strides = array<i32>} : memref<2x32x128xf32, #tpu.memory_space<vmem>>, vector<16xf32>,
        tpu.vector_store %arg7[%swap3A_187, %swap3A_188, %swap3A_189], %gather3A_182 {strides = array<i32>} : memref<2x32x128xf32, #tpu.memory_space<vmem>>, vector<16xf32>,
        %add3A_191 = arith.constant 112 : i32
        %add3A_192 = vector.broadcast %add3A_191 : i32 to vector<16xi32>
        %add3A_193 = arith.addi %add3A_192, %iota3A : vector<16xi32>
        %add3A_194 = arith.addi %gather3A_100, %add3A_193 : vector<16xi32>
        %gather3A_195 = tpu.vector_load_idx %arg6[%add3A_194] : memref<115200xf32, #tpu.memory_space<vmem>>[vector<16xi32>], vector<16xf32>,
        %mul3A_196 = arith.constant 16 : i32
        %mul3A_197 = arith.muli %scan3A_89, %mul3A_196 : i32
        %add3A_198 = arith.constant 0 : i32
        %add3A_199 = arith.addi %mul3A_197, %add3A_198 : i32
        %swap3A_200 = arith.index_cast %rem3A_51 : i32 to index
        %swap3A_201 = arith.index_cast %add3A_199 : i32 to index
        %swap3A_202 = arith.constant 112 : index
        %swap3A_203 = tpu.vector_load %arg7[%swap3A_200, %swap3A_201, %swap3A_202] {strides = array<i32>} : memref<2x32x128xf32, #tpu.memory_space<vmem>>, vector<16xf32>,
        tpu.vector_store %arg7[%swap3A_200, %swap3A_201, %swap3A_202], %gather3A_195 {strides = array<i32>} : memref<2x32x128xf32, #tpu.memory_space<vmem>>, vector<16xf32>,
        %broadcast_in_dim3A_204 = arith.constant 1 : i32
        %broadcast_in_dim3A_205 = vector.broadcast %broadcast_in_dim3A_204 : i32 to vector<16x1xi32>
        %gather3A_206 = vector.shape_cast %broadcast_in_dim3A_205 : vector<16x1xi32> to vector<16xi32>
        %gather3A_207 = tpu.dynamic_gather %mul3A_98[%gather3A_206] in [0] : vector<16xi32>, vector<16xi32> -> vector<16xi32>
        %add3A_208 = arith.constant 0 : i32
        %add3A_209 = vector.broadcast %add3A_208 : i32 to vector<16xi32>
        %add3A_210 = arith.addi %add3A_209, %iota3A : vector<16xi32>
        %add3A_211 = arith.addi %gather3A_207, %add3A_210 : vector<16xi32>
        %gather3A_212 = tpu.vector_load_idx %arg6[%add3A_211] : memref<115200xf32, #tpu.memory_space<vmem>>[vector<16xi32>], vector<16xf32>,
        %mul3A_213 = arith.constant 16 : i32
        %mul3A_214 = arith.muli %scan3A_89, %mul3A_213 : i32
        %add3A_215 = arith.constant 1 : i32
        %add3A_216 = arith.addi %mul3A_214, %add3A_215 : i32
        %swap3A_217 = arith.index_cast %rem3A_51 : i32 to index
        %swap3A_218 = arith.index_cast %add3A_216 : i32 to index
        %swap3A_219 = arith.constant 0 : index
        %swap3A_220 = tpu.vector_load %arg7[%swap3A_217, %swap3A_218, %swap3A_219] {strides = array<i32>} : memref<2x32x128xf32, #tpu.memory_space<vmem>>, vector<16xf32>,
        tpu.vector_store %arg7[%swap3A_217, %swap3A_218, %swap3A_219], %gather3A_212 {strides = array<i32>} : memref<2x32x128xf32, #tpu.memory_space<vmem>>, vector<16xf32>,
        %add3A_221 = arith.constant 16 : i32
        %add3A_222 = vector.broadcast %add3A_221 : i32 to vector<16xi32>
        %add3A_223 = arith.addi %add3A_222, %iota3A : vector<16xi32>
        %add3A_224 = arith.addi %gather3A_207, %add3A_223 : vector<16xi32>
        %gather3A_225 = tpu.vector_load_idx %arg6[%add3A_224] : memref<115200xf32, #tpu.memory_space<vmem>>[vector<16xi32>], vector<16xf32>,
        %mul3A_226 = arith.constant 16 : i32
        %mul3A_227 = arith.muli %scan3A_89, %mul3A_226 : i32
        %add3A_228 = arith.constant 1 : i32
        %add3A_229 = arith.addi %mul3A_227, %add3A_228 : i32
        %swap3A_230 = arith.index_cast %rem3A_51 : i32 to index
        %swap3A_231 = arith.index_cast %add3A_229 : i32 to index
        %swap3A_232 = arith.constant 16 : index
        %swap3A_233 = tpu.vector_load %arg7[%swap3A_230, %swap3A_231, %swap3A_232] {strides = array<i32>} : memref<2x32x128xf32, #tpu.memory_space<vmem>>, vector<16xf32>,
        tpu.vector_store %arg7[%swap3A_230, %swap3A_231, %swap3A_232], %gather3A_225 {strides = array<i32>} : memref<2x32x128xf32, #tpu.memory_space<vmem>>, vector<16xf32>,
        %add3A_234 = arith.constant 32 : i32
        %add3A_235 = vector.broadcast %add3A_234 : i32 to vector<16xi32>
        %add3A_236 = arith.addi %add3A_235, %iota3A : vector<16xi32>
        %add3A_237 = arith.addi %gather3A_207, %add3A_236 : vector<16xi32>
        %gather3A_238 = tpu.vector_load_idx %arg6[%add3A_237] : memref<115200xf32, #tpu.memory_space<vmem>>[vector<16xi32>], vector<16xf32>,
        %mul3A_239 = arith.constant 16 : i32
        %mul3A_240 = arith.muli %scan3A_89, %mul3A_239 : i32
        %add3A_241 = arith.constant 1 : i32
        %add3A_242 = arith.addi %mul3A_240, %add3A_241 : i32
        %swap3A_243 = arith.index_cast %rem3A_51 : i32 to index
        %swap3A_244 = arith.index_cast %add3A_242 : i32 to index
        %swap3A_245 = arith.constant 32 : index
        %swap3A_246 = tpu.vector_load %arg7[%swap3A_243, %swap3A_244, %swap3A_245] {strides = array<i32>} : memref<2x32x128xf32, #tpu.memory_space<vmem>>, vector<16xf32>,
        tpu.vector_store %arg7[%swap3A_243, %swap3A_244, %swap3A_245], %gather3A_238 {strides = array<i32>} : memref<2x32x128xf32, #tpu.memory_space<vmem>>, vector<16xf32>,
        %add3A_247 = arith.constant 48 : i32
        %add3A_248 = vector.broadcast %add3A_247 : i32 to vector<16xi32>
        %add3A_249 = arith.addi %add3A_248, %iota3A : vector<16xi32>
        %add3A_250 = arith.addi %gather3A_207, %add3A_249 : vector<16xi32>
        %gather3A_251 = tpu.vector_load_idx %arg6[%add3A_250] : memref<115200xf32, #tpu.memory_space<vmem>>[vector<16xi32>], vector<16xf32>,
        %mul3A_252 = arith.constant 16 : i32
        %mul3A_253 = arith.muli %scan3A_89, %mul3A_252 : i32
        %add3A_254 = arith.constant 1 : i32
        %add3A_255 = arith.addi %mul3A_253, %add3A_254 : i32
        %swap3A_256 = arith.index_cast %rem3A_51 : i32 to index
        %swap3A_257 = arith.index_cast %add3A_255 : i32 to index
        %swap3A_258 = arith.constant 48 : index
        %swap3A_259 = tpu.vector_load %arg7[%swap3A_256, %swap3A_257, %swap3A_258] {strides = array<i32>} : memref<2x32x128xf32, #tpu.memory_space<vmem>>, vector<16xf32>,
        tpu.vector_store %arg7[%swap3A_256, %swap3A_257, %swap3A_258], %gather3A_251 {strides = array<i32>} : memref<2x32x128xf32, #tpu.memory_space<vmem>>, vector<16xf32>,
        %add3A_260 = arith.constant 64 : i32
        %add3A_261 = vector.broadcast %add3A_260 : i32 to vector<16xi32>
        %add3A_262 = arith.addi %add3A_261, %iota3A : vector<16xi32>
        %add3A_263 = arith.addi %gather3A_207, %add3A_262 : vector<16xi32>
        %gather3A_264 = tpu.vector_load_idx %arg6[%add3A_263] : memref<115200xf32, #tpu.memory_space<vmem>>[vector<16xi32>], vector<16xf32>,
        %mul3A_265 = arith.constant 16 : i32
        %mul3A_266 = arith.muli %scan3A_89, %mul3A_265 : i32
        %add3A_267 = arith.constant 1 : i32
        %add3A_268 = arith.addi %mul3A_266, %add3A_267 : i32
        %swap3A_269 = arith.index_cast %rem3A_51 : i32 to index
        %swap3A_270 = arith.index_cast %add3A_268 : i32 to index
        %swap3A_271 = arith.constant 64 : index
        %swap3A_272 = tpu.vector_load %arg7[%swap3A_269, %swap3A_270, %swap3A_271] {strides = array<i32>} : memref<2x32x128xf32, #tpu.memory_space<vmem>>, vector<16xf32>,
        tpu.vector_store %arg7[%swap3A_269, %swap3A_270, %swap3A_271], %gather3A_264 {strides = array<i32>} : memref<2x32x128xf32, #tpu.memory_space<vmem>>, vector<16xf32>,
        %add3A_273 = arith.constant 80 : i32
        %add3A_274 = vector.broadcast %add3A_273 : i32 to vector<16xi32>
        %add3A_275 = arith.addi %add3A_274, %iota3A : vector<16xi32>
        %add3A_276 = arith.addi %gather3A_207, %add3A_275 : vector<16xi32>
        %gather3A_277 = tpu.vector_load_idx %arg6[%add3A_276] : memref<115200xf32, #tpu.memory_space<vmem>>[vector<16xi32>], vector<16xf32>,
        %mul3A_278 = arith.constant 16 : i32
        %mul3A_279 = arith.muli %scan3A_89, %mul3A_278 : i32
        %add3A_280 = arith.constant 1 : i32
        %add3A_281 = arith.addi %mul3A_279, %add3A_280 : i32
        %swap3A_282 = arith.index_cast %rem3A_51 : i32 to index
        %swap3A_283 = arith.index_cast %add3A_281 : i32 to index
        %swap3A_284 = arith.constant 80 : index
        %swap3A_285 = tpu.vector_load %arg7[%swap3A_282, %swap3A_283, %swap3A_284] {strides = array<i32>} : memref<2x32x128xf32, #tpu.memory_space<vmem>>, vector<16xf32>,
        tpu.vector_store %arg7[%swap3A_282, %swap3A_283, %swap3A_284], %gather3A_277 {strides = array<i32>} : memref<2x32x128xf32, #tpu.memory_space<vmem>>, vector<16xf32>,
        %add3A_286 = arith.constant 96 : i32
        %add3A_287 = vector.broadcast %add3A_286 : i32 to vector<16xi32>
        %add3A_288 = arith.addi %add3A_287, %iota3A : vector<16xi32>
        %add3A_289 = arith.addi %gather3A_207, %add3A_288 : vector<16xi32>
        %gather3A_290 = tpu.vector_load_idx %arg6[%add3A_289] : memref<115200xf32, #tpu.memory_space<vmem>>[vector<16xi32>], vector<16xf32>,
        %mul3A_291 = arith.constant 16 : i32
        %mul3A_292 = arith.muli %scan3A_89, %mul3A_291 : i32
        %add3A_293 = arith.constant 1 : i32
        %add3A_294 = arith.addi %mul3A_292, %add3A_293 : i32
        %swap3A_295 = arith.index_cast %rem3A_51 : i32 to index
        %swap3A_296 = arith.index_cast %add3A_294 : i32 to index
        %swap3A_297 = arith.constant 96 : index
        %swap3A_298 = tpu.vector_load %arg7[%swap3A_295, %swap3A_296, %swap3A_297] {strides = array<i32>} : memref<2x32x128xf32, #tpu.memory_space<vmem>>, vector<16xf32>,
        tpu.vector_store %arg7[%swap3A_295, %swap3A_296, %swap3A_297], %gather3A_290 {strides = array<i32>} : memref<2x32x128xf32, #tpu.memory_space<vmem>>, vector<16xf32>,
        %add3A_299 = arith.constant 112 : i32
        %add3A_300 = vector.broadcast %add3A_299 : i32 to vector<16xi32>
        %add3A_301 = arith.addi %add3A_300, %iota3A : vector<16xi32>
        %add3A_302 = arith.addi %gather3A_207, %add3A_301 : vector<16xi32>
        %gather3A_303 = tpu.vector_load_idx %arg6[%add3A_302] : memref<115200xf32, #tpu.memory_space<vmem>>[vector<16xi32>], vector<16xf32>,
        %mul3A_304 = arith.constant 16 : i32
        %mul3A_305 = arith.muli %scan3A_89, %mul3A_304 : i32
        %add3A_306 = arith.constant 1 : i32
        %add3A_307 = arith.addi %mul3A_305, %add3A_306 : i32
        %swap3A_308 = arith.index_cast %rem3A_51 : i32 to index
        %swap3A_309 = arith.index_cast %add3A_307 : i32 to index
        %swap3A_310 = arith.constant 112 : index
        %swap3A_311 = tpu.vector_load %arg7[%swap3A_308, %swap3A_309, %swap3A_310] {strides = array<i32>} : memref<2x32x128xf32, #tpu.memory_space<vmem>>, vector<16xf32>,
        tpu.vector_store %arg7[%swap3A_308, %swap3A_309, %swap3A_310], %gather3A_303 {strides = array<i32>} : memref<2x32x128xf32, #tpu.memory_space<vmem>>, vector<16xf32>,
        %broadcast_in_dim3A_312 = arith.constant 2 : i32
        %broadcast_in_dim3A_313 = vector.broadcast %broadcast_in_dim3A_312 : i32 to vector<16x1xi32>
        %gather3A_314 = vector.shape_cast %broadcast_in_dim3A_313 : vector<16x1xi32> to vector<16xi32>
        %gather3A_315 = tpu.dynamic_gather %mul3A_98[%gather3A_314] in [0] : vector<16xi32>, vector<16xi32> -> vector<16xi32>
        %add3A_316 = arith.constant 0 : i32
        %add3A_317 = vector.broadcast %add3A_316 : i32 to vector<16xi32>
        %add3A_318 = arith.addi %add3A_317, %iota3A : vector<16xi32>
        %add3A_319 = arith.addi %gather3A_315, %add3A_318 : vector<16xi32>
        %gather3A_320 = tpu.vector_load_idx %arg6[%add3A_319] : memref<115200xf32, #tpu.memory_space<vmem>>[vector<16xi32>], vector<16xf32>,
        %mul3A_321 = arith.constant 16 : i32
        %mul3A_322 = arith.muli %scan3A_89, %mul3A_321 : i32
        %add3A_323 = arith.constant 2 : i32
        %add3A_324 = arith.addi %mul3A_322, %add3A_323 : i32
        %swap3A_325 = arith.index_cast %rem3A_51 : i32 to index
        %swap3A_326 = arith.index_cast %add3A_324 : i32 to index
        %swap3A_327 = arith.constant 0 : index
        %swap3A_328 = tpu.vector_load %arg7[%swap3A_325, %swap3A_326, %swap3A_327] {strides = array<i32>} : memref<2x32x128xf32, #tpu.memory_space<vmem>>, vector<16xf32>,
        tpu.vector_store %arg7[%swap3A_325, %swap3A_326, %swap3A_327], %gather3A_320 {strides = array<i32>} : memref<2x32x128xf32, #tpu.memory_space<vmem>>, vector<16xf32>,
        %add3A_329 = arith.constant 16 : i32
        %add3A_330 = vector.broadcast %add3A_329 : i32 to vector<16xi32>
        %add3A_331 = arith.addi %add3A_330, %iota3A : vector<16xi32>
        %add3A_332 = arith.addi %gather3A_315, %add3A_331 : vector<16xi32>
        %gather3A_333 = tpu.vector_load_idx %arg6[%add3A_332] : memref<115200xf32, #tpu.memory_space<vmem>>[vector<16xi32>], vector<16xf32>,
        %mul3A_334 = arith.constant 16 : i32
        %mul3A_335 = arith.muli %scan3A_89, %mul3A_334 : i32
        %add3A_336 = arith.constant 2 : i32
        %add3A_337 = arith.addi %mul3A_335, %add3A_336 : i32
        %swap3A_338 = arith.index_cast %rem3A_51 : i32 to index
        %swap3A_339 = arith.index_cast %add3A_337 : i32 to index
        %swap3A_340 = arith.constant 16 : index
        %swap3A_341 = tpu.vector_load %arg7[%swap3A_338, %swap3A_339, %swap3A_340] {strides = array<i32>} : memref<2x32x128xf32, #tpu.memory_space<vmem>>, vector<16xf32>,
        tpu.vector_store %arg7[%swap3A_338, %swap3A_339, %swap3A_340], %gather3A_333 {strides = array<i32>} : memref<2x32x128xf32, #tpu.memory_space<vmem>>, vector<16xf32>,
        %add3A_342 = arith.constant 32 : i32
        %add3A_343 = vector.broadcast %add3A_342 : i32 to vector<16xi32>
        %add3A_344 = arith.addi %add3A_343, %iota3A : vector<16xi32>
        %add3A_345 = arith.addi %gather3A_315, %add3A_344 : vector<16xi32>
        %gather3A_346 = tpu.vector_load_idx %arg6[%add3A_345] : memref<115200xf32, #tpu.memory_space<vmem>>[vector<16xi32>], vector<16xf32>,
        %mul3A_347 = arith.constant 16 : i32
        %mul3A_348 = arith.muli %scan3A_89, %mul3A_347 : i32
        %add3A_349 = arith.constant 2 : i32
        %add3A_350 = arith.addi %mul3A_348, %add3A_349 : i32
        %swap3A_351 = arith.index_cast %rem3A_51 : i32 to index
        %swap3A_352 = arith.index_cast %add3A_350 : i32 to index
        %swap3A_353 = arith.constant 32 : index
        %swap3A_354 = tpu.vector_load %arg7[%swap3A_351, %swap3A_352, %swap3A_353] {strides = array<i32>} : memref<2x32x128xf32, #tpu.memory_space<vmem>>, vector<16xf32>,
        tpu.vector_store %arg7[%swap3A_351, %swap3A_352, %swap3A_353], %gather3A_346 {strides = array<i32>} : memref<2x32x128xf32, #tpu.memory_space<vmem>>, vector<16xf32>,
        %add3A_355 = arith.constant 48 : i32
        %add3A_356 = vector.broadcast %add3A_355 : i32 to vector<16xi32>
        %add3A_357 = arith.addi %add3A_356, %iota3A : vector<16xi32>
        %add3A_358 = arith.addi %gather3A_315, %add3A_357 : vector<16xi32>
        %gather3A_359 = tpu.vector_load_idx %arg6[%add3A_358] : memref<115200xf32, #tpu.memory_space<vmem>>[vector<16xi32>], vector<16xf32>,
        %mul3A_360 = arith.constant 16 : i32
        %mul3A_361 = arith.muli %scan3A_89, %mul3A_360 : i32
        %add3A_362 = arith.constant 2 : i32
        %add3A_363 = arith.addi %mul3A_361, %add3A_362 : i32
        %swap3A_364 = arith.index_cast %rem3A_51 : i32 to index
        %swap3A_365 = arith.index_cast %add3A_363 : i32 to index
        %swap3A_366 = arith.constant 48 : index
        %swap3A_367 = tpu.vector_load %arg7[%swap3A_364, %swap3A_365, %swap3A_366] {strides = array<i32>} : memref<2x32x128xf32, #tpu.memory_space<vmem>>, vector<16xf32>,
        tpu.vector_store %arg7[%swap3A_364, %swap3A_365, %swap3A_366], %gather3A_359 {strides = array<i32>} : memref<2x32x128xf32, #tpu.memory_space<vmem>>, vector<16xf32>,
        %add3A_368 = arith.constant 64 : i32
        %add3A_369 = vector.broadcast %add3A_368 : i32 to vector<16xi32>
        %add3A_370 = arith.addi %add3A_369, %iota3A : vector<16xi32>
        %add3A_371 = arith.addi %gather3A_315, %add3A_370 : vector<16xi32>
        %gather3A_372 = tpu.vector_load_idx %arg6[%add3A_371] : memref<115200xf32, #tpu.memory_space<vmem>>[vector<16xi32>], vector<16xf32>,
        %mul3A_373 = arith.constant 16 : i32
        %mul3A_374 = arith.muli %scan3A_89, %mul3A_373 : i32
        %add3A_375 = arith.constant 2 : i32
        %add3A_376 = arith.addi %mul3A_374, %add3A_375 : i32
        %swap3A_377 = arith.index_cast %rem3A_51 : i32 to index
        %swap3A_378 = arith.index_cast %add3A_376 : i32 to index
        %swap3A_379 = arith.constant 64 : index
        %swap3A_380 = tpu.vector_load %arg7[%swap3A_377, %swap3A_378, %swap3A_379] {strides = array<i32>} : memref<2x32x128xf32, #tpu.memory_space<vmem>>, vector<16xf32>,
        tpu.vector_store %arg7[%swap3A_377, %swap3A_378, %swap3A_379], %gather3A_372 {strides = array<i32>} : memref<2x32x128xf32, #tpu.memory_space<vmem>>, vector<16xf32>,
        %add3A_381 = arith.constant 80 : i32
        %add3A_382 = vector.broadcast %add3A_381 : i32 to vector<16xi32>
        %add3A_383 = arith.addi %add3A_382, %iota3A : vector<16xi32>
        %add3A_384 = arith.addi %gather3A_315, %add3A_383 : vector<16xi32>
        %gather3A_385 = tpu.vector_load_idx %arg6[%add3A_384] : memref<115200xf32, #tpu.memory_space<vmem>>[vector<16xi32>], vector<16xf32>,
        %mul3A_386 = arith.constant 16 : i32
        %mul3A_387 = arith.muli %scan3A_89, %mul3A_386 : i32
        %add3A_388 = arith.constant 2 : i32
        %add3A_389 = arith.addi %mul3A_387, %add3A_388 : i32
        %swap3A_390 = arith.index_cast %rem3A_51 : i32 to index
        %swap3A_391 = arith.index_cast %add3A_389 : i32 to index
        %swap3A_392 = arith.constant 80 : index
        %swap3A_393 = tpu.vector_load %arg7[%swap3A_390, %swap3A_391, %swap3A_392] {strides = array<i32>} : memref<2x32x128xf32, #tpu.memory_space<vmem>>, vector<16xf32>,
        tpu.vector_store %arg7[%swap3A_390, %swap3A_391, %swap3A_392], %gather3A_385 {strides = array<i32>} : memref<2x32x128xf32, #tpu.memory_space<vmem>>, vector<16xf32>,
        %add3A_394 = arith.constant 96 : i32
        %add3A_395 = vector.broadcast %add3A_394 : i32 to vector<16xi32>
        %add3A_396 = arith.addi %add3A_395, %iota3A : vector<16xi32>
        %add3A_397 = arith.addi %gather3A_315, %add3A_396 : vector<16xi32>
        %gather3A_398 = tpu.vector_load_idx %arg6[%add3A_397] : memref<115200xf32, #tpu.memory_space<vmem>>[vector<16xi32>], vector<16xf32>,
        %mul3A_399 = arith.constant 16 : i32
        %mul3A_400 = arith.muli %scan3A_89, %mul3A_399 : i32
        %add3A_401 = arith.constant 2 : i32
        %add3A_402 = arith.addi %mul3A_400, %add3A_401 : i32
        %swap3A_403 = arith.index_cast %rem3A_51 : i32 to index
        %swap3A_404 = arith.index_cast %add3A_402 : i32 to index
        %swap3A_405 = arith.constant 96 : index
        %swap3A_406 = tpu.vector_load %arg7[%swap3A_403, %swap3A_404, %swap3A_405] {strides = array<i32>} : memref<2x32x128xf32, #tpu.memory_space<vmem>>, vector<16xf32>,
        tpu.vector_store %arg7[%swap3A_403, %swap3A_404, %swap3A_405], %gather3A_398 {strides = array<i32>} : memref<2x32x128xf32, #tpu.memory_space<vmem>>, vector<16xf32>,
        %add3A_407 = arith.constant 112 : i32
        %add3A_408 = vector.broadcast %add3A_407 : i32 to vector<16xi32>
        %add3A_409 = arith.addi %add3A_408, %iota3A : vector<16xi32>
        %add3A_410 = arith.addi %gather3A_315, %add3A_409 : vector<16xi32>
        %gather3A_411 = tpu.vector_load_idx %arg6[%add3A_410] : memref<115200xf32, #tpu.memory_space<vmem>>[vector<16xi32>], vector<16xf32>,
        %mul3A_412 = arith.constant 16 : i32
        %mul3A_413 = arith.muli %scan3A_89, %mul3A_412 : i32
        %add3A_414 = arith.constant 2 : i32
        %add3A_415 = arith.addi %mul3A_413, %add3A_414 : i32
        %swap3A_416 = arith.index_cast %rem3A_51 : i32 to index
        %swap3A_417 = arith.index_cast %add3A_415 : i32 to index
        %swap3A_418 = arith.constant 112 : index
        %swap3A_419 = tpu.vector_load %arg7[%swap3A_416, %swap3A_417, %swap3A_418] {strides = array<i32>} : memref<2x32x128xf32, #tpu.memory_space<vmem>>, vector<16xf32>,
        tpu.vector_store %arg7[%swap3A_416, %swap3A_417, %swap3A_418], %gather3A_411 {strides = array<i32>} : memref<2x32x128xf32, #tpu.memory_space<vmem>>, vector<16xf32>,
        %broadcast_in_dim3A_420 = arith.constant 3 : i32
        %broadcast_in_dim3A_421 = vector.broadcast %broadcast_in_dim3A_420 : i32 to vector<16x1xi32>
        %gather3A_422 = vector.shape_cast %broadcast_in_dim3A_421 : vector<16x1xi32> to vector<16xi32>
        %gather3A_423 = tpu.dynamic_gather %mul3A_98[%gather3A_422] in [0] : vector<16xi32>, vector<16xi32> -> vector<16xi32>
        %add3A_424 = arith.constant 0 : i32
        %add3A_425 = vector.broadcast %add3A_424 : i32 to vector<16xi32>
        %add3A_426 = arith.addi %add3A_425, %iota3A : vector<16xi32>
        %add3A_427 = arith.addi %gather3A_423, %add3A_426 : vector<16xi32>
        %gather3A_428 = tpu.vector_load_idx %arg6[%add3A_427] : memref<115200xf32, #tpu.memory_space<vmem>>[vector<16xi32>], vector<16xf32>,
        %mul3A_429 = arith.constant 16 : i32
        %mul3A_430 = arith.muli %scan3A_89, %mul3A_429 : i32
        %add3A_431 = arith.constant 3 : i32
        %add3A_432 = arith.addi %mul3A_430, %add3A_431 : i32
        %swap3A_433 = arith.index_cast %rem3A_51 : i32 to index
        %swap3A_434 = arith.index_cast %add3A_432 : i32 to index
        %swap3A_435 = arith.constant 0 : index
        %swap3A_436 = tpu.vector_load %arg7[%swap3A_433, %swap3A_434, %swap3A_435] {strides = array<i32>} : memref<2x32x128xf32, #tpu.memory_space<vmem>>, vector<16xf32>,
        tpu.vector_store %arg7[%swap3A_433, %swap3A_434, %swap3A_435], %gather3A_428 {strides = array<i32>} : memref<2x32x128xf32, #tpu.memory_space<vmem>>, vector<16xf32>,
        %add3A_437 = arith.constant 16 : i32
        %add3A_438 = vector.broadcast %add3A_437 : i32 to vector<16xi32>
        %add3A_439 = arith.addi %add3A_438, %iota3A : vector<16xi32>
        %add3A_440 = arith.addi %gather3A_423, %add3A_439 : vector<16xi32>
        %gather3A_441 = tpu.vector_load_idx %arg6[%add3A_440] : memref<115200xf32, #tpu.memory_space<vmem>>[vector<16xi32>], vector<16xf32>,
        %mul3A_442 = arith.constant 16 : i32
        %mul3A_443 = arith.muli %scan3A_89, %mul3A_442 : i32
        %add3A_444 = arith.constant 3 : i32
        %add3A_445 = arith.addi %mul3A_443, %add3A_444 : i32
        %swap3A_446 = arith.index_cast %rem3A_51 : i32 to index
        %swap3A_447 = arith.index_cast %add3A_445 : i32 to index
        %swap3A_448 = arith.constant 16 : index
        %swap3A_449 = tpu.vector_load %arg7[%swap3A_446, %swap3A_447, %swap3A_448] {strides = array<i32>} : memref<2x32x128xf32, #tpu.memory_space<vmem>>, vector<16xf32>,
        tpu.vector_store %arg7[%swap3A_446, %swap3A_447, %swap3A_448], %gather3A_441 {strides = array<i32>} : memref<2x32x128xf32, #tpu.memory_space<vmem>>, vector<16xf32>,
        %add3A_450 = arith.constant 32 : i32
        %add3A_451 = vector.broadcast %add3A_450 : i32 to vector<16xi32>
        %add3A_452 = arith.addi %add3A_451, %iota3A : vector<16xi32>
        %add3A_453 = arith.addi %gather3A_423, %add3A_452 : vector<16xi32>
        %gather3A_454 = tpu.vector_load_idx %arg6[%add3A_453] : memref<115200xf32, #tpu.memory_space<vmem>>[vector<16xi32>], vector<16xf32>,
        %mul3A_455 = arith.constant 16 : i32
        %mul3A_456 = arith.muli %scan3A_89, %mul3A_455 : i32
        %add3A_457 = arith.constant 3 : i32
        %add3A_458 = arith.addi %mul3A_456, %add3A_457 : i32
        %swap3A_459 = arith.index_cast %rem3A_51 : i32 to index
        %swap3A_460 = arith.index_cast %add3A_458 : i32 to index
        %swap3A_461 = arith.constant 32 : index
        %swap3A_462 = tpu.vector_load %arg7[%swap3A_459, %swap3A_460, %swap3A_461] {strides = array<i32>} : memref<2x32x128xf32, #tpu.memory_space<vmem>>, vector<16xf32>,
        tpu.vector_store %arg7[%swap3A_459, %swap3A_460, %swap3A_461], %gather3A_454 {strides = array<i32>} : memref<2x32x128xf32, #tpu.memory_space<vmem>>, vector<16xf32>,
        %add3A_463 = arith.constant 48 : i32
        %add3A_464 = vector.broadcast %add3A_463 : i32 to vector<16xi32>
        %add3A_465 = arith.addi %add3A_464, %iota3A : vector<16xi32>
        %add3A_466 = arith.addi %gather3A_423, %add3A_465 : vector<16xi32>
        %gather3A_467 = tpu.vector_load_idx %arg6[%add3A_466] : memref<115200xf32, #tpu.memory_space<vmem>>[vector<16xi32>], vector<16xf32>,
        %mul3A_468 = arith.constant 16 : i32
        %mul3A_469 = arith.muli %scan3A_89, %mul3A_468 : i32
        %add3A_470 = arith.constant 3 : i32
        %add3A_471 = arith.addi %mul3A_469, %add3A_470 : i32
        %swap3A_472 = arith.index_cast %rem3A_51 : i32 to index
        %swap3A_473 = arith.index_cast %add3A_471 : i32 to index
        %swap3A_474 = arith.constant 48 : index
        %swap3A_475 = tpu.vector_load %arg7[%swap3A_472, %swap3A_473, %swap3A_474] {strides = array<i32>} : memref<2x32x128xf32, #tpu.memory_space<vmem>>, vector<16xf32>,
        tpu.vector_store %arg7[%swap3A_472, %swap3A_473, %swap3A_474], %gather3A_467 {strides = array<i32>} : memref<2x32x128xf32, #tpu.memory_space<vmem>>, vector<16xf32>,
        %add3A_476 = arith.constant 64 : i32
        %add3A_477 = vector.broadcast %add3A_476 : i32 to vector<16xi32>
        %add3A_478 = arith.addi %add3A_477, %iota3A : vector<16xi32>
        %add3A_479 = arith.addi %gather3A_423, %add3A_478 : vector<16xi32>
        %gather3A_480 = tpu.vector_load_idx %arg6[%add3A_479] : memref<115200xf32, #tpu.memory_space<vmem>>[vector<16xi32>], vector<16xf32>,
        %mul3A_481 = arith.constant 16 : i32
        %mul3A_482 = arith.muli %scan3A_89, %mul3A_481 : i32
        %add3A_483 = arith.constant 3 : i32
        %add3A_484 = arith.addi %mul3A_482, %add3A_483 : i32
        %swap3A_485 = arith.index_cast %rem3A_51 : i32 to index
        %swap3A_486 = arith.index_cast %add3A_484 : i32 to index
        %swap3A_487 = arith.constant 64 : index
        %swap3A_488 = tpu.vector_load %arg7[%swap3A_485, %swap3A_486, %swap3A_487] {strides = array<i32>} : memref<2x32x128xf32, #tpu.memory_space<vmem>>, vector<16xf32>,
        tpu.vector_store %arg7[%swap3A_485, %swap3A_486, %swap3A_487], %gather3A_480 {strides = array<i32>} : memref<2x32x128xf32, #tpu.memory_space<vmem>>, vector<16xf32>,
        %add3A_489 = arith.constant 80 : i32
        %add3A_490 = vector.broadcast %add3A_489 : i32 to vector<16xi32>
        %add3A_491 = arith.addi %add3A_490, %iota3A : vector<16xi32>
        %add3A_492 = arith.addi %gather3A_423, %add3A_491 : vector<16xi32>
        %gather3A_493 = tpu.vector_load_idx %arg6[%add3A_492] : memref<115200xf32, #tpu.memory_space<vmem>>[vector<16xi32>], vector<16xf32>,
        %mul3A_494 = arith.constant 16 : i32
        %mul3A_495 = arith.muli %scan3A_89, %mul3A_494 : i32
        %add3A_496 = arith.constant 3 : i32
        %add3A_497 = arith.addi %mul3A_495, %add3A_496 : i32
        %swap3A_498 = arith.index_cast %rem3A_51 : i32 to index
        %swap3A_499 = arith.index_cast %add3A_497 : i32 to index
        %swap3A_500 = arith.constant 80 : index
        %swap3A_501 = tpu.vector_load %arg7[%swap3A_498, %swap3A_499, %swap3A_500] {strides = array<i32>} : memref<2x32x128xf32, #tpu.memory_space<vmem>>, vector<16xf32>,
        tpu.vector_store %arg7[%swap3A_498, %swap3A_499, %swap3A_500], %gather3A_493 {strides = array<i32>} : memref<2x32x128xf32, #tpu.memory_space<vmem>>, vector<16xf32>,
        %add3A_502 = arith.constant 96 : i32
        %add3A_503 = vector.broadcast %add3A_502 : i32 to vector<16xi32>
        %add3A_504 = arith.addi %add3A_503, %iota3A : vector<16xi32>
        %add3A_505 = arith.addi %gather3A_423, %add3A_504 : vector<16xi32>
        %gather3A_506 = tpu.vector_load_idx %arg6[%add3A_505] : memref<115200xf32, #tpu.memory_space<vmem>>[vector<16xi32>], vector<16xf32>,
        %mul3A_507 = arith.constant 16 : i32
        %mul3A_508 = arith.muli %scan3A_89, %mul3A_507 : i32
        %add3A_509 = arith.constant 3 : i32
        %add3A_510 = arith.addi %mul3A_508, %add3A_509 : i32
        %swap3A_511 = arith.index_cast %rem3A_51 : i32 to index
        %swap3A_512 = arith.index_cast %add3A_510 : i32 to index
        %swap3A_513 = arith.constant 96 : index
        %swap3A_514 = tpu.vector_load %arg7[%swap3A_511, %swap3A_512, %swap3A_513] {strides = array<i32>} : memref<2x32x128xf32, #tpu.memory_space<vmem>>, vector<16xf32>,
        tpu.vector_store %arg7[%swap3A_511, %swap3A_512, %swap3A_513], %gather3A_506 {strides = array<i32>} : memref<2x32x128xf32, #tpu.memory_space<vmem>>, vector<16xf32>,
        %add3A_515 = arith.constant 112 : i32
        %add3A_516 = vector.broadcast %add3A_515 : i32 to vector<16xi32>
        %add3A_517 = arith.addi %add3A_516, %iota3A : vector<16xi32>
        %add3A_518 = arith.addi %gather3A_423, %add3A_517 : vector<16xi32>
        %gather3A_519 = tpu.vector_load_idx %arg6[%add3A_518] : memref<115200xf32, #tpu.memory_space<vmem>>[vector<16xi32>], vector<16xf32>,
        %mul3A_520 = arith.constant 16 : i32
        %mul3A_521 = arith.muli %scan3A_89, %mul3A_520 : i32
        %add3A_522 = arith.constant 3 : i32
        %add3A_523 = arith.addi %mul3A_521, %add3A_522 : i32
        %swap3A_524 = arith.index_cast %rem3A_51 : i32 to index
        %swap3A_525 = arith.index_cast %add3A_523 : i32 to index
        %swap3A_526 = arith.constant 112 : index
        %swap3A_527 = tpu.vector_load %arg7[%swap3A_524, %swap3A_525, %swap3A_526] {strides = array<i32>} : memref<2x32x128xf32, #tpu.memory_space<vmem>>, vector<16xf32>,
        tpu.vector_store %arg7[%swap3A_524, %swap3A_525, %swap3A_526], %gather3A_519 {strides = array<i32>} : memref<2x32x128xf32, #tpu.memory_space<vmem>>, vector<16xf32>,
        %broadcast_in_dim3A_528 = arith.constant 4 : i32
        %broadcast_in_dim3A_529 = vector.broadcast %broadcast_in_dim3A_528 : i32 to vector<16x1xi32>
        %gather3A_530 = vector.shape_cast %broadcast_in_dim3A_529 : vector<16x1xi32> to vector<16xi32>
        %gather3A_531 = tpu.dynamic_gather %mul3A_98[%gather3A_530] in [0] : vector<16xi32>, vector<16xi32> -> vector<16xi32>
        %add3A_532 = arith.constant 0 : i32
        %add3A_533 = vector.broadcast %add3A_532 : i32 to vector<16xi32>
        %add3A_534 = arith.addi %add3A_533, %iota3A : vector<16xi32>
        %add3A_535 = arith.addi %gather3A_531, %add3A_534 : vector<16xi32>
        %gather3A_536 = tpu.vector_load_idx %arg6[%add3A_535] : memref<115200xf32, #tpu.memory_space<vmem>>[vector<16xi32>], vector<16xf32>,
        %mul3A_537 = arith.constant 16 : i32
        %mul3A_538 = arith.muli %scan3A_89, %mul3A_537 : i32
        %add3A_539 = arith.constant 4 : i32
        %add3A_540 = arith.addi %mul3A_538, %add3A_539 : i32
        %swap3A_541 = arith.index_cast %rem3A_51 : i32 to index
        %swap3A_542 = arith.index_cast %add3A_540 : i32 to index
        %swap3A_543 = arith.constant 0 : index
        %swap3A_544 = tpu.vector_load %arg7[%swap3A_541, %swap3A_542, %swap3A_543] {strides = array<i32>} : memref<2x32x128xf32, #tpu.memory_space<vmem>>, vector<16xf32>,
        tpu.vector_store %arg7[%swap3A_541, %swap3A_542, %swap3A_543], %gather3A_536 {strides = array<i32>} : memref<2x32x128xf32, #tpu.memory_space<vmem>>, vector<16xf32>,
        %add3A_545 = arith.constant 16 : i32
        %add3A_546 = vector.broadcast %add3A_545 : i32 to vector<16xi32>
        %add3A_547 = arith.addi %add3A_546, %iota3A : vector<16xi32>
        %add3A_548 = arith.addi %gather3A_531, %add3A_547 : vector<16xi32>
        %gather3A_549 = tpu.vector_load_idx %arg6[%add3A_548] : memref<115200xf32, #tpu.memory_space<vmem>>[vector<16xi32>], vector<16xf32>,
        %mul3A_550 = arith.constant 16 : i32
        %mul3A_551 = arith.muli %scan3A_89, %mul3A_550 : i32
        %add3A_552 = arith.constant 4 : i32
        %add3A_553 = arith.addi %mul3A_551, %add3A_552 : i32
        %swap3A_554 = arith.index_cast %rem3A_51 : i32 to index
        %swap3A_555 = arith.index_cast %add3A_553 : i32 to index
        %swap3A_556 = arith.constant 16 : index
        %swap3A_557 = tpu.vector_load %arg7[%swap3A_554, %swap3A_555, %swap3A_556] {strides = array<i32>} : memref<2x32x128xf32, #tpu.memory_space<vmem>>, vector<16xf32>,
        tpu.vector_store %arg7[%swap3A_554, %swap3A_555, %swap3A_556], %gather3A_549 {strides = array<i32>} : memref<2x32x128xf32, #tpu.memory_space<vmem>>, vector<16xf32>,
        %add3A_558 = arith.constant 32 : i32
        %add3A_559 = vector.broadcast %add3A_558 : i32 to vector<16xi32>
        %add3A_560 = arith.addi %add3A_559, %iota3A : vector<16xi32>
        %add3A_561 = arith.addi %gather3A_531, %add3A_560 : vector<16xi32>
        %gather3A_562 = tpu.vector_load_idx %arg6[%add3A_561] : memref<115200xf32, #tpu.memory_space<vmem>>[vector<16xi32>], vector<16xf32>,
        %mul3A_563 = arith.constant 16 : i32
        %mul3A_564 = arith.muli %scan3A_89, %mul3A_563 : i32
        %add3A_565 = arith.constant 4 : i32
        %add3A_566 = arith.addi %mul3A_564, %add3A_565 : i32
        %swap3A_567 = arith.index_cast %rem3A_51 : i32 to index
        %swap3A_568 = arith.index_cast %add3A_566 : i32 to index
        %swap3A_569 = arith.constant 32 : index
        %swap3A_570 = tpu.vector_load %arg7[%swap3A_567, %swap3A_568, %swap3A_569] {strides = array<i32>} : memref<2x32x128xf32, #tpu.memory_space<vmem>>, vector<16xf32>,
        tpu.vector_store %arg7[%swap3A_567, %swap3A_568, %swap3A_569], %gather3A_562 {strides = array<i32>} : memref<2x32x128xf32, #tpu.memory_space<vmem>>, vector<16xf32>,
        %add3A_571 = arith.constant 48 : i32
        %add3A_572 = vector.broadcast %add3A_571 : i32 to vector<16xi32>
        %add3A_573 = arith.addi %add3A_572, %iota3A : vector<16xi32>
        %add3A_574 = arith.addi %gather3A_531, %add3A_573 : vector<16xi32>
        %gather3A_575 = tpu.vector_load_idx %arg6[%add3A_574] : memref<115200xf32, #tpu.memory_space<vmem>>[vector<16xi32>], vector<16xf32>,
        %mul3A_576 = arith.constant 16 : i32
        %mul3A_577 = arith.muli %scan3A_89, %mul3A_576 : i32
        %add3A_578 = arith.constant 4 : i32
        %add3A_579 = arith.addi %mul3A_577, %add3A_578 : i32
        %swap3A_580 = arith.index_cast %rem3A_51 : i32 to index
        %swap3A_581 = arith.index_cast %add3A_579 : i32 to index
        %swap3A_582 = arith.constant 48 : index
        %swap3A_583 = tpu.vector_load %arg7[%swap3A_580, %swap3A_581, %swap3A_582] {strides = array<i32>} : memref<2x32x128xf32, #tpu.memory_space<vmem>>, vector<16xf32>,
        tpu.vector_store %arg7[%swap3A_580, %swap3A_581, %swap3A_582], %gather3A_575 {strides = array<i32>} : memref<2x32x128xf32, #tpu.memory_space<vmem>>, vector<16xf32>,
        %add3A_584 = arith.constant 64 : i32
        %add3A_585 = vector.broadcast %add3A_584 : i32 to vector<16xi32>
        %add3A_586 = arith.addi %add3A_585, %iota3A : vector<16xi32>
        %add3A_587 = arith.addi %gather3A_531, %add3A_586 : vector<16xi32>
        %gather3A_588 = tpu.vector_load_idx %arg6[%add3A_587] : memref<115200xf32, #tpu.memory_space<vmem>>[vector<16xi32>], vector<16xf32>,
        %mul3A_589 = arith.constant 16 : i32
        %mul3A_590 = arith.muli %scan3A_89, %mul3A_589 : i32
        %add3A_591 = arith.constant 4 : i32
        %add3A_592 = arith.addi %mul3A_590, %add3A_591 : i32
        %swap3A_593 = arith.index_cast %rem3A_51 : i32 to index
        %swap3A_594 = arith.index_cast %add3A_592 : i32 to index
        %swap3A_595 = arith.constant 64 : index
        %swap3A_596 = tpu.vector_load %arg7[%swap3A_593, %swap3A_594, %swap3A_595] {strides = array<i32>} : memref<2x32x128xf32, #tpu.memory_space<vmem>>, vector<16xf32>,
        tpu.vector_store %arg7[%swap3A_593, %swap3A_594, %swap3A_595], %gather3A_588 {strides = array<i32>} : memref<2x32x128xf32, #tpu.memory_space<vmem>>, vector<16xf32>,
        %add3A_597 = arith.constant 80 : i32
        %add3A_598 = vector.broadcast %add3A_597 : i32 to vector<16xi32>
        %add3A_599 = arith.addi %add3A_598, %iota3A : vector<16xi32>
        %add3A_600 = arith.addi %gather3A_531, %add3A_599 : vector<16xi32>
        %gather3A_601 = tpu.vector_load_idx %arg6[%add3A_600] : memref<115200xf32, #tpu.memory_space<vmem>>[vector<16xi32>], vector<16xf32>,
        %mul3A_602 = arith.constant 16 : i32
        %mul3A_603 = arith.muli %scan3A_89, %mul3A_602 : i32
        %add3A_604 = arith.constant 4 : i32
        %add3A_605 = arith.addi %mul3A_603, %add3A_604 : i32
        %swap3A_606 = arith.index_cast %rem3A_51 : i32 to index
        %swap3A_607 = arith.index_cast %add3A_605 : i32 to index
        %swap3A_608 = arith.constant 80 : index
        %swap3A_609 = tpu.vector_load %arg7[%swap3A_606, %swap3A_607, %swap3A_608] {strides = array<i32>} : memref<2x32x128xf32, #tpu.memory_space<vmem>>, vector<16xf32>,
        tpu.vector_store %arg7[%swap3A_606, %swap3A_607, %swap3A_608], %gather3A_601 {strides = array<i32>} : memref<2x32x128xf32, #tpu.memory_space<vmem>>, vector<16xf32>,
        %add3A_610 = arith.constant 96 : i32
        %add3A_611 = vector.broadcast %add3A_610 : i32 to vector<16xi32>
        %add3A_612 = arith.addi %add3A_611, %iota3A : vector<16xi32>
        %add3A_613 = arith.addi %gather3A_531, %add3A_612 : vector<16xi32>
        %gather3A_614 = tpu.vector_load_idx %arg6[%add3A_613] : memref<115200xf32, #tpu.memory_space<vmem>>[vector<16xi32>], vector<16xf32>,
        %mul3A_615 = arith.constant 16 : i32
        %mul3A_616 = arith.muli %scan3A_89, %mul3A_615 : i32
        %add3A_617 = arith.constant 4 : i32
        %add3A_618 = arith.addi %mul3A_616, %add3A_617 : i32
        %swap3A_619 = arith.index_cast %rem3A_51 : i32 to index
        %swap3A_620 = arith.index_cast %add3A_618 : i32 to index
        %swap3A_621 = arith.constant 96 : index
        %swap3A_622 = tpu.vector_load %arg7[%swap3A_619, %swap3A_620, %swap3A_621] {strides = array<i32>} : memref<2x32x128xf32, #tpu.memory_space<vmem>>, vector<16xf32>,
        tpu.vector_store %arg7[%swap3A_619, %swap3A_620, %swap3A_621], %gather3A_614 {strides = array<i32>} : memref<2x32x128xf32, #tpu.memory_space<vmem>>, vector<16xf32>,
        %add3A_623 = arith.constant 112 : i32
        %add3A_624 = vector.broadcast %add3A_623 : i32 to vector<16xi32>
        %add3A_625 = arith.addi %add3A_624, %iota3A : vector<16xi32>
        %add3A_626 = arith.addi %gather3A_531, %add3A_625 : vector<16xi32>
        %gather3A_627 = tpu.vector_load_idx %arg6[%add3A_626] : memref<115200xf32, #tpu.memory_space<vmem>>[vector<16xi32>], vector<16xf32>,
        %mul3A_628 = arith.constant 16 : i32
        %mul3A_629 = arith.muli %scan3A_89, %mul3A_628 : i32
        %add3A_630 = arith.constant 4 : i32
        %add3A_631 = arith.addi %mul3A_629, %add3A_630 : i32
        %swap3A_632 = arith.index_cast %rem3A_51 : i32 to index
        %swap3A_633 = arith.index_cast %add3A_631 : i32 to index
        %swap3A_634 = arith.constant 112 : index
        %swap3A_635 = tpu.vector_load %arg7[%swap3A_632, %swap3A_633, %swap3A_634] {strides = array<i32>} : memref<2x32x128xf32, #tpu.memory_space<vmem>>, vector<16xf32>,
        tpu.vector_store %arg7[%swap3A_632, %swap3A_633, %swap3A_634], %gather3A_627 {strides = array<i32>} : memref<2x32x128xf32, #tpu.memory_space<vmem>>, vector<16xf32>,
        %broadcast_in_dim3A_636 = arith.constant 5 : i32
        %broadcast_in_dim3A_637 = vector.broadcast %broadcast_in_dim3A_636 : i32 to vector<16x1xi32>
        %gather3A_638 = vector.shape_cast %broadcast_in_dim3A_637 : vector<16x1xi32> to vector<16xi32>
        %gather3A_639 = tpu.dynamic_gather %mul3A_98[%gather3A_638] in [0] : vector<16xi32>, vector<16xi32> -> vector<16xi32>
        %add3A_640 = arith.constant 0 : i32
        %add3A_641 = vector.broadcast %add3A_640 : i32 to vector<16xi32>
        %add3A_642 = arith.addi %add3A_641, %iota3A : vector<16xi32>
        %add3A_643 = arith.addi %gather3A_639, %add3A_642 : vector<16xi32>
        %gather3A_644 = tpu.vector_load_idx %arg6[%add3A_643] : memref<115200xf32, #tpu.memory_space<vmem>>[vector<16xi32>], vector<16xf32>,
        %mul3A_645 = arith.constant 16 : i32
        %mul3A_646 = arith.muli %scan3A_89, %mul3A_645 : i32
        %add3A_647 = arith.constant 5 : i32
        %add3A_648 = arith.addi %mul3A_646, %add3A_647 : i32
        %swap3A_649 = arith.index_cast %rem3A_51 : i32 to index
        %swap3A_650 = arith.index_cast %add3A_648 : i32 to index
        %swap3A_651 = arith.constant 0 : index
        %swap3A_652 = tpu.vector_load %arg7[%swap3A_649, %swap3A_650, %swap3A_651] {strides = array<i32>} : memref<2x32x128xf32, #tpu.memory_space<vmem>>, vector<16xf32>,
        tpu.vector_store %arg7[%swap3A_649, %swap3A_650, %swap3A_651], %gather3A_644 {strides = array<i32>} : memref<2x32x128xf32, #tpu.memory_space<vmem>>, vector<16xf32>,
        %add3A_653 = arith.constant 16 : i32
        %add3A_654 = vector.broadcast %add3A_653 : i32 to vector<16xi32>
        %add3A_655 = arith.addi %add3A_654, %iota3A : vector<16xi32>
        %add3A_656 = arith.addi %gather3A_639, %add3A_655 : vector<16xi32>
        %gather3A_657 = tpu.vector_load_idx %arg6[%add3A_656] : memref<115200xf32, #tpu.memory_space<vmem>>[vector<16xi32>], vector<16xf32>,
        %mul3A_658 = arith.constant 16 : i32
        %mul3A_659 = arith.muli %scan3A_89, %mul3A_658 : i32
        %add3A_660 = arith.constant 5 : i32
        %add3A_661 = arith.addi %mul3A_659, %add3A_660 : i32
        %swap3A_662 = arith.index_cast %rem3A_51 : i32 to index
        %swap3A_663 = arith.index_cast %add3A_661 : i32 to index
        %swap3A_664 = arith.constant 16 : index
        %swap3A_665 = tpu.vector_load %arg7[%swap3A_662, %swap3A_663, %swap3A_664] {strides = array<i32>} : memref<2x32x128xf32, #tpu.memory_space<vmem>>, vector<16xf32>,
        tpu.vector_store %arg7[%swap3A_662, %swap3A_663, %swap3A_664], %gather3A_657 {strides = array<i32>} : memref<2x32x128xf32, #tpu.memory_space<vmem>>, vector<16xf32>,
        %add3A_666 = arith.constant 32 : i32
        %add3A_667 = vector.broadcast %add3A_666 : i32 to vector<16xi32>
        %add3A_668 = arith.addi %add3A_667, %iota3A : vector<16xi32>
        %add3A_669 = arith.addi %gather3A_639, %add3A_668 : vector<16xi32>
        %gather3A_670 = tpu.vector_load_idx %arg6[%add3A_669] : memref<115200xf32, #tpu.memory_space<vmem>>[vector<16xi32>], vector<16xf32>,
        %mul3A_671 = arith.constant 16 : i32
        %mul3A_672 = arith.muli %scan3A_89, %mul3A_671 : i32
        %add3A_673 = arith.constant 5 : i32
        %add3A_674 = arith.addi %mul3A_672, %add3A_673 : i32
        %swap3A_675 = arith.index_cast %rem3A_51 : i32 to index
        %swap3A_676 = arith.index_cast %add3A_674 : i32 to index
        %swap3A_677 = arith.constant 32 : index
        %swap3A_678 = tpu.vector_load %arg7[%swap3A_675, %swap3A_676, %swap3A_677] {strides = array<i32>} : memref<2x32x128xf32, #tpu.memory_space<vmem>>, vector<16xf32>,
        tpu.vector_store %arg7[%swap3A_675, %swap3A_676, %swap3A_677], %gather3A_670 {strides = array<i32>} : memref<2x32x128xf32, #tpu.memory_space<vmem>>, vector<16xf32>,
        %add3A_679 = arith.constant 48 : i32
        %add3A_680 = vector.broadcast %add3A_679 : i32 to vector<16xi32>
        %add3A_681 = arith.addi %add3A_680, %iota3A : vector<16xi32>
        %add3A_682 = arith.addi %gather3A_639, %add3A_681 : vector<16xi32>
        %gather3A_683 = tpu.vector_load_idx %arg6[%add3A_682] : memref<115200xf32, #tpu.memory_space<vmem>>[vector<16xi32>], vector<16xf32>,
        %mul3A_684 = arith.constant 16 : i32
        %mul3A_685 = arith.muli %scan3A_89, %mul3A_684 : i32
        %add3A_686 = arith.constant 5 : i32
        %add3A_687 = arith.addi %mul3A_685, %add3A_686 : i32
        %swap3A_688 = arith.index_cast %rem3A_51 : i32 to index
        %swap3A_689 = arith.index_cast %add3A_687 : i32 to index
        %swap3A_690 = arith.constant 48 : index
        %swap3A_691 = tpu.vector_load %arg7[%swap3A_688, %swap3A_689, %swap3A_690] {strides = array<i32>} : memref<2x32x128xf32, #tpu.memory_space<vmem>>, vector<16xf32>,
        tpu.vector_store %arg7[%swap3A_688, %swap3A_689, %swap3A_690], %gather3A_683 {strides = array<i32>} : memref<2x32x128xf32, #tpu.memory_space<vmem>>, vector<16xf32>,
        %add3A_692 = arith.constant 64 : i32
        %add3A_693 = vector.broadcast %add3A_692 : i32 to vector<16xi32>
        %add3A_694 = arith.addi %add3A_693, %iota3A : vector<16xi32>
        %add3A_695 = arith.addi %gather3A_639, %add3A_694 : vector<16xi32>
        %gather3A_696 = tpu.vector_load_idx %arg6[%add3A_695] : memref<115200xf32, #tpu.memory_space<vmem>>[vector<16xi32>], vector<16xf32>,
        %mul3A_697 = arith.constant 16 : i32
        %mul3A_698 = arith.muli %scan3A_89, %mul3A_697 : i32
        %add3A_699 = arith.constant 5 : i32
        %add3A_700 = arith.addi %mul3A_698, %add3A_699 : i32
        %swap3A_701 = arith.index_cast %rem3A_51 : i32 to index
        %swap3A_702 = arith.index_cast %add3A_700 : i32 to index
        %swap3A_703 = arith.constant 64 : index
        %swap3A_704 = tpu.vector_load %arg7[%swap3A_701, %swap3A_702, %swap3A_703] {strides = array<i32>} : memref<2x32x128xf32, #tpu.memory_space<vmem>>, vector<16xf32>,
        tpu.vector_store %arg7[%swap3A_701, %swap3A_702, %swap3A_703], %gather3A_696 {strides = array<i32>} : memref<2x32x128xf32, #tpu.memory_space<vmem>>, vector<16xf32>,
        %add3A_705 = arith.constant 80 : i32
        %add3A_706 = vector.broadcast %add3A_705 : i32 to vector<16xi32>
        %add3A_707 = arith.addi %add3A_706, %iota3A : vector<16xi32>
        %add3A_708 = arith.addi %gather3A_639, %add3A_707 : vector<16xi32>
        %gather3A_709 = tpu.vector_load_idx %arg6[%add3A_708] : memref<115200xf32, #tpu.memory_space<vmem>>[vector<16xi32>], vector<16xf32>,
        %mul3A_710 = arith.constant 16 : i32
        %mul3A_711 = arith.muli %scan3A_89, %mul3A_710 : i32
        %add3A_712 = arith.constant 5 : i32
        %add3A_713 = arith.addi %mul3A_711, %add3A_712 : i32
        %swap3A_714 = arith.index_cast %rem3A_51 : i32 to index
        %swap3A_715 = arith.index_cast %add3A_713 : i32 to index
        %swap3A_716 = arith.constant 80 : index
        %swap3A_717 = tpu.vector_load %arg7[%swap3A_714, %swap3A_715, %swap3A_716] {strides = array<i32>} : memref<2x32x128xf32, #tpu.memory_space<vmem>>, vector<16xf32>,
        tpu.vector_store %arg7[%swap3A_714, %swap3A_715, %swap3A_716], %gather3A_709 {strides = array<i32>} : memref<2x32x128xf32, #tpu.memory_space<vmem>>, vector<16xf32>,
        %add3A_718 = arith.constant 96 : i32
        %add3A_719 = vector.broadcast %add3A_718 : i32 to vector<16xi32>
        %add3A_720 = arith.addi %add3A_719, %iota3A : vector<16xi32>
        %add3A_721 = arith.addi %gather3A_639, %add3A_720 : vector<16xi32>
        %gather3A_722 = tpu.vector_load_idx %arg6[%add3A_721] : memref<115200xf32, #tpu.memory_space<vmem>>[vector<16xi32>], vector<16xf32>,
        %mul3A_723 = arith.constant 16 : i32
        %mul3A_724 = arith.muli %scan3A_89, %mul3A_723 : i32
        %add3A_725 = arith.constant 5 : i32
        %add3A_726 = arith.addi %mul3A_724, %add3A_725 : i32
        %swap3A_727 = arith.index_cast %rem3A_51 : i32 to index
        %swap3A_728 = arith.index_cast %add3A_726 : i32 to index
        %swap3A_729 = arith.constant 96 : index
        %swap3A_730 = tpu.vector_load %arg7[%swap3A_727, %swap3A_728, %swap3A_729] {strides = array<i32>} : memref<2x32x128xf32, #tpu.memory_space<vmem>>, vector<16xf32>,
        tpu.vector_store %arg7[%swap3A_727, %swap3A_728, %swap3A_729], %gather3A_722 {strides = array<i32>} : memref<2x32x128xf32, #tpu.memory_space<vmem>>, vector<16xf32>,
        %add3A_731 = arith.constant 112 : i32
        %add3A_732 = vector.broadcast %add3A_731 : i32 to vector<16xi32>
        %add3A_733 = arith.addi %add3A_732, %iota3A : vector<16xi32>
        %add3A_734 = arith.addi %gather3A_639, %add3A_733 : vector<16xi32>
        %gather3A_735 = tpu.vector_load_idx %arg6[%add3A_734] : memref<115200xf32, #tpu.memory_space<vmem>>[vector<16xi32>], vector<16xf32>,
        %mul3A_736 = arith.constant 16 : i32
        %mul3A_737 = arith.muli %scan3A_89, %mul3A_736 : i32
        %add3A_738 = arith.constant 5 : i32
        %add3A_739 = arith.addi %mul3A_737, %add3A_738 : i32
        %swap3A_740 = arith.index_cast %rem3A_51 : i32 to index
        %swap3A_741 = arith.index_cast %add3A_739 : i32 to index
        %swap3A_742 = arith.constant 112 : index
        %swap3A_743 = tpu.vector_load %arg7[%swap3A_740, %swap3A_741, %swap3A_742] {strides = array<i32>} : memref<2x32x128xf32, #tpu.memory_space<vmem>>, vector<16xf32>,
        tpu.vector_store %arg7[%swap3A_740, %swap3A_741, %swap3A_742], %gather3A_735 {strides = array<i32>} : memref<2x32x128xf32, #tpu.memory_space<vmem>>, vector<16xf32>,
        %broadcast_in_dim3A_744 = arith.constant 6 : i32
        %broadcast_in_dim3A_745 = vector.broadcast %broadcast_in_dim3A_744 : i32 to vector<16x1xi32>
        %gather3A_746 = vector.shape_cast %broadcast_in_dim3A_745 : vector<16x1xi32> to vector<16xi32>
        %gather3A_747 = tpu.dynamic_gather %mul3A_98[%gather3A_746] in [0] : vector<16xi32>, vector<16xi32> -> vector<16xi32>
        %add3A_748 = arith.constant 0 : i32
        %add3A_749 = vector.broadcast %add3A_748 : i32 to vector<16xi32>
        %add3A_750 = arith.addi %add3A_749, %iota3A : vector<16xi32>
        %add3A_751 = arith.addi %gather3A_747, %add3A_750 : vector<16xi32>
        %gather3A_752 = tpu.vector_load_idx %arg6[%add3A_751] : memref<115200xf32, #tpu.memory_space<vmem>>[vector<16xi32>], vector<16xf32>,
        %mul3A_753 = arith.constant 16 : i32
        %mul3A_754 = arith.muli %scan3A_89, %mul3A_753 : i32
        %add3A_755 = arith.constant 6 : i32
        %add3A_756 = arith.addi %mul3A_754, %add3A_755 : i32
        %swap3A_757 = arith.index_cast %rem3A_51 : i32 to index
        %swap3A_758 = arith.index_cast %add3A_756 : i32 to index
        %swap3A_759 = arith.constant 0 : index
        %swap3A_760 = tpu.vector_load %arg7[%swap3A_757, %swap3A_758, %swap3A_759] {strides = array<i32>} : memref<2x32x128xf32, #tpu.memory_space<vmem>>, vector<16xf32>,
        tpu.vector_store %arg7[%swap3A_757, %swap3A_758, %swap3A_759], %gather3A_752 {strides = array<i32>} : memref<2x32x128xf32, #tpu.memory_space<vmem>>, vector<16xf32>,
        %add3A_761 = arith.constant 16 : i32
        %add3A_762 = vector.broadcast %add3A_761 : i32 to vector<16xi32>
        %add3A_763 = arith.addi %add3A_762, %iota3A : vector<16xi32>
        %add3A_764 = arith.addi %gather3A_747, %add3A_763 : vector<16xi32>
        %gather3A_765 = tpu.vector_load_idx %arg6[%add3A_764] : memref<115200xf32, #tpu.memory_space<vmem>>[vector<16xi32>], vector<16xf32>,
        %mul3A_766 = arith.constant 16 : i32
        %mul3A_767 = arith.muli %scan3A_89, %mul3A_766 : i32
        %add3A_768 = arith.constant 6 : i32
        %add3A_769 = arith.addi %mul3A_767, %add3A_768 : i32
        %swap3A_770 = arith.index_cast %rem3A_51 : i32 to index
        %swap3A_771 = arith.index_cast %add3A_769 : i32 to index
        %swap3A_772 = arith.constant 16 : index
        %swap3A_773 = tpu.vector_load %arg7[%swap3A_770, %swap3A_771, %swap3A_772] {strides = array<i32>} : memref<2x32x128xf32, #tpu.memory_space<vmem>>, vector<16xf32>,
        tpu.vector_store %arg7[%swap3A_770, %swap3A_771, %swap3A_772], %gather3A_765 {strides = array<i32>} : memref<2x32x128xf32, #tpu.memory_space<vmem>>, vector<16xf32>,
        %add3A_774 = arith.constant 32 : i32
        %add3A_775 = vector.broadcast %add3A_774 : i32 to vector<16xi32>
        %add3A_776 = arith.addi %add3A_775, %iota3A : vector<16xi32>
        %add3A_777 = arith.addi %gather3A_747, %add3A_776 : vector<16xi32>
        %gather3A_778 = tpu.vector_load_idx %arg6[%add3A_777] : memref<115200xf32, #tpu.memory_space<vmem>>[vector<16xi32>], vector<16xf32>,
        %mul3A_779 = arith.constant 16 : i32
        %mul3A_780 = arith.muli %scan3A_89, %mul3A_779 : i32
        %add3A_781 = arith.constant 6 : i32
        %add3A_782 = arith.addi %mul3A_780, %add3A_781 : i32
        %swap3A_783 = arith.index_cast %rem3A_51 : i32 to index
        %swap3A_784 = arith.index_cast %add3A_782 : i32 to index
        %swap3A_785 = arith.constant 32 : index
        %swap3A_786 = tpu.vector_load %arg7[%swap3A_783, %swap3A_784, %swap3A_785] {strides = array<i32>} : memref<2x32x128xf32, #tpu.memory_space<vmem>>, vector<16xf32>,
        tpu.vector_store %arg7[%swap3A_783, %swap3A_784, %swap3A_785], %gather3A_778 {strides = array<i32>} : memref<2x32x128xf32, #tpu.memory_space<vmem>>, vector<16xf32>,
        %add3A_787 = arith.constant 48 : i32
        %add3A_788 = vector.broadcast %add3A_787 : i32 to vector<16xi32>
        %add3A_789 = arith.addi %add3A_788, %iota3A : vector<16xi32>
        %add3A_790 = arith.addi %gather3A_747, %add3A_789 : vector<16xi32>
        %gather3A_791 = tpu.vector_load_idx %arg6[%add3A_790] : memref<115200xf32, #tpu.memory_space<vmem>>[vector<16xi32>], vector<16xf32>,
        %mul3A_792 = arith.constant 16 : i32
        %mul3A_793 = arith.muli %scan3A_89, %mul3A_792 : i32
        %add3A_794 = arith.constant 6 : i32
        %add3A_795 = arith.addi %mul3A_793, %add3A_794 : i32
        %swap3A_796 = arith.index_cast %rem3A_51 : i32 to index
        %swap3A_797 = arith.index_cast %add3A_795 : i32 to index
        %swap3A_798 = arith.constant 48 : index
        %swap3A_799 = tpu.vector_load %arg7[%swap3A_796, %swap3A_797, %swap3A_798] {strides = array<i32>} : memref<2x32x128xf32, #tpu.memory_space<vmem>>, vector<16xf32>,
        tpu.vector_store %arg7[%swap3A_796, %swap3A_797, %swap3A_798], %gather3A_791 {strides = array<i32>} : memref<2x32x128xf32, #tpu.memory_space<vmem>>, vector<16xf32>,
        %add3A_800 = arith.constant 64 : i32
        %add3A_801 = vector.broadcast %add3A_800 : i32 to vector<16xi32>
        %add3A_802 = arith.addi %add3A_801, %iota3A : vector<16xi32>
        %add3A_803 = arith.addi %gather3A_747, %add3A_802 : vector<16xi32>
        %gather3A_804 = tpu.vector_load_idx %arg6[%add3A_803] : memref<115200xf32, #tpu.memory_space<vmem>>[vector<16xi32>], vector<16xf32>,
        %mul3A_805 = arith.constant 16 : i32
        %mul3A_806 = arith.muli %scan3A_89, %mul3A_805 : i32
        %add3A_807 = arith.constant 6 : i32
        %add3A_808 = arith.addi %mul3A_806, %add3A_807 : i32
        %swap3A_809 = arith.index_cast %rem3A_51 : i32 to index
        %swap3A_810 = arith.index_cast %add3A_808 : i32 to index
        %swap3A_811 = arith.constant 64 : index
        %swap3A_812 = tpu.vector_load %arg7[%swap3A_809, %swap3A_810, %swap3A_811] {strides = array<i32>} : memref<2x32x128xf32, #tpu.memory_space<vmem>>, vector<16xf32>,
        tpu.vector_store %arg7[%swap3A_809, %swap3A_810, %swap3A_811], %gather3A_804 {strides = array<i32>} : memref<2x32x128xf32, #tpu.memory_space<vmem>>, vector<16xf32>,
        %add3A_813 = arith.constant 80 : i32
        %add3A_814 = vector.broadcast %add3A_813 : i32 to vector<16xi32>
        %add3A_815 = arith.addi %add3A_814, %iota3A : vector<16xi32>
        %add3A_816 = arith.addi %gather3A_747, %add3A_815 : vector<16xi32>
        %gather3A_817 = tpu.vector_load_idx %arg6[%add3A_816] : memref<115200xf32, #tpu.memory_space<vmem>>[vector<16xi32>], vector<16xf32>,
        %mul3A_818 = arith.constant 16 : i32
        %mul3A_819 = arith.muli %scan3A_89, %mul3A_818 : i32
        %add3A_820 = arith.constant 6 : i32
        %add3A_821 = arith.addi %mul3A_819, %add3A_820 : i32
        %swap3A_822 = arith.index_cast %rem3A_51 : i32 to index
        %swap3A_823 = arith.index_cast %add3A_821 : i32 to index
        %swap3A_824 = arith.constant 80 : index
        %swap3A_825 = tpu.vector_load %arg7[%swap3A_822, %swap3A_823, %swap3A_824] {strides = array<i32>} : memref<2x32x128xf32, #tpu.memory_space<vmem>>, vector<16xf32>,
        tpu.vector_store %arg7[%swap3A_822, %swap3A_823, %swap3A_824], %gather3A_817 {strides = array<i32>} : memref<2x32x128xf32, #tpu.memory_space<vmem>>, vector<16xf32>,
        %add3A_826 = arith.constant 96 : i32
        %add3A_827 = vector.broadcast %add3A_826 : i32 to vector<16xi32>
        %add3A_828 = arith.addi %add3A_827, %iota3A : vector<16xi32>
        %add3A_829 = arith.addi %gather3A_747, %add3A_828 : vector<16xi32>
        %gather3A_830 = tpu.vector_load_idx %arg6[%add3A_829] : memref<115200xf32, #tpu.memory_space<vmem>>[vector<16xi32>], vector<16xf32>,
        %mul3A_831 = arith.constant 16 : i32
        %mul3A_832 = arith.muli %scan3A_89, %mul3A_831 : i32
        %add3A_833 = arith.constant 6 : i32
        %add3A_834 = arith.addi %mul3A_832, %add3A_833 : i32
        %swap3A_835 = arith.index_cast %rem3A_51 : i32 to index
        %swap3A_836 = arith.index_cast %add3A_834 : i32 to index
        %swap3A_837 = arith.constant 96 : index
        %swap3A_838 = tpu.vector_load %arg7[%swap3A_835, %swap3A_836, %swap3A_837] {strides = array<i32>} : memref<2x32x128xf32, #tpu.memory_space<vmem>>, vector<16xf32>,
        tpu.vector_store %arg7[%swap3A_835, %swap3A_836, %swap3A_837], %gather3A_830 {strides = array<i32>} : memref<2x32x128xf32, #tpu.memory_space<vmem>>, vector<16xf32>,
        %add3A_839 = arith.constant 112 : i32
        %add3A_840 = vector.broadcast %add3A_839 : i32 to vector<16xi32>
        %add3A_841 = arith.addi %add3A_840, %iota3A : vector<16xi32>
        %add3A_842 = arith.addi %gather3A_747, %add3A_841 : vector<16xi32>
        %gather3A_843 = tpu.vector_load_idx %arg6[%add3A_842] : memref<115200xf32, #tpu.memory_space<vmem>>[vector<16xi32>], vector<16xf32>,
        %mul3A_844 = arith.constant 16 : i32
        %mul3A_845 = arith.muli %scan3A_89, %mul3A_844 : i32
        %add3A_846 = arith.constant 6 : i32
        %add3A_847 = arith.addi %mul3A_845, %add3A_846 : i32
        %swap3A_848 = arith.index_cast %rem3A_51 : i32 to index
        %swap3A_849 = arith.index_cast %add3A_847 : i32 to index
        %swap3A_850 = arith.constant 112 : index
        %swap3A_851 = tpu.vector_load %arg7[%swap3A_848, %swap3A_849, %swap3A_850] {strides = array<i32>} : memref<2x32x128xf32, #tpu.memory_space<vmem>>, vector<16xf32>,
        tpu.vector_store %arg7[%swap3A_848, %swap3A_849, %swap3A_850], %gather3A_843 {strides = array<i32>} : memref<2x32x128xf32, #tpu.memory_space<vmem>>, vector<16xf32>,
        %broadcast_in_dim3A_852 = arith.constant 7 : i32
        %broadcast_in_dim3A_853 = vector.broadcast %broadcast_in_dim3A_852 : i32 to vector<16x1xi32>
        %gather3A_854 = vector.shape_cast %broadcast_in_dim3A_853 : vector<16x1xi32> to vector<16xi32>
        %gather3A_855 = tpu.dynamic_gather %mul3A_98[%gather3A_854] in [0] : vector<16xi32>, vector<16xi32> -> vector<16xi32>
        %add3A_856 = arith.constant 0 : i32
        %add3A_857 = vector.broadcast %add3A_856 : i32 to vector<16xi32>
        %add3A_858 = arith.addi %add3A_857, %iota3A : vector<16xi32>
        %add3A_859 = arith.addi %gather3A_855, %add3A_858 : vector<16xi32>
        %gather3A_860 = tpu.vector_load_idx %arg6[%add3A_859] : memref<115200xf32, #tpu.memory_space<vmem>>[vector<16xi32>], vector<16xf32>,
        %mul3A_861 = arith.constant 16 : i32
        %mul3A_862 = arith.muli %scan3A_89, %mul3A_861 : i32
        %add3A_863 = arith.constant 7 : i32
        %add3A_864 = arith.addi %mul3A_862, %add3A_863 : i32
        %swap3A_865 = arith.index_cast %rem3A_51 : i32 to index
        %swap3A_866 = arith.index_cast %add3A_864 : i32 to index
        %swap3A_867 = arith.constant 0 : index
        %swap3A_868 = tpu.vector_load %arg7[%swap3A_865, %swap3A_866, %swap3A_867] {strides = array<i32>} : memref<2x32x128xf32, #tpu.memory_space<vmem>>, vector<16xf32>,
        tpu.vector_store %arg7[%swap3A_865, %swap3A_866, %swap3A_867], %gather3A_860 {strides = array<i32>} : memref<2x32x128xf32, #tpu.memory_space<vmem>>, vector<16xf32>,
        %add3A_869 = arith.constant 16 : i32
        %add3A_870 = vector.broadcast %add3A_869 : i32 to vector<16xi32>
        %add3A_871 = arith.addi %add3A_870, %iota3A : vector<16xi32>
        %add3A_872 = arith.addi %gather3A_855, %add3A_871 : vector<16xi32>
        %gather3A_873 = tpu.vector_load_idx %arg6[%add3A_872] : memref<115200xf32, #tpu.memory_space<vmem>>[vector<16xi32>], vector<16xf32>,
        %mul3A_874 = arith.constant 16 : i32
        %mul3A_875 = arith.muli %scan3A_89, %mul3A_874 : i32
        %add3A_876 = arith.constant 7 : i32
        %add3A_877 = arith.addi %mul3A_875, %add3A_876 : i32
        %swap3A_878 = arith.index_cast %rem3A_51 : i32 to index
        %swap3A_879 = arith.index_cast %add3A_877 : i32 to index
        %swap3A_880 = arith.constant 16 : index
        %swap3A_881 = tpu.vector_load %arg7[%swap3A_878, %swap3A_879, %swap3A_880] {strides = array<i32>} : memref<2x32x128xf32, #tpu.memory_space<vmem>>, vector<16xf32>,
        tpu.vector_store %arg7[%swap3A_878, %swap3A_879, %swap3A_880], %gather3A_873 {strides = array<i32>} : memref<2x32x128xf32, #tpu.memory_space<vmem>>, vector<16xf32>,
        %add3A_882 = arith.constant 32 : i32
        %add3A_883 = vector.broadcast %add3A_882 : i32 to vector<16xi32>
        %add3A_884 = arith.addi %add3A_883, %iota3A : vector<16xi32>
        %add3A_885 = arith.addi %gather3A_855, %add3A_884 : vector<16xi32>
        %gather3A_886 = tpu.vector_load_idx %arg6[%add3A_885] : memref<115200xf32, #tpu.memory_space<vmem>>[vector<16xi32>], vector<16xf32>,
        %mul3A_887 = arith.constant 16 : i32
        %mul3A_888 = arith.muli %scan3A_89, %mul3A_887 : i32
        %add3A_889 = arith.constant 7 : i32
        %add3A_890 = arith.addi %mul3A_888, %add3A_889 : i32
        %swap3A_891 = arith.index_cast %rem3A_51 : i32 to index
        %swap3A_892 = arith.index_cast %add3A_890 : i32 to index
        %swap3A_893 = arith.constant 32 : index
        %swap3A_894 = tpu.vector_load %arg7[%swap3A_891, %swap3A_892, %swap3A_893] {strides = array<i32>} : memref<2x32x128xf32, #tpu.memory_space<vmem>>, vector<16xf32>,
        tpu.vector_store %arg7[%swap3A_891, %swap3A_892, %swap3A_893], %gather3A_886 {strides = array<i32>} : memref<2x32x128xf32, #tpu.memory_space<vmem>>, vector<16xf32>,
        %add3A_895 = arith.constant 48 : i32
        %add3A_896 = vector.broadcast %add3A_895 : i32 to vector<16xi32>
        %add3A_897 = arith.addi %add3A_896, %iota3A : vector<16xi32>
        %add3A_898 = arith.addi %gather3A_855, %add3A_897 : vector<16xi32>
        %gather3A_899 = tpu.vector_load_idx %arg6[%add3A_898] : memref<115200xf32, #tpu.memory_space<vmem>>[vector<16xi32>], vector<16xf32>,
        %mul3A_900 = arith.constant 16 : i32
        %mul3A_901 = arith.muli %scan3A_89, %mul3A_900 : i32
        %add3A_902 = arith.constant 7 : i32
        %add3A_903 = arith.addi %mul3A_901, %add3A_902 : i32
        %swap3A_904 = arith.index_cast %rem3A_51 : i32 to index
        %swap3A_905 = arith.index_cast %add3A_903 : i32 to index
        %swap3A_906 = arith.constant 48 : index
        %swap3A_907 = tpu.vector_load %arg7[%swap3A_904, %swap3A_905, %swap3A_906] {strides = array<i32>} : memref<2x32x128xf32, #tpu.memory_space<vmem>>, vector<16xf32>,
        tpu.vector_store %arg7[%swap3A_904, %swap3A_905, %swap3A_906], %gather3A_899 {strides = array<i32>} : memref<2x32x128xf32, #tpu.memory_space<vmem>>, vector<16xf32>,
        %add3A_908 = arith.constant 64 : i32
        %add3A_909 = vector.broadcast %add3A_908 : i32 to vector<16xi32>
        %add3A_910 = arith.addi %add3A_909, %iota3A : vector<16xi32>
        %add3A_911 = arith.addi %gather3A_855, %add3A_910 : vector<16xi32>
        %gather3A_912 = tpu.vector_load_idx %arg6[%add3A_911] : memref<115200xf32, #tpu.memory_space<vmem>>[vector<16xi32>], vector<16xf32>,
        %mul3A_913 = arith.constant 16 : i32
        %mul3A_914 = arith.muli %scan3A_89, %mul3A_913 : i32
        %add3A_915 = arith.constant 7 : i32
        %add3A_916 = arith.addi %mul3A_914, %add3A_915 : i32
        %swap3A_917 = arith.index_cast %rem3A_51 : i32 to index
        %swap3A_918 = arith.index_cast %add3A_916 : i32 to index
        %swap3A_919 = arith.constant 64 : index
        %swap3A_920 = tpu.vector_load %arg7[%swap3A_917, %swap3A_918, %swap3A_919] {strides = array<i32>} : memref<2x32x128xf32, #tpu.memory_space<vmem>>, vector<16xf32>,
        tpu.vector_store %arg7[%swap3A_917, %swap3A_918, %swap3A_919], %gather3A_912 {strides = array<i32>} : memref<2x32x128xf32, #tpu.memory_space<vmem>>, vector<16xf32>,
        %add3A_921 = arith.constant 80 : i32
        %add3A_922 = vector.broadcast %add3A_921 : i32 to vector<16xi32>
        %add3A_923 = arith.addi %add3A_922, %iota3A : vector<16xi32>
        %add3A_924 = arith.addi %gather3A_855, %add3A_923 : vector<16xi32>
        %gather3A_925 = tpu.vector_load_idx %arg6[%add3A_924] : memref<115200xf32, #tpu.memory_space<vmem>>[vector<16xi32>], vector<16xf32>,
        %mul3A_926 = arith.constant 16 : i32
        %mul3A_927 = arith.muli %scan3A_89, %mul3A_926 : i32
        %add3A_928 = arith.constant 7 : i32
        %add3A_929 = arith.addi %mul3A_927, %add3A_928 : i32
        %swap3A_930 = arith.index_cast %rem3A_51 : i32 to index
        %swap3A_931 = arith.index_cast %add3A_929 : i32 to index
        %swap3A_932 = arith.constant 80 : index
        %swap3A_933 = tpu.vector_load %arg7[%swap3A_930, %swap3A_931, %swap3A_932] {strides = array<i32>} : memref<2x32x128xf32, #tpu.memory_space<vmem>>, vector<16xf32>,
        tpu.vector_store %arg7[%swap3A_930, %swap3A_931, %swap3A_932], %gather3A_925 {strides = array<i32>} : memref<2x32x128xf32, #tpu.memory_space<vmem>>, vector<16xf32>,
        %add3A_934 = arith.constant 96 : i32
        %add3A_935 = vector.broadcast %add3A_934 : i32 to vector<16xi32>
        %add3A_936 = arith.addi %add3A_935, %iota3A : vector<16xi32>
        %add3A_937 = arith.addi %gather3A_855, %add3A_936 : vector<16xi32>
        %gather3A_938 = tpu.vector_load_idx %arg6[%add3A_937] : memref<115200xf32, #tpu.memory_space<vmem>>[vector<16xi32>], vector<16xf32>,
        %mul3A_939 = arith.constant 16 : i32
        %mul3A_940 = arith.muli %scan3A_89, %mul3A_939 : i32
        %add3A_941 = arith.constant 7 : i32
        %add3A_942 = arith.addi %mul3A_940, %add3A_941 : i32
        %swap3A_943 = arith.index_cast %rem3A_51 : i32 to index
        %swap3A_944 = arith.index_cast %add3A_942 : i32 to index
        %swap3A_945 = arith.constant 96 : index
        %swap3A_946 = tpu.vector_load %arg7[%swap3A_943, %swap3A_944, %swap3A_945] {strides = array<i32>} : memref<2x32x128xf32, #tpu.memory_space<vmem>>, vector<16xf32>,
        tpu.vector_store %arg7[%swap3A_943, %swap3A_944, %swap3A_945], %gather3A_938 {strides = array<i32>} : memref<2x32x128xf32, #tpu.memory_space<vmem>>, vector<16xf32>,
        %add3A_947 = arith.constant 112 : i32
        %add3A_948 = vector.broadcast %add3A_947 : i32 to vector<16xi32>
        %add3A_949 = arith.addi %add3A_948, %iota3A : vector<16xi32>
        %add3A_950 = arith.addi %gather3A_855, %add3A_949 : vector<16xi32>
        %gather3A_951 = tpu.vector_load_idx %arg6[%add3A_950] : memref<115200xf32, #tpu.memory_space<vmem>>[vector<16xi32>], vector<16xf32>,
        %mul3A_952 = arith.constant 16 : i32
        %mul3A_953 = arith.muli %scan3A_89, %mul3A_952 : i32
        %add3A_954 = arith.constant 7 : i32
        %add3A_955 = arith.addi %mul3A_953, %add3A_954 : i32
        %swap3A_956 = arith.index_cast %rem3A_51 : i32 to index
        %swap3A_957 = arith.index_cast %add3A_955 : i32 to index
        %swap3A_958 = arith.constant 112 : index
        %swap3A_959 = tpu.vector_load %arg7[%swap3A_956, %swap3A_957, %swap3A_958] {strides = array<i32>} : memref<2x32x128xf32, #tpu.memory_space<vmem>>, vector<16xf32>,
        tpu.vector_store %arg7[%swap3A_956, %swap3A_957, %swap3A_958], %gather3A_951 {strides = array<i32>} : memref<2x32x128xf32, #tpu.memory_space<vmem>>, vector<16xf32>,
        %broadcast_in_dim3A_960 = arith.constant 8 : i32
        %broadcast_in_dim3A_961 = vector.broadcast %broadcast_in_dim3A_960 : i32 to vector<16x1xi32>
        %gather3A_962 = vector.shape_cast %broadcast_in_dim3A_961 : vector<16x1xi32> to vector<16xi32>
        %gather3A_963 = tpu.dynamic_gather %mul3A_98[%gather3A_962] in [0] : vector<16xi32>, vector<16xi32> -> vector<16xi32>
        %add3A_964 = arith.constant 0 : i32
        %add3A_965 = vector.broadcast %add3A_964 : i32 to vector<16xi32>
        %add3A_966 = arith.addi %add3A_965, %iota3A : vector<16xi32>
        %add3A_967 = arith.addi %gather3A_963, %add3A_966 : vector<16xi32>
        %gather3A_968 = tpu.vector_load_idx %arg6[%add3A_967] : memref<115200xf32, #tpu.memory_space<vmem>>[vector<16xi32>], vector<16xf32>,
        %mul3A_969 = arith.constant 16 : i32
        %mul3A_970 = arith.muli %scan3A_89, %mul3A_969 : i32
        %add3A_971 = arith.constant 8 : i32
        %add3A_972 = arith.addi %mul3A_970, %add3A_971 : i32
        %swap3A_973 = arith.index_cast %rem3A_51 : i32 to index
        %swap3A_974 = arith.index_cast %add3A_972 : i32 to index
        %swap3A_975 = arith.constant 0 : index
        %swap3A_976 = tpu.vector_load %arg7[%swap3A_973, %swap3A_974, %swap3A_975] {strides = array<i32>} : memref<2x32x128xf32, #tpu.memory_space<vmem>>, vector<16xf32>,
        tpu.vector_store %arg7[%swap3A_973, %swap3A_974, %swap3A_975], %gather3A_968 {strides = array<i32>} : memref<2x32x128xf32, #tpu.memory_space<vmem>>, vector<16xf32>,
        %add3A_977 = arith.constant 16 : i32
        %add3A_978 = vector.broadcast %add3A_977 : i32 to vector<16xi32>
        %add3A_979 = arith.addi %add3A_978, %iota3A : vector<16xi32>
        %add3A_980 = arith.addi %gather3A_963, %add3A_979 : vector<16xi32>
        %gather3A_981 = tpu.vector_load_idx %arg6[%add3A_980] : memref<115200xf32, #tpu.memory_space<vmem>>[vector<16xi32>], vector<16xf32>,
        %mul3A_982 = arith.constant 16 : i32
        %mul3A_983 = arith.muli %scan3A_89, %mul3A_982 : i32
        %add3A_984 = arith.constant 8 : i32
        %add3A_985 = arith.addi %mul3A_983, %add3A_984 : i32
        %swap3A_986 = arith.index_cast %rem3A_51 : i32 to index
        %swap3A_987 = arith.index_cast %add3A_985 : i32 to index
        %swap3A_988 = arith.constant 16 : index
        %swap3A_989 = tpu.vector_load %arg7[%swap3A_986, %swap3A_987, %swap3A_988] {strides = array<i32>} : memref<2x32x128xf32, #tpu.memory_space<vmem>>, vector<16xf32>,
        tpu.vector_store %arg7[%swap3A_986, %swap3A_987, %swap3A_988], %gather3A_981 {strides = array<i32>} : memref<2x32x128xf32, #tpu.memory_space<vmem>>, vector<16xf32>,
        %add3A_990 = arith.constant 32 : i32
        %add3A_991 = vector.broadcast %add3A_990 : i32 to vector<16xi32>
        %add3A_992 = arith.addi %add3A_991, %iota3A : vector<16xi32>
        %add3A_993 = arith.addi %gather3A_963, %add3A_992 : vector<16xi32>
        %gather3A_994 = tpu.vector_load_idx %arg6[%add3A_993] : memref<115200xf32, #tpu.memory_space<vmem>>[vector<16xi32>], vector<16xf32>,
        %mul3A_995 = arith.constant 16 : i32
        %mul3A_996 = arith.muli %scan3A_89, %mul3A_995 : i32
        %add3A_997 = arith.constant 8 : i32
        %add3A_998 = arith.addi %mul3A_996, %add3A_997 : i32
        %swap3A_999 = arith.index_cast %rem3A_51 : i32 to index
        %swap3A_1000 = arith.index_cast %add3A_998 : i32 to index
        %swap3A_1001 = arith.constant 32 : index
        %swap3A_1002 = tpu.vector_load %arg7[%swap3A_999, %swap3A_1000, %swap3A_1001] {strides = array<i32>} : memref<2x32x128xf32, #tpu.memory_space<vmem>>, vector<16xf32>,
        tpu.vector_store %arg7[%swap3A_999, %swap3A_1000, %swap3A_1001], %gather3A_994 {strides = array<i32>} : memref<2x32x128xf32, #tpu.memory_space<vmem>>, vector<16xf32>,
        %add3A_1003 = arith.constant 48 : i32
        %add3A_1004 = vector.broadcast %add3A_1003 : i32 to vector<16xi32>
        %add3A_1005 = arith.addi %add3A_1004, %iota3A : vector<16xi32>
        %add3A_1006 = arith.addi %gather3A_963, %add3A_1005 : vector<16xi32>
        %gather3A_1007 = tpu.vector_load_idx %arg6[%add3A_1006] : memref<115200xf32, #tpu.memory_space<vmem>>[vector<16xi32>], vector<16xf32>,
        %mul3A_1008 = arith.constant 16 : i32
        %mul3A_1009 = arith.muli %scan3A_89, %mul3A_1008 : i32
        %add3A_1010 = arith.constant 8 : i32
        %add3A_1011 = arith.addi %mul3A_1009, %add3A_1010 : i32
        %swap3A_1012 = arith.index_cast %rem3A_51 : i32 to index
        %swap3A_1013 = arith.index_cast %add3A_1011 : i32 to index
        %swap3A_1014 = arith.constant 48 : index
        %swap3A_1015 = tpu.vector_load %arg7[%swap3A_1012, %swap3A_1013, %swap3A_1014] {strides = array<i32>} : memref<2x32x128xf32, #tpu.memory_space<vmem>>, vector<16xf32>,
        tpu.vector_store %arg7[%swap3A_1012, %swap3A_1013, %swap3A_1014], %gather3A_1007 {strides = array<i32>} : memref<2x32x128xf32, #tpu.memory_space<vmem>>, vector<16xf32>,
        %add3A_1016 = arith.constant 64 : i32
        %add3A_1017 = vector.broadcast %add3A_1016 : i32 to vector<16xi32>
        %add3A_1018 = arith.addi %add3A_1017, %iota3A : vector<16xi32>
        %add3A_1019 = arith.addi %gather3A_963, %add3A_1018 : vector<16xi32>
        %gather3A_1020 = tpu.vector_load_idx %arg6[%add3A_1019] : memref<115200xf32, #tpu.memory_space<vmem>>[vector<16xi32>], vector<16xf32>,
        %mul3A_1021 = arith.constant 16 : i32
        %mul3A_1022 = arith.muli %scan3A_89, %mul3A_1021 : i32
        %add3A_1023 = arith.constant 8 : i32
        %add3A_1024 = arith.addi %mul3A_1022, %add3A_1023 : i32
        %swap3A_1025 = arith.index_cast %rem3A_51 : i32 to index
        %swap3A_1026 = arith.index_cast %add3A_1024 : i32 to index
        %swap3A_1027 = arith.constant 64 : index
        %swap3A_1028 = tpu.vector_load %arg7[%swap3A_1025, %swap3A_1026, %swap3A_1027] {strides = array<i32>} : memref<2x32x128xf32, #tpu.memory_space<vmem>>, vector<16xf32>,
        tpu.vector_store %arg7[%swap3A_1025, %swap3A_1026, %swap3A_1027], %gather3A_1020 {strides = array<i32>} : memref<2x32x128xf32, #tpu.memory_space<vmem>>, vector<16xf32>,
        %add3A_1029 = arith.constant 80 : i32
        %add3A_1030 = vector.broadcast %add3A_1029 : i32 to vector<16xi32>
        %add3A_1031 = arith.addi %add3A_1030, %iota3A : vector<16xi32>
        %add3A_1032 = arith.addi %gather3A_963, %add3A_1031 : vector<16xi32>
        %gather3A_1033 = tpu.vector_load_idx %arg6[%add3A_1032] : memref<115200xf32, #tpu.memory_space<vmem>>[vector<16xi32>], vector<16xf32>,
        %mul3A_1034 = arith.constant 16 : i32
        %mul3A_1035 = arith.muli %scan3A_89, %mul3A_1034 : i32
        %add3A_1036 = arith.constant 8 : i32
        %add3A_1037 = arith.addi %mul3A_1035, %add3A_1036 : i32
        %swap3A_1038 = arith.index_cast %rem3A_51 : i32 to index
        %swap3A_1039 = arith.index_cast %add3A_1037 : i32 to index
        %swap3A_1040 = arith.constant 80 : index
        %swap3A_1041 = tpu.vector_load %arg7[%swap3A_1038, %swap3A_1039, %swap3A_1040] {strides = array<i32>} : memref<2x32x128xf32, #tpu.memory_space<vmem>>, vector<16xf32>,
        tpu.vector_store %arg7[%swap3A_1038, %swap3A_1039, %swap3A_1040], %gather3A_1033 {strides = array<i32>} : memref<2x32x128xf32, #tpu.memory_space<vmem>>, vector<16xf32>,
        %add3A_1042 = arith.constant 96 : i32
        %add3A_1043 = vector.broadcast %add3A_1042 : i32 to vector<16xi32>
        %add3A_1044 = arith.addi %add3A_1043, %iota3A : vector<16xi32>
        %add3A_1045 = arith.addi %gather3A_963, %add3A_1044 : vector<16xi32>
        %gather3A_1046 = tpu.vector_load_idx %arg6[%add3A_1045] : memref<115200xf32, #tpu.memory_space<vmem>>[vector<16xi32>], vector<16xf32>,
        %mul3A_1047 = arith.constant 16 : i32
        %mul3A_1048 = arith.muli %scan3A_89, %mul3A_1047 : i32
        %add3A_1049 = arith.constant 8 : i32
        %add3A_1050 = arith.addi %mul3A_1048, %add3A_1049 : i32
        %swap3A_1051 = arith.index_cast %rem3A_51 : i32 to index
        %swap3A_1052 = arith.index_cast %add3A_1050 : i32 to index
        %swap3A_1053 = arith.constant 96 : index
        %swap3A_1054 = tpu.vector_load %arg7[%swap3A_1051, %swap3A_1052, %swap3A_1053] {strides = array<i32>} : memref<2x32x128xf32, #tpu.memory_space<vmem>>, vector<16xf32>,
        tpu.vector_store %arg7[%swap3A_1051, %swap3A_1052, %swap3A_1053], %gather3A_1046 {strides = array<i32>} : memref<2x32x128xf32, #tpu.memory_space<vmem>>, vector<16xf32>,
        %add3A_1055 = arith.constant 112 : i32
        %add3A_1056 = vector.broadcast %add3A_1055 : i32 to vector<16xi32>
        %add3A_1057 = arith.addi %add3A_1056, %iota3A : vector<16xi32>
        %add3A_1058 = arith.addi %gather3A_963, %add3A_1057 : vector<16xi32>
        %gather3A_1059 = tpu.vector_load_idx %arg6[%add3A_1058] : memref<115200xf32, #tpu.memory_space<vmem>>[vector<16xi32>], vector<16xf32>,
        %mul3A_1060 = arith.constant 16 : i32
        %mul3A_1061 = arith.muli %scan3A_89, %mul3A_1060 : i32
        %add3A_1062 = arith.constant 8 : i32
        %add3A_1063 = arith.addi %mul3A_1061, %add3A_1062 : i32
        %swap3A_1064 = arith.index_cast %rem3A_51 : i32 to index
        %swap3A_1065 = arith.index_cast %add3A_1063 : i32 to index
        %swap3A_1066 = arith.constant 112 : index
        %swap3A_1067 = tpu.vector_load %arg7[%swap3A_1064, %swap3A_1065, %swap3A_1066] {strides = array<i32>} : memref<2x32x128xf32, #tpu.memory_space<vmem>>, vector<16xf32>,
        tpu.vector_store %arg7[%swap3A_1064, %swap3A_1065, %swap3A_1066], %gather3A_1059 {strides = array<i32>} : memref<2x32x128xf32, #tpu.memory_space<vmem>>, vector<16xf32>,
        %broadcast_in_dim3A_1068 = arith.constant 9 : i32
        %broadcast_in_dim3A_1069 = vector.broadcast %broadcast_in_dim3A_1068 : i32 to vector<16x1xi32>
        %gather3A_1070 = vector.shape_cast %broadcast_in_dim3A_1069 : vector<16x1xi32> to vector<16xi32>
        %gather3A_1071 = tpu.dynamic_gather %mul3A_98[%gather3A_1070] in [0] : vector<16xi32>, vector<16xi32> -> vector<16xi32>
        %add3A_1072 = arith.constant 0 : i32
        %add3A_1073 = vector.broadcast %add3A_1072 : i32 to vector<16xi32>
        %add3A_1074 = arith.addi %add3A_1073, %iota3A : vector<16xi32>
        %add3A_1075 = arith.addi %gather3A_1071, %add3A_1074 : vector<16xi32>
        %gather3A_1076 = tpu.vector_load_idx %arg6[%add3A_1075] : memref<115200xf32, #tpu.memory_space<vmem>>[vector<16xi32>], vector<16xf32>,
        %mul3A_1077 = arith.constant 16 : i32
        %mul3A_1078 = arith.muli %scan3A_89, %mul3A_1077 : i32
        %add3A_1079 = arith.constant 9 : i32
        %add3A_1080 = arith.addi %mul3A_1078, %add3A_1079 : i32
        %swap3A_1081 = arith.index_cast %rem3A_51 : i32 to index
        %swap3A_1082 = arith.index_cast %add3A_1080 : i32 to index
        %swap3A_1083 = arith.constant 0 : index
        %swap3A_1084 = tpu.vector_load %arg7[%swap3A_1081, %swap3A_1082, %swap3A_1083] {strides = array<i32>} : memref<2x32x128xf32, #tpu.memory_space<vmem>>, vector<16xf32>,
        tpu.vector_store %arg7[%swap3A_1081, %swap3A_1082, %swap3A_1083], %gather3A_1076 {strides = array<i32>} : memref<2x32x128xf32, #tpu.memory_space<vmem>>, vector<16xf32>,
        %add3A_1085 = arith.constant 16 : i32
        %add3A_1086 = vector.broadcast %add3A_1085 : i32 to vector<16xi32>
        %add3A_1087 = arith.addi %add3A_1086, %iota3A : vector<16xi32>
        %add3A_1088 = arith.addi %gather3A_1071, %add3A_1087 : vector<16xi32>
        %gather3A_1089 = tpu.vector_load_idx %arg6[%add3A_1088] : memref<115200xf32, #tpu.memory_space<vmem>>[vector<16xi32>], vector<16xf32>,
        %mul3A_1090 = arith.constant 16 : i32
        %mul3A_1091 = arith.muli %scan3A_89, %mul3A_1090 : i32
        %add3A_1092 = arith.constant 9 : i32
        %add3A_1093 = arith.addi %mul3A_1091, %add3A_1092 : i32
        %swap3A_1094 = arith.index_cast %rem3A_51 : i32 to index
        %swap3A_1095 = arith.index_cast %add3A_1093 : i32 to index
        %swap3A_1096 = arith.constant 16 : index
        %swap3A_1097 = tpu.vector_load %arg7[%swap3A_1094, %swap3A_1095, %swap3A_1096] {strides = array<i32>} : memref<2x32x128xf32, #tpu.memory_space<vmem>>, vector<16xf32>,
        tpu.vector_store %arg7[%swap3A_1094, %swap3A_1095, %swap3A_1096], %gather3A_1089 {strides = array<i32>} : memref<2x32x128xf32, #tpu.memory_space<vmem>>, vector<16xf32>,
        %add3A_1098 = arith.constant 32 : i32
        %add3A_1099 = vector.broadcast %add3A_1098 : i32 to vector<16xi32>
        %add3A_1100 = arith.addi %add3A_1099, %iota3A : vector<16xi32>
        %add3A_1101 = arith.addi %gather3A_1071, %add3A_1100 : vector<16xi32>
        %gather3A_1102 = tpu.vector_load_idx %arg6[%add3A_1101] : memref<115200xf32, #tpu.memory_space<vmem>>[vector<16xi32>], vector<16xf32>,
        %mul3A_1103 = arith.constant 16 : i32
        %mul3A_1104 = arith.muli %scan3A_89, %mul3A_1103 : i32
        %add3A_1105 = arith.constant 9 : i32
        %add3A_1106 = arith.addi %mul3A_1104, %add3A_1105 : i32
        %swap3A_1107 = arith.index_cast %rem3A_51 : i32 to index
        %swap3A_1108 = arith.index_cast %add3A_1106 : i32 to index
        %swap3A_1109 = arith.constant 32 : index
        %swap3A_1110 = tpu.vector_load %arg7[%swap3A_1107, %swap3A_1108, %swap3A_1109] {strides = array<i32>} : memref<2x32x128xf32, #tpu.memory_space<vmem>>, vector<16xf32>,
        tpu.vector_store %arg7[%swap3A_1107, %swap3A_1108, %swap3A_1109], %gather3A_1102 {strides = array<i32>} : memref<2x32x128xf32, #tpu.memory_space<vmem>>, vector<16xf32>,
        %add3A_1111 = arith.constant 48 : i32
        %add3A_1112 = vector.broadcast %add3A_1111 : i32 to vector<16xi32>
        %add3A_1113 = arith.addi %add3A_1112, %iota3A : vector<16xi32>
        %add3A_1114 = arith.addi %gather3A_1071, %add3A_1113 : vector<16xi32>
        %gather3A_1115 = tpu.vector_load_idx %arg6[%add3A_1114] : memref<115200xf32, #tpu.memory_space<vmem>>[vector<16xi32>], vector<16xf32>,
        %mul3A_1116 = arith.constant 16 : i32
        %mul3A_1117 = arith.muli %scan3A_89, %mul3A_1116 : i32
        %add3A_1118 = arith.constant 9 : i32
        %add3A_1119 = arith.addi %mul3A_1117, %add3A_1118 : i32
        %swap3A_1120 = arith.index_cast %rem3A_51 : i32 to index
        %swap3A_1121 = arith.index_cast %add3A_1119 : i32 to index
        %swap3A_1122 = arith.constant 48 : index
        %swap3A_1123 = tpu.vector_load %arg7[%swap3A_1120, %swap3A_1121, %swap3A_1122] {strides = array<i32>} : memref<2x32x128xf32, #tpu.memory_space<vmem>>, vector<16xf32>,
        tpu.vector_store %arg7[%swap3A_1120, %swap3A_1121, %swap3A_1122], %gather3A_1115 {strides = array<i32>} : memref<2x32x128xf32, #tpu.memory_space<vmem>>, vector<16xf32>,
        %add3A_1124 = arith.constant 64 : i32
        %add3A_1125 = vector.broadcast %add3A_1124 : i32 to vector<16xi32>
        %add3A_1126 = arith.addi %add3A_1125, %iota3A : vector<16xi32>
        %add3A_1127 = arith.addi %gather3A_1071, %add3A_1126 : vector<16xi32>
        %gather3A_1128 = tpu.vector_load_idx %arg6[%add3A_1127] : memref<115200xf32, #tpu.memory_space<vmem>>[vector<16xi32>], vector<16xf32>,
        %mul3A_1129 = arith.constant 16 : i32
        %mul3A_1130 = arith.muli %scan3A_89, %mul3A_1129 : i32
        %add3A_1131 = arith.constant 9 : i32
        %add3A_1132 = arith.addi %mul3A_1130, %add3A_1131 : i32
        %swap3A_1133 = arith.index_cast %rem3A_51 : i32 to index
        %swap3A_1134 = arith.index_cast %add3A_1132 : i32 to index
        %swap3A_1135 = arith.constant 64 : index
        %swap3A_1136 = tpu.vector_load %arg7[%swap3A_1133, %swap3A_1134, %swap3A_1135] {strides = array<i32>} : memref<2x32x128xf32, #tpu.memory_space<vmem>>, vector<16xf32>,
        tpu.vector_store %arg7[%swap3A_1133, %swap3A_1134, %swap3A_1135], %gather3A_1128 {strides = array<i32>} : memref<2x32x128xf32, #tpu.memory_space<vmem>>, vector<16xf32>,
        %add3A_1137 = arith.constant 80 : i32
        %add3A_1138 = vector.broadcast %add3A_1137 : i32 to vector<16xi32>
        %add3A_1139 = arith.addi %add3A_1138, %iota3A : vector<16xi32>
        %add3A_1140 = arith.addi %gather3A_1071, %add3A_1139 : vector<16xi32>
        %gather3A_1141 = tpu.vector_load_idx %arg6[%add3A_1140] : memref<115200xf32, #tpu.memory_space<vmem>>[vector<16xi32>], vector<16xf32>,
        %mul3A_1142 = arith.constant 16 : i32
        %mul3A_1143 = arith.muli %scan3A_89, %mul3A_1142 : i32
        %add3A_1144 = arith.constant 9 : i32
        %add3A_1145 = arith.addi %mul3A_1143, %add3A_1144 : i32
        %swap3A_1146 = arith.index_cast %rem3A_51 : i32 to index
        %swap3A_1147 = arith.index_cast %add3A_1145 : i32 to index
        %swap3A_1148 = arith.constant 80 : index
        %swap3A_1149 = tpu.vector_load %arg7[%swap3A_1146, %swap3A_1147, %swap3A_1148] {strides = array<i32>} : memref<2x32x128xf32, #tpu.memory_space<vmem>>, vector<16xf32>,
        tpu.vector_store %arg7[%swap3A_1146, %swap3A_1147, %swap3A_1148], %gather3A_1141 {strides = array<i32>} : memref<2x32x128xf32, #tpu.memory_space<vmem>>, vector<16xf32>,
        %add3A_1150 = arith.constant 96 : i32
        %add3A_1151 = vector.broadcast %add3A_1150 : i32 to vector<16xi32>
        %add3A_1152 = arith.addi %add3A_1151, %iota3A : vector<16xi32>
        %add3A_1153 = arith.addi %gather3A_1071, %add3A_1152 : vector<16xi32>
        %gather3A_1154 = tpu.vector_load_idx %arg6[%add3A_1153] : memref<115200xf32, #tpu.memory_space<vmem>>[vector<16xi32>], vector<16xf32>,
        %mul3A_1155 = arith.constant 16 : i32
        %mul3A_1156 = arith.muli %scan3A_89, %mul3A_1155 : i32
        %add3A_1157 = arith.constant 9 : i32
        %add3A_1158 = arith.addi %mul3A_1156, %add3A_1157 : i32
        %swap3A_1159 = arith.index_cast %rem3A_51 : i32 to index
        %swap3A_1160 = arith.index_cast %add3A_1158 : i32 to index
        %swap3A_1161 = arith.constant 96 : index
        %swap3A_1162 = tpu.vector_load %arg7[%swap3A_1159, %swap3A_1160, %swap3A_1161] {strides = array<i32>} : memref<2x32x128xf32, #tpu.memory_space<vmem>>, vector<16xf32>,
        tpu.vector_store %arg7[%swap3A_1159, %swap3A_1160, %swap3A_1161], %gather3A_1154 {strides = array<i32>} : memref<2x32x128xf32, #tpu.memory_space<vmem>>, vector<16xf32>,
        %add3A_1163 = arith.constant 112 : i32
        %add3A_1164 = vector.broadcast %add3A_1163 : i32 to vector<16xi32>
        %add3A_1165 = arith.addi %add3A_1164, %iota3A : vector<16xi32>
        %add3A_1166 = arith.addi %gather3A_1071, %add3A_1165 : vector<16xi32>
        %gather3A_1167 = tpu.vector_load_idx %arg6[%add3A_1166] : memref<115200xf32, #tpu.memory_space<vmem>>[vector<16xi32>], vector<16xf32>,
        %mul3A_1168 = arith.constant 16 : i32
        %mul3A_1169 = arith.muli %scan3A_89, %mul3A_1168 : i32
        %add3A_1170 = arith.constant 9 : i32
        %add3A_1171 = arith.addi %mul3A_1169, %add3A_1170 : i32
        %swap3A_1172 = arith.index_cast %rem3A_51 : i32 to index
        %swap3A_1173 = arith.index_cast %add3A_1171 : i32 to index
        %swap3A_1174 = arith.constant 112 : index
        %swap3A_1175 = tpu.vector_load %arg7[%swap3A_1172, %swap3A_1173, %swap3A_1174] {strides = array<i32>} : memref<2x32x128xf32, #tpu.memory_space<vmem>>, vector<16xf32>,
        tpu.vector_store %arg7[%swap3A_1172, %swap3A_1173, %swap3A_1174], %gather3A_1167 {strides = array<i32>} : memref<2x32x128xf32, #tpu.memory_space<vmem>>, vector<16xf32>,
        %broadcast_in_dim3A_1176 = arith.constant 10 : i32
        %broadcast_in_dim3A_1177 = vector.broadcast %broadcast_in_dim3A_1176 : i32 to vector<16x1xi32>
        %gather3A_1178 = vector.shape_cast %broadcast_in_dim3A_1177 : vector<16x1xi32> to vector<16xi32>
        %gather3A_1179 = tpu.dynamic_gather %mul3A_98[%gather3A_1178] in [0] : vector<16xi32>, vector<16xi32> -> vector<16xi32>
        %add3A_1180 = arith.constant 0 : i32
        %add3A_1181 = vector.broadcast %add3A_1180 : i32 to vector<16xi32>
        %add3A_1182 = arith.addi %add3A_1181, %iota3A : vector<16xi32>
        %add3A_1183 = arith.addi %gather3A_1179, %add3A_1182 : vector<16xi32>
        %gather3A_1184 = tpu.vector_load_idx %arg6[%add3A_1183] : memref<115200xf32, #tpu.memory_space<vmem>>[vector<16xi32>], vector<16xf32>,
        %mul3A_1185 = arith.constant 16 : i32
        %mul3A_1186 = arith.muli %scan3A_89, %mul3A_1185 : i32
        %add3A_1187 = arith.constant 10 : i32
        %add3A_1188 = arith.addi %mul3A_1186, %add3A_1187 : i32
        %swap3A_1189 = arith.index_cast %rem3A_51 : i32 to index
        %swap3A_1190 = arith.index_cast %add3A_1188 : i32 to index
        %swap3A_1191 = arith.constant 0 : index
        %swap3A_1192 = tpu.vector_load %arg7[%swap3A_1189, %swap3A_1190, %swap3A_1191] {strides = array<i32>} : memref<2x32x128xf32, #tpu.memory_space<vmem>>, vector<16xf32>,
        tpu.vector_store %arg7[%swap3A_1189, %swap3A_1190, %swap3A_1191], %gather3A_1184 {strides = array<i32>} : memref<2x32x128xf32, #tpu.memory_space<vmem>>, vector<16xf32>,
        %add3A_1193 = arith.constant 16 : i32
        %add3A_1194 = vector.broadcast %add3A_1193 : i32 to vector<16xi32>
        %add3A_1195 = arith.addi %add3A_1194, %iota3A : vector<16xi32>
        %add3A_1196 = arith.addi %gather3A_1179, %add3A_1195 : vector<16xi32>
        %gather3A_1197 = tpu.vector_load_idx %arg6[%add3A_1196] : memref<115200xf32, #tpu.memory_space<vmem>>[vector<16xi32>], vector<16xf32>,
        %mul3A_1198 = arith.constant 16 : i32
        %mul3A_1199 = arith.muli %scan3A_89, %mul3A_1198 : i32
        %add3A_1200 = arith.constant 10 : i32
        %add3A_1201 = arith.addi %mul3A_1199, %add3A_1200 : i32
        %swap3A_1202 = arith.index_cast %rem3A_51 : i32 to index
        %swap3A_1203 = arith.index_cast %add3A_1201 : i32 to index
        %swap3A_1204 = arith.constant 16 : index
        %swap3A_1205 = tpu.vector_load %arg7[%swap3A_1202, %swap3A_1203, %swap3A_1204] {strides = array<i32>} : memref<2x32x128xf32, #tpu.memory_space<vmem>>, vector<16xf32>,
        tpu.vector_store %arg7[%swap3A_1202, %swap3A_1203, %swap3A_1204], %gather3A_1197 {strides = array<i32>} : memref<2x32x128xf32, #tpu.memory_space<vmem>>, vector<16xf32>,
        %add3A_1206 = arith.constant 32 : i32
        %add3A_1207 = vector.broadcast %add3A_1206 : i32 to vector<16xi32>
        %add3A_1208 = arith.addi %add3A_1207, %iota3A : vector<16xi32>
        %add3A_1209 = arith.addi %gather3A_1179, %add3A_1208 : vector<16xi32>
        %gather3A_1210 = tpu.vector_load_idx %arg6[%add3A_1209] : memref<115200xf32, #tpu.memory_space<vmem>>[vector<16xi32>], vector<16xf32>,
        %mul3A_1211 = arith.constant 16 : i32
        %mul3A_1212 = arith.muli %scan3A_89, %mul3A_1211 : i32
        %add3A_1213 = arith.constant 10 : i32
        %add3A_1214 = arith.addi %mul3A_1212, %add3A_1213 : i32
        %swap3A_1215 = arith.index_cast %rem3A_51 : i32 to index
        %swap3A_1216 = arith.index_cast %add3A_1214 : i32 to index
        %swap3A_1217 = arith.constant 32 : index
        %swap3A_1218 = tpu.vector_load %arg7[%swap3A_1215, %swap3A_1216, %swap3A_1217] {strides = array<i32>} : memref<2x32x128xf32, #tpu.memory_space<vmem>>, vector<16xf32>,
        tpu.vector_store %arg7[%swap3A_1215, %swap3A_1216, %swap3A_1217], %gather3A_1210 {strides = array<i32>} : memref<2x32x128xf32, #tpu.memory_space<vmem>>, vector<16xf32>,
        %add3A_1219 = arith.constant 48 : i32
        %add3A_1220 = vector.broadcast %add3A_1219 : i32 to vector<16xi32>
        %add3A_1221 = arith.addi %add3A_1220, %iota3A : vector<16xi32>
        %add3A_1222 = arith.addi %gather3A_1179, %add3A_1221 : vector<16xi32>
        %gather3A_1223 = tpu.vector_load_idx %arg6[%add3A_1222] : memref<115200xf32, #tpu.memory_space<vmem>>[vector<16xi32>], vector<16xf32>,
        %mul3A_1224 = arith.constant 16 : i32
        %mul3A_1225 = arith.muli %scan3A_89, %mul3A_1224 : i32
        %add3A_1226 = arith.constant 10 : i32
        %add3A_1227 = arith.addi %mul3A_1225, %add3A_1226 : i32
        %swap3A_1228 = arith.index_cast %rem3A_51 : i32 to index
        %swap3A_1229 = arith.index_cast %add3A_1227 : i32 to index
        %swap3A_1230 = arith.constant 48 : index
        %swap3A_1231 = tpu.vector_load %arg7[%swap3A_1228, %swap3A_1229, %swap3A_1230] {strides = array<i32>} : memref<2x32x128xf32, #tpu.memory_space<vmem>>, vector<16xf32>,
        tpu.vector_store %arg7[%swap3A_1228, %swap3A_1229, %swap3A_1230], %gather3A_1223 {strides = array<i32>} : memref<2x32x128xf32, #tpu.memory_space<vmem>>, vector<16xf32>,
        %add3A_1232 = arith.constant 64 : i32
        %add3A_1233 = vector.broadcast %add3A_1232 : i32 to vector<16xi32>
        %add3A_1234 = arith.addi %add3A_1233, %iota3A : vector<16xi32>
        %add3A_1235 = arith.addi %gather3A_1179, %add3A_1234 : vector<16xi32>
        %gather3A_1236 = tpu.vector_load_idx %arg6[%add3A_1235] : memref<115200xf32, #tpu.memory_space<vmem>>[vector<16xi32>], vector<16xf32>,
        %mul3A_1237 = arith.constant 16 : i32
        %mul3A_1238 = arith.muli %scan3A_89, %mul3A_1237 : i32
        %add3A_1239 = arith.constant 10 : i32
        %add3A_1240 = arith.addi %mul3A_1238, %add3A_1239 : i32
        %swap3A_1241 = arith.index_cast %rem3A_51 : i32 to index
        %swap3A_1242 = arith.index_cast %add3A_1240 : i32 to index
        %swap3A_1243 = arith.constant 64 : index
        %swap3A_1244 = tpu.vector_load %arg7[%swap3A_1241, %swap3A_1242, %swap3A_1243] {strides = array<i32>} : memref<2x32x128xf32, #tpu.memory_space<vmem>>, vector<16xf32>,
        tpu.vector_store %arg7[%swap3A_1241, %swap3A_1242, %swap3A_1243], %gather3A_1236 {strides = array<i32>} : memref<2x32x128xf32, #tpu.memory_space<vmem>>, vector<16xf32>,
        %add3A_1245 = arith.constant 80 : i32
        %add3A_1246 = vector.broadcast %add3A_1245 : i32 to vector<16xi32>
        %add3A_1247 = arith.addi %add3A_1246, %iota3A : vector<16xi32>
        %add3A_1248 = arith.addi %gather3A_1179, %add3A_1247 : vector<16xi32>
        %gather3A_1249 = tpu.vector_load_idx %arg6[%add3A_1248] : memref<115200xf32, #tpu.memory_space<vmem>>[vector<16xi32>], vector<16xf32>,
        %mul3A_1250 = arith.constant 16 : i32
        %mul3A_1251 = arith.muli %scan3A_89, %mul3A_1250 : i32
        %add3A_1252 = arith.constant 10 : i32
        %add3A_1253 = arith.addi %mul3A_1251, %add3A_1252 : i32
        %swap3A_1254 = arith.index_cast %rem3A_51 : i32 to index
        %swap3A_1255 = arith.index_cast %add3A_1253 : i32 to index
        %swap3A_1256 = arith.constant 80 : index
        %swap3A_1257 = tpu.vector_load %arg7[%swap3A_1254, %swap3A_1255, %swap3A_1256] {strides = array<i32>} : memref<2x32x128xf32, #tpu.memory_space<vmem>>, vector<16xf32>,
        tpu.vector_store %arg7[%swap3A_1254, %swap3A_1255, %swap3A_1256], %gather3A_1249 {strides = array<i32>} : memref<2x32x128xf32, #tpu.memory_space<vmem>>, vector<16xf32>,
        %add3A_1258 = arith.constant 96 : i32
        %add3A_1259 = vector.broadcast %add3A_1258 : i32 to vector<16xi32>
        %add3A_1260 = arith.addi %add3A_1259, %iota3A : vector<16xi32>
        %add3A_1261 = arith.addi %gather3A_1179, %add3A_1260 : vector<16xi32>
        %gather3A_1262 = tpu.vector_load_idx %arg6[%add3A_1261] : memref<115200xf32, #tpu.memory_space<vmem>>[vector<16xi32>], vector<16xf32>,
        %mul3A_1263 = arith.constant 16 : i32
        %mul3A_1264 = arith.muli %scan3A_89, %mul3A_1263 : i32
        %add3A_1265 = arith.constant 10 : i32
        %add3A_1266 = arith.addi %mul3A_1264, %add3A_1265 : i32
        %swap3A_1267 = arith.index_cast %rem3A_51 : i32 to index
        %swap3A_1268 = arith.index_cast %add3A_1266 : i32 to index
        %swap3A_1269 = arith.constant 96 : index
        %swap3A_1270 = tpu.vector_load %arg7[%swap3A_1267, %swap3A_1268, %swap3A_1269] {strides = array<i32>} : memref<2x32x128xf32, #tpu.memory_space<vmem>>, vector<16xf32>,
        tpu.vector_store %arg7[%swap3A_1267, %swap3A_1268, %swap3A_1269], %gather3A_1262 {strides = array<i32>} : memref<2x32x128xf32, #tpu.memory_space<vmem>>, vector<16xf32>,
        %add3A_1271 = arith.constant 112 : i32
        %add3A_1272 = vector.broadcast %add3A_1271 : i32 to vector<16xi32>
        %add3A_1273 = arith.addi %add3A_1272, %iota3A : vector<16xi32>
        %add3A_1274 = arith.addi %gather3A_1179, %add3A_1273 : vector<16xi32>
        %gather3A_1275 = tpu.vector_load_idx %arg6[%add3A_1274] : memref<115200xf32, #tpu.memory_space<vmem>>[vector<16xi32>], vector<16xf32>,
        %mul3A_1276 = arith.constant 16 : i32
        %mul3A_1277 = arith.muli %scan3A_89, %mul3A_1276 : i32
        %add3A_1278 = arith.constant 10 : i32
        %add3A_1279 = arith.addi %mul3A_1277, %add3A_1278 : i32
        %swap3A_1280 = arith.index_cast %rem3A_51 : i32 to index
        %swap3A_1281 = arith.index_cast %add3A_1279 : i32 to index
        %swap3A_1282 = arith.constant 112 : index
        %swap3A_1283 = tpu.vector_load %arg7[%swap3A_1280, %swap3A_1281, %swap3A_1282] {strides = array<i32>} : memref<2x32x128xf32, #tpu.memory_space<vmem>>, vector<16xf32>,
        tpu.vector_store %arg7[%swap3A_1280, %swap3A_1281, %swap3A_1282], %gather3A_1275 {strides = array<i32>} : memref<2x32x128xf32, #tpu.memory_space<vmem>>, vector<16xf32>,
        %broadcast_in_dim3A_1284 = arith.constant 11 : i32
        %broadcast_in_dim3A_1285 = vector.broadcast %broadcast_in_dim3A_1284 : i32 to vector<16x1xi32>
        %gather3A_1286 = vector.shape_cast %broadcast_in_dim3A_1285 : vector<16x1xi32> to vector<16xi32>
        %gather3A_1287 = tpu.dynamic_gather %mul3A_98[%gather3A_1286] in [0] : vector<16xi32>, vector<16xi32> -> vector<16xi32>
        %add3A_1288 = arith.constant 0 : i32
        %add3A_1289 = vector.broadcast %add3A_1288 : i32 to vector<16xi32>
        %add3A_1290 = arith.addi %add3A_1289, %iota3A : vector<16xi32>
        %add3A_1291 = arith.addi %gather3A_1287, %add3A_1290 : vector<16xi32>
        %gather3A_1292 = tpu.vector_load_idx %arg6[%add3A_1291] : memref<115200xf32, #tpu.memory_space<vmem>>[vector<16xi32>], vector<16xf32>,
        %mul3A_1293 = arith.constant 16 : i32
        %mul3A_1294 = arith.muli %scan3A_89, %mul3A_1293 : i32
        %add3A_1295 = arith.constant 11 : i32
        %add3A_1296 = arith.addi %mul3A_1294, %add3A_1295 : i32
        %swap3A_1297 = arith.index_cast %rem3A_51 : i32 to index
        %swap3A_1298 = arith.index_cast %add3A_1296 : i32 to index
        %swap3A_1299 = arith.constant 0 : index
        %swap3A_1300 = tpu.vector_load %arg7[%swap3A_1297, %swap3A_1298, %swap3A_1299] {strides = array<i32>} : memref<2x32x128xf32, #tpu.memory_space<vmem>>, vector<16xf32>,
        tpu.vector_store %arg7[%swap3A_1297, %swap3A_1298, %swap3A_1299], %gather3A_1292 {strides = array<i32>} : memref<2x32x128xf32, #tpu.memory_space<vmem>>, vector<16xf32>,
        %add3A_1301 = arith.constant 16 : i32
        %add3A_1302 = vector.broadcast %add3A_1301 : i32 to vector<16xi32>
        %add3A_1303 = arith.addi %add3A_1302, %iota3A : vector<16xi32>
        %add3A_1304 = arith.addi %gather3A_1287, %add3A_1303 : vector<16xi32>
        %gather3A_1305 = tpu.vector_load_idx %arg6[%add3A_1304] : memref<115200xf32, #tpu.memory_space<vmem>>[vector<16xi32>], vector<16xf32>,
        %mul3A_1306 = arith.constant 16 : i32
        %mul3A_1307 = arith.muli %scan3A_89, %mul3A_1306 : i32
        %add3A_1308 = arith.constant 11 : i32
        %add3A_1309 = arith.addi %mul3A_1307, %add3A_1308 : i32
        %swap3A_1310 = arith.index_cast %rem3A_51 : i32 to index
        %swap3A_1311 = arith.index_cast %add3A_1309 : i32 to index
        %swap3A_1312 = arith.constant 16 : index
        %swap3A_1313 = tpu.vector_load %arg7[%swap3A_1310, %swap3A_1311, %swap3A_1312] {strides = array<i32>} : memref<2x32x128xf32, #tpu.memory_space<vmem>>, vector<16xf32>,
        tpu.vector_store %arg7[%swap3A_1310, %swap3A_1311, %swap3A_1312], %gather3A_1305 {strides = array<i32>} : memref<2x32x128xf32, #tpu.memory_space<vmem>>, vector<16xf32>,
        %add3A_1314 = arith.constant 32 : i32
        %add3A_1315 = vector.broadcast %add3A_1314 : i32 to vector<16xi32>
        %add3A_1316 = arith.addi %add3A_1315, %iota3A : vector<16xi32>
        %add3A_1317 = arith.addi %gather3A_1287, %add3A_1316 : vector<16xi32>
        %gather3A_1318 = tpu.vector_load_idx %arg6[%add3A_1317] : memref<115200xf32, #tpu.memory_space<vmem>>[vector<16xi32>], vector<16xf32>,
        %mul3A_1319 = arith.constant 16 : i32
        %mul3A_1320 = arith.muli %scan3A_89, %mul3A_1319 : i32
        %add3A_1321 = arith.constant 11 : i32
        %add3A_1322 = arith.addi %mul3A_1320, %add3A_1321 : i32
        %swap3A_1323 = arith.index_cast %rem3A_51 : i32 to index
        %swap3A_1324 = arith.index_cast %add3A_1322 : i32 to index
        %swap3A_1325 = arith.constant 32 : index
        %swap3A_1326 = tpu.vector_load %arg7[%swap3A_1323, %swap3A_1324, %swap3A_1325] {strides = array<i32>} : memref<2x32x128xf32, #tpu.memory_space<vmem>>, vector<16xf32>,
        tpu.vector_store %arg7[%swap3A_1323, %swap3A_1324, %swap3A_1325], %gather3A_1318 {strides = array<i32>} : memref<2x32x128xf32, #tpu.memory_space<vmem>>, vector<16xf32>,
        %add3A_1327 = arith.constant 48 : i32
        %add3A_1328 = vector.broadcast %add3A_1327 : i32 to vector<16xi32>
        %add3A_1329 = arith.addi %add3A_1328, %iota3A : vector<16xi32>
        %add3A_1330 = arith.addi %gather3A_1287, %add3A_1329 : vector<16xi32>
        %gather3A_1331 = tpu.vector_load_idx %arg6[%add3A_1330] : memref<115200xf32, #tpu.memory_space<vmem>>[vector<16xi32>], vector<16xf32>,
        %mul3A_1332 = arith.constant 16 : i32
        %mul3A_1333 = arith.muli %scan3A_89, %mul3A_1332 : i32
        %add3A_1334 = arith.constant 11 : i32
        %add3A_1335 = arith.addi %mul3A_1333, %add3A_1334 : i32
        %swap3A_1336 = arith.index_cast %rem3A_51 : i32 to index
        %swap3A_1337 = arith.index_cast %add3A_1335 : i32 to index
        %swap3A_1338 = arith.constant 48 : index
        %swap3A_1339 = tpu.vector_load %arg7[%swap3A_1336, %swap3A_1337, %swap3A_1338] {strides = array<i32>} : memref<2x32x128xf32, #tpu.memory_space<vmem>>, vector<16xf32>,
        tpu.vector_store %arg7[%swap3A_1336, %swap3A_1337, %swap3A_1338], %gather3A_1331 {strides = array<i32>} : memref<2x32x128xf32, #tpu.memory_space<vmem>>, vector<16xf32>,
        %add3A_1340 = arith.constant 64 : i32
        %add3A_1341 = vector.broadcast %add3A_1340 : i32 to vector<16xi32>
        %add3A_1342 = arith.addi %add3A_1341, %iota3A : vector<16xi32>
        %add3A_1343 = arith.addi %gather3A_1287, %add3A_1342 : vector<16xi32>
        %gather3A_1344 = tpu.vector_load_idx %arg6[%add3A_1343] : memref<115200xf32, #tpu.memory_space<vmem>>[vector<16xi32>], vector<16xf32>,
        %mul3A_1345 = arith.constant 16 : i32
        %mul3A_1346 = arith.muli %scan3A_89, %mul3A_1345 : i32
        %add3A_1347 = arith.constant 11 : i32
        %add3A_1348 = arith.addi %mul3A_1346, %add3A_1347 : i32
        %swap3A_1349 = arith.index_cast %rem3A_51 : i32 to index
        %swap3A_1350 = arith.index_cast %add3A_1348 : i32 to index
        %swap3A_1351 = arith.constant 64 : index
        %swap3A_1352 = tpu.vector_load %arg7[%swap3A_1349, %swap3A_1350, %swap3A_1351] {strides = array<i32>} : memref<2x32x128xf32, #tpu.memory_space<vmem>>, vector<16xf32>,
        tpu.vector_store %arg7[%swap3A_1349, %swap3A_1350, %swap3A_1351], %gather3A_1344 {strides = array<i32>} : memref<2x32x128xf32, #tpu.memory_space<vmem>>, vector<16xf32>,
        %add3A_1353 = arith.constant 80 : i32
        %add3A_1354 = vector.broadcast %add3A_1353 : i32 to vector<16xi32>
        %add3A_1355 = arith.addi %add3A_1354, %iota3A : vector<16xi32>
        %add3A_1356 = arith.addi %gather3A_1287, %add3A_1355 : vector<16xi32>
        %gather3A_1357 = tpu.vector_load_idx %arg6[%add3A_1356] : memref<115200xf32, #tpu.memory_space<vmem>>[vector<16xi32>], vector<16xf32>,
        %mul3A_1358 = arith.constant 16 : i32
        %mul3A_1359 = arith.muli %scan3A_89, %mul3A_1358 : i32
        %add3A_1360 = arith.constant 11 : i32
        %add3A_1361 = arith.addi %mul3A_1359, %add3A_1360 : i32
        %swap3A_1362 = arith.index_cast %rem3A_51 : i32 to index
        %swap3A_1363 = arith.index_cast %add3A_1361 : i32 to index
        %swap3A_1364 = arith.constant 80 : index
        %swap3A_1365 = tpu.vector_load %arg7[%swap3A_1362, %swap3A_1363, %swap3A_1364] {strides = array<i32>} : memref<2x32x128xf32, #tpu.memory_space<vmem>>, vector<16xf32>,
        tpu.vector_store %arg7[%swap3A_1362, %swap3A_1363, %swap3A_1364], %gather3A_1357 {strides = array<i32>} : memref<2x32x128xf32, #tpu.memory_space<vmem>>, vector<16xf32>,
        %add3A_1366 = arith.constant 96 : i32
        %add3A_1367 = vector.broadcast %add3A_1366 : i32 to vector<16xi32>
        %add3A_1368 = arith.addi %add3A_1367, %iota3A : vector<16xi32>
        %add3A_1369 = arith.addi %gather3A_1287, %add3A_1368 : vector<16xi32>
        %gather3A_1370 = tpu.vector_load_idx %arg6[%add3A_1369] : memref<115200xf32, #tpu.memory_space<vmem>>[vector<16xi32>], vector<16xf32>,
        %mul3A_1371 = arith.constant 16 : i32
        %mul3A_1372 = arith.muli %scan3A_89, %mul3A_1371 : i32
        %add3A_1373 = arith.constant 11 : i32
        %add3A_1374 = arith.addi %mul3A_1372, %add3A_1373 : i32
        %swap3A_1375 = arith.index_cast %rem3A_51 : i32 to index
        %swap3A_1376 = arith.index_cast %add3A_1374 : i32 to index
        %swap3A_1377 = arith.constant 96 : index
        %swap3A_1378 = tpu.vector_load %arg7[%swap3A_1375, %swap3A_1376, %swap3A_1377] {strides = array<i32>} : memref<2x32x128xf32, #tpu.memory_space<vmem>>, vector<16xf32>,
        tpu.vector_store %arg7[%swap3A_1375, %swap3A_1376, %swap3A_1377], %gather3A_1370 {strides = array<i32>} : memref<2x32x128xf32, #tpu.memory_space<vmem>>, vector<16xf32>,
        %add3A_1379 = arith.constant 112 : i32
        %add3A_1380 = vector.broadcast %add3A_1379 : i32 to vector<16xi32>
        %add3A_1381 = arith.addi %add3A_1380, %iota3A : vector<16xi32>
        %add3A_1382 = arith.addi %gather3A_1287, %add3A_1381 : vector<16xi32>
        %gather3A_1383 = tpu.vector_load_idx %arg6[%add3A_1382] : memref<115200xf32, #tpu.memory_space<vmem>>[vector<16xi32>], vector<16xf32>,
        %mul3A_1384 = arith.constant 16 : i32
        %mul3A_1385 = arith.muli %scan3A_89, %mul3A_1384 : i32
        %add3A_1386 = arith.constant 11 : i32
        %add3A_1387 = arith.addi %mul3A_1385, %add3A_1386 : i32
        %swap3A_1388 = arith.index_cast %rem3A_51 : i32 to index
        %swap3A_1389 = arith.index_cast %add3A_1387 : i32 to index
        %swap3A_1390 = arith.constant 112 : index
        %swap3A_1391 = tpu.vector_load %arg7[%swap3A_1388, %swap3A_1389, %swap3A_1390] {strides = array<i32>} : memref<2x32x128xf32, #tpu.memory_space<vmem>>, vector<16xf32>,
        tpu.vector_store %arg7[%swap3A_1388, %swap3A_1389, %swap3A_1390], %gather3A_1383 {strides = array<i32>} : memref<2x32x128xf32, #tpu.memory_space<vmem>>, vector<16xf32>,
        %broadcast_in_dim3A_1392 = arith.constant 12 : i32
        %broadcast_in_dim3A_1393 = vector.broadcast %broadcast_in_dim3A_1392 : i32 to vector<16x1xi32>
        %gather3A_1394 = vector.shape_cast %broadcast_in_dim3A_1393 : vector<16x1xi32> to vector<16xi32>
        %gather3A_1395 = tpu.dynamic_gather %mul3A_98[%gather3A_1394] in [0] : vector<16xi32>, vector<16xi32> -> vector<16xi32>
        %add3A_1396 = arith.constant 0 : i32
        %add3A_1397 = vector.broadcast %add3A_1396 : i32 to vector<16xi32>
        %add3A_1398 = arith.addi %add3A_1397, %iota3A : vector<16xi32>
        %add3A_1399 = arith.addi %gather3A_1395, %add3A_1398 : vector<16xi32>
        %gather3A_1400 = tpu.vector_load_idx %arg6[%add3A_1399] : memref<115200xf32, #tpu.memory_space<vmem>>[vector<16xi32>], vector<16xf32>,
        %mul3A_1401 = arith.constant 16 : i32
        %mul3A_1402 = arith.muli %scan3A_89, %mul3A_1401 : i32
        %add3A_1403 = arith.constant 12 : i32
        %add3A_1404 = arith.addi %mul3A_1402, %add3A_1403 : i32
        %swap3A_1405 = arith.index_cast %rem3A_51 : i32 to index
        %swap3A_1406 = arith.index_cast %add3A_1404 : i32 to index
        %swap3A_1407 = arith.constant 0 : index
        %swap3A_1408 = tpu.vector_load %arg7[%swap3A_1405, %swap3A_1406, %swap3A_1407] {strides = array<i32>} : memref<2x32x128xf32, #tpu.memory_space<vmem>>, vector<16xf32>,
        tpu.vector_store %arg7[%swap3A_1405, %swap3A_1406, %swap3A_1407], %gather3A_1400 {strides = array<i32>} : memref<2x32x128xf32, #tpu.memory_space<vmem>>, vector<16xf32>,
        %add3A_1409 = arith.constant 16 : i32
        %add3A_1410 = vector.broadcast %add3A_1409 : i32 to vector<16xi32>
        %add3A_1411 = arith.addi %add3A_1410, %iota3A : vector<16xi32>
        %add3A_1412 = arith.addi %gather3A_1395, %add3A_1411 : vector<16xi32>
        %gather3A_1413 = tpu.vector_load_idx %arg6[%add3A_1412] : memref<115200xf32, #tpu.memory_space<vmem>>[vector<16xi32>], vector<16xf32>,
        %mul3A_1414 = arith.constant 16 : i32
        %mul3A_1415 = arith.muli %scan3A_89, %mul3A_1414 : i32
        %add3A_1416 = arith.constant 12 : i32
        %add3A_1417 = arith.addi %mul3A_1415, %add3A_1416 : i32
        %swap3A_1418 = arith.index_cast %rem3A_51 : i32 to index
        %swap3A_1419 = arith.index_cast %add3A_1417 : i32 to index
        %swap3A_1420 = arith.constant 16 : index
        %swap3A_1421 = tpu.vector_load %arg7[%swap3A_1418, %swap3A_1419, %swap3A_1420] {strides = array<i32>} : memref<2x32x128xf32, #tpu.memory_space<vmem>>, vector<16xf32>,
        tpu.vector_store %arg7[%swap3A_1418, %swap3A_1419, %swap3A_1420], %gather3A_1413 {strides = array<i32>} : memref<2x32x128xf32, #tpu.memory_space<vmem>>, vector<16xf32>,
        %add3A_1422 = arith.constant 32 : i32
        %add3A_1423 = vector.broadcast %add3A_1422 : i32 to vector<16xi32>
        %add3A_1424 = arith.addi %add3A_1423, %iota3A : vector<16xi32>
        %add3A_1425 = arith.addi %gather3A_1395, %add3A_1424 : vector<16xi32>
        %gather3A_1426 = tpu.vector_load_idx %arg6[%add3A_1425] : memref<115200xf32, #tpu.memory_space<vmem>>[vector<16xi32>], vector<16xf32>,
        %mul3A_1427 = arith.constant 16 : i32
        %mul3A_1428 = arith.muli %scan3A_89, %mul3A_1427 : i32
        %add3A_1429 = arith.constant 12 : i32
        %add3A_1430 = arith.addi %mul3A_1428, %add3A_1429 : i32
        %swap3A_1431 = arith.index_cast %rem3A_51 : i32 to index
        %swap3A_1432 = arith.index_cast %add3A_1430 : i32 to index
        %swap3A_1433 = arith.constant 32 : index
        %swap3A_1434 = tpu.vector_load %arg7[%swap3A_1431, %swap3A_1432, %swap3A_1433] {strides = array<i32>} : memref<2x32x128xf32, #tpu.memory_space<vmem>>, vector<16xf32>,
        tpu.vector_store %arg7[%swap3A_1431, %swap3A_1432, %swap3A_1433], %gather3A_1426 {strides = array<i32>} : memref<2x32x128xf32, #tpu.memory_space<vmem>>, vector<16xf32>,
        %add3A_1435 = arith.constant 48 : i32
        %add3A_1436 = vector.broadcast %add3A_1435 : i32 to vector<16xi32>
        %add3A_1437 = arith.addi %add3A_1436, %iota3A : vector<16xi32>
        %add3A_1438 = arith.addi %gather3A_1395, %add3A_1437 : vector<16xi32>
        %gather3A_1439 = tpu.vector_load_idx %arg6[%add3A_1438] : memref<115200xf32, #tpu.memory_space<vmem>>[vector<16xi32>], vector<16xf32>,
        %mul3A_1440 = arith.constant 16 : i32
        %mul3A_1441 = arith.muli %scan3A_89, %mul3A_1440 : i32
        %add3A_1442 = arith.constant 12 : i32
        %add3A_1443 = arith.addi %mul3A_1441, %add3A_1442 : i32
        %swap3A_1444 = arith.index_cast %rem3A_51 : i32 to index
        %swap3A_1445 = arith.index_cast %add3A_1443 : i32 to index
        %swap3A_1446 = arith.constant 48 : index
        %swap3A_1447 = tpu.vector_load %arg7[%swap3A_1444, %swap3A_1445, %swap3A_1446] {strides = array<i32>} : memref<2x32x128xf32, #tpu.memory_space<vmem>>, vector<16xf32>,
        tpu.vector_store %arg7[%swap3A_1444, %swap3A_1445, %swap3A_1446], %gather3A_1439 {strides = array<i32>} : memref<2x32x128xf32, #tpu.memory_space<vmem>>, vector<16xf32>,
        %add3A_1448 = arith.constant 64 : i32
        %add3A_1449 = vector.broadcast %add3A_1448 : i32 to vector<16xi32>
        %add3A_1450 = arith.addi %add3A_1449, %iota3A : vector<16xi32>
        %add3A_1451 = arith.addi %gather3A_1395, %add3A_1450 : vector<16xi32>
        %gather3A_1452 = tpu.vector_load_idx %arg6[%add3A_1451] : memref<115200xf32, #tpu.memory_space<vmem>>[vector<16xi32>], vector<16xf32>,
        %mul3A_1453 = arith.constant 16 : i32
        %mul3A_1454 = arith.muli %scan3A_89, %mul3A_1453 : i32
        %add3A_1455 = arith.constant 12 : i32
        %add3A_1456 = arith.addi %mul3A_1454, %add3A_1455 : i32
        %swap3A_1457 = arith.index_cast %rem3A_51 : i32 to index
        %swap3A_1458 = arith.index_cast %add3A_1456 : i32 to index
        %swap3A_1459 = arith.constant 64 : index
        %swap3A_1460 = tpu.vector_load %arg7[%swap3A_1457, %swap3A_1458, %swap3A_1459] {strides = array<i32>} : memref<2x32x128xf32, #tpu.memory_space<vmem>>, vector<16xf32>,
        tpu.vector_store %arg7[%swap3A_1457, %swap3A_1458, %swap3A_1459], %gather3A_1452 {strides = array<i32>} : memref<2x32x128xf32, #tpu.memory_space<vmem>>, vector<16xf32>,
        %add3A_1461 = arith.constant 80 : i32
        %add3A_1462 = vector.broadcast %add3A_1461 : i32 to vector<16xi32>
        %add3A_1463 = arith.addi %add3A_1462, %iota3A : vector<16xi32>
        %add3A_1464 = arith.addi %gather3A_1395, %add3A_1463 : vector<16xi32>
        %gather3A_1465 = tpu.vector_load_idx %arg6[%add3A_1464] : memref<115200xf32, #tpu.memory_space<vmem>>[vector<16xi32>], vector<16xf32>,
        %mul3A_1466 = arith.constant 16 : i32
        %mul3A_1467 = arith.muli %scan3A_89, %mul3A_1466 : i32
        %add3A_1468 = arith.constant 12 : i32
        %add3A_1469 = arith.addi %mul3A_1467, %add3A_1468 : i32
        %swap3A_1470 = arith.index_cast %rem3A_51 : i32 to index
        %swap3A_1471 = arith.index_cast %add3A_1469 : i32 to index
        %swap3A_1472 = arith.constant 80 : index
        %swap3A_1473 = tpu.vector_load %arg7[%swap3A_1470, %swap3A_1471, %swap3A_1472] {strides = array<i32>} : memref<2x32x128xf32, #tpu.memory_space<vmem>>, vector<16xf32>,
        tpu.vector_store %arg7[%swap3A_1470, %swap3A_1471, %swap3A_1472], %gather3A_1465 {strides = array<i32>} : memref<2x32x128xf32, #tpu.memory_space<vmem>>, vector<16xf32>,
        %add3A_1474 = arith.constant 96 : i32
        %add3A_1475 = vector.broadcast %add3A_1474 : i32 to vector<16xi32>
        %add3A_1476 = arith.addi %add3A_1475, %iota3A : vector<16xi32>
        %add3A_1477 = arith.addi %gather3A_1395, %add3A_1476 : vector<16xi32>
        %gather3A_1478 = tpu.vector_load_idx %arg6[%add3A_1477] : memref<115200xf32, #tpu.memory_space<vmem>>[vector<16xi32>], vector<16xf32>,
        %mul3A_1479 = arith.constant 16 : i32
        %mul3A_1480 = arith.muli %scan3A_89, %mul3A_1479 : i32
        %add3A_1481 = arith.constant 12 : i32
        %add3A_1482 = arith.addi %mul3A_1480, %add3A_1481 : i32
        %swap3A_1483 = arith.index_cast %rem3A_51 : i32 to index
        %swap3A_1484 = arith.index_cast %add3A_1482 : i32 to index
        %swap3A_1485 = arith.constant 96 : index
        %swap3A_1486 = tpu.vector_load %arg7[%swap3A_1483, %swap3A_1484, %swap3A_1485] {strides = array<i32>} : memref<2x32x128xf32, #tpu.memory_space<vmem>>, vector<16xf32>,
        tpu.vector_store %arg7[%swap3A_1483, %swap3A_1484, %swap3A_1485], %gather3A_1478 {strides = array<i32>} : memref<2x32x128xf32, #tpu.memory_space<vmem>>, vector<16xf32>,
        %add3A_1487 = arith.constant 112 : i32
        %add3A_1488 = vector.broadcast %add3A_1487 : i32 to vector<16xi32>
        %add3A_1489 = arith.addi %add3A_1488, %iota3A : vector<16xi32>
        %add3A_1490 = arith.addi %gather3A_1395, %add3A_1489 : vector<16xi32>
        %gather3A_1491 = tpu.vector_load_idx %arg6[%add3A_1490] : memref<115200xf32, #tpu.memory_space<vmem>>[vector<16xi32>], vector<16xf32>,
        %mul3A_1492 = arith.constant 16 : i32
        %mul3A_1493 = arith.muli %scan3A_89, %mul3A_1492 : i32
        %add3A_1494 = arith.constant 12 : i32
        %add3A_1495 = arith.addi %mul3A_1493, %add3A_1494 : i32
        %swap3A_1496 = arith.index_cast %rem3A_51 : i32 to index
        %swap3A_1497 = arith.index_cast %add3A_1495 : i32 to index
        %swap3A_1498 = arith.constant 112 : index
        %swap3A_1499 = tpu.vector_load %arg7[%swap3A_1496, %swap3A_1497, %swap3A_1498] {strides = array<i32>} : memref<2x32x128xf32, #tpu.memory_space<vmem>>, vector<16xf32>,
        tpu.vector_store %arg7[%swap3A_1496, %swap3A_1497, %swap3A_1498], %gather3A_1491 {strides = array<i32>} : memref<2x32x128xf32, #tpu.memory_space<vmem>>, vector<16xf32>,
        %broadcast_in_dim3A_1500 = arith.constant 13 : i32
        %broadcast_in_dim3A_1501 = vector.broadcast %broadcast_in_dim3A_1500 : i32 to vector<16x1xi32>
        %gather3A_1502 = vector.shape_cast %broadcast_in_dim3A_1501 : vector<16x1xi32> to vector<16xi32>
        %gather3A_1503 = tpu.dynamic_gather %mul3A_98[%gather3A_1502] in [0] : vector<16xi32>, vector<16xi32> -> vector<16xi32>
        %add3A_1504 = arith.constant 0 : i32
        %add3A_1505 = vector.broadcast %add3A_1504 : i32 to vector<16xi32>
        %add3A_1506 = arith.addi %add3A_1505, %iota3A : vector<16xi32>
        %add3A_1507 = arith.addi %gather3A_1503, %add3A_1506 : vector<16xi32>
        %gather3A_1508 = tpu.vector_load_idx %arg6[%add3A_1507] : memref<115200xf32, #tpu.memory_space<vmem>>[vector<16xi32>], vector<16xf32>,
        %mul3A_1509 = arith.constant 16 : i32
        %mul3A_1510 = arith.muli %scan3A_89, %mul3A_1509 : i32
        %add3A_1511 = arith.constant 13 : i32
        %add3A_1512 = arith.addi %mul3A_1510, %add3A_1511 : i32
        %swap3A_1513 = arith.index_cast %rem3A_51 : i32 to index
        %swap3A_1514 = arith.index_cast %add3A_1512 : i32 to index
        %swap3A_1515 = arith.constant 0 : index
        %swap3A_1516 = tpu.vector_load %arg7[%swap3A_1513, %swap3A_1514, %swap3A_1515] {strides = array<i32>} : memref<2x32x128xf32, #tpu.memory_space<vmem>>, vector<16xf32>,
        tpu.vector_store %arg7[%swap3A_1513, %swap3A_1514, %swap3A_1515], %gather3A_1508 {strides = array<i32>} : memref<2x32x128xf32, #tpu.memory_space<vmem>>, vector<16xf32>,
        %add3A_1517 = arith.constant 16 : i32
        %add3A_1518 = vector.broadcast %add3A_1517 : i32 to vector<16xi32>
        %add3A_1519 = arith.addi %add3A_1518, %iota3A : vector<16xi32>
        %add3A_1520 = arith.addi %gather3A_1503, %add3A_1519 : vector<16xi32>
        %gather3A_1521 = tpu.vector_load_idx %arg6[%add3A_1520] : memref<115200xf32, #tpu.memory_space<vmem>>[vector<16xi32>], vector<16xf32>,
        %mul3A_1522 = arith.constant 16 : i32
        %mul3A_1523 = arith.muli %scan3A_89, %mul3A_1522 : i32
        %add3A_1524 = arith.constant 13 : i32
        %add3A_1525 = arith.addi %mul3A_1523, %add3A_1524 : i32
        %swap3A_1526 = arith.index_cast %rem3A_51 : i32 to index
        %swap3A_1527 = arith.index_cast %add3A_1525 : i32 to index
        %swap3A_1528 = arith.constant 16 : index
        %swap3A_1529 = tpu.vector_load %arg7[%swap3A_1526, %swap3A_1527, %swap3A_1528] {strides = array<i32>} : memref<2x32x128xf32, #tpu.memory_space<vmem>>, vector<16xf32>,
        tpu.vector_store %arg7[%swap3A_1526, %swap3A_1527, %swap3A_1528], %gather3A_1521 {strides = array<i32>} : memref<2x32x128xf32, #tpu.memory_space<vmem>>, vector<16xf32>,
        %add3A_1530 = arith.constant 32 : i32
        %add3A_1531 = vector.broadcast %add3A_1530 : i32 to vector<16xi32>
        %add3A_1532 = arith.addi %add3A_1531, %iota3A : vector<16xi32>
        %add3A_1533 = arith.addi %gather3A_1503, %add3A_1532 : vector<16xi32>
        %gather3A_1534 = tpu.vector_load_idx %arg6[%add3A_1533] : memref<115200xf32, #tpu.memory_space<vmem>>[vector<16xi32>], vector<16xf32>,
        %mul3A_1535 = arith.constant 16 : i32
        %mul3A_1536 = arith.muli %scan3A_89, %mul3A_1535 : i32
        %add3A_1537 = arith.constant 13 : i32
        %add3A_1538 = arith.addi %mul3A_1536, %add3A_1537 : i32
        %swap3A_1539 = arith.index_cast %rem3A_51 : i32 to index
        %swap3A_1540 = arith.index_cast %add3A_1538 : i32 to index
        %swap3A_1541 = arith.constant 32 : index
        %swap3A_1542 = tpu.vector_load %arg7[%swap3A_1539, %swap3A_1540, %swap3A_1541] {strides = array<i32>} : memref<2x32x128xf32, #tpu.memory_space<vmem>>, vector<16xf32>,
        tpu.vector_store %arg7[%swap3A_1539, %swap3A_1540, %swap3A_1541], %gather3A_1534 {strides = array<i32>} : memref<2x32x128xf32, #tpu.memory_space<vmem>>, vector<16xf32>,
        %add3A_1543 = arith.constant 48 : i32
        %add3A_1544 = vector.broadcast %add3A_1543 : i32 to vector<16xi32>
        %add3A_1545 = arith.addi %add3A_1544, %iota3A : vector<16xi32>
        %add3A_1546 = arith.addi %gather3A_1503, %add3A_1545 : vector<16xi32>
        %gather3A_1547 = tpu.vector_load_idx %arg6[%add3A_1546] : memref<115200xf32, #tpu.memory_space<vmem>>[vector<16xi32>], vector<16xf32>,
        %mul3A_1548 = arith.constant 16 : i32
        %mul3A_1549 = arith.muli %scan3A_89, %mul3A_1548 : i32
        %add3A_1550 = arith.constant 13 : i32
        %add3A_1551 = arith.addi %mul3A_1549, %add3A_1550 : i32
        %swap3A_1552 = arith.index_cast %rem3A_51 : i32 to index
        %swap3A_1553 = arith.index_cast %add3A_1551 : i32 to index
        %swap3A_1554 = arith.constant 48 : index
        %swap3A_1555 = tpu.vector_load %arg7[%swap3A_1552, %swap3A_1553, %swap3A_1554] {strides = array<i32>} : memref<2x32x128xf32, #tpu.memory_space<vmem>>, vector<16xf32>,
        tpu.vector_store %arg7[%swap3A_1552, %swap3A_1553, %swap3A_1554], %gather3A_1547 {strides = array<i32>} : memref<2x32x128xf32, #tpu.memory_space<vmem>>, vector<16xf32>,
        %add3A_1556 = arith.constant 64 : i32
        %add3A_1557 = vector.broadcast %add3A_1556 : i32 to vector<16xi32>
        %add3A_1558 = arith.addi %add3A_1557, %iota3A : vector<16xi32>
        %add3A_1559 = arith.addi %gather3A_1503, %add3A_1558 : vector<16xi32>
        %gather3A_1560 = tpu.vector_load_idx %arg6[%add3A_1559] : memref<115200xf32, #tpu.memory_space<vmem>>[vector<16xi32>], vector<16xf32>,
        %mul3A_1561 = arith.constant 16 : i32
        %mul3A_1562 = arith.muli %scan3A_89, %mul3A_1561 : i32
        %add3A_1563 = arith.constant 13 : i32
        %add3A_1564 = arith.addi %mul3A_1562, %add3A_1563 : i32
        %swap3A_1565 = arith.index_cast %rem3A_51 : i32 to index
        %swap3A_1566 = arith.index_cast %add3A_1564 : i32 to index
        %swap3A_1567 = arith.constant 64 : index
        %swap3A_1568 = tpu.vector_load %arg7[%swap3A_1565, %swap3A_1566, %swap3A_1567] {strides = array<i32>} : memref<2x32x128xf32, #tpu.memory_space<vmem>>, vector<16xf32>,
        tpu.vector_store %arg7[%swap3A_1565, %swap3A_1566, %swap3A_1567], %gather3A_1560 {strides = array<i32>} : memref<2x32x128xf32, #tpu.memory_space<vmem>>, vector<16xf32>,
        %add3A_1569 = arith.constant 80 : i32
        %add3A_1570 = vector.broadcast %add3A_1569 : i32 to vector<16xi32>
        %add3A_1571 = arith.addi %add3A_1570, %iota3A : vector<16xi32>
        %add3A_1572 = arith.addi %gather3A_1503, %add3A_1571 : vector<16xi32>
        %gather3A_1573 = tpu.vector_load_idx %arg6[%add3A_1572] : memref<115200xf32, #tpu.memory_space<vmem>>[vector<16xi32>], vector<16xf32>,
        %mul3A_1574 = arith.constant 16 : i32
        %mul3A_1575 = arith.muli %scan3A_89, %mul3A_1574 : i32
        %add3A_1576 = arith.constant 13 : i32
        %add3A_1577 = arith.addi %mul3A_1575, %add3A_1576 : i32
        %swap3A_1578 = arith.index_cast %rem3A_51 : i32 to index
        %swap3A_1579 = arith.index_cast %add3A_1577 : i32 to index
        %swap3A_1580 = arith.constant 80 : index
        %swap3A_1581 = tpu.vector_load %arg7[%swap3A_1578, %swap3A_1579, %swap3A_1580] {strides = array<i32>} : memref<2x32x128xf32, #tpu.memory_space<vmem>>, vector<16xf32>,
        tpu.vector_store %arg7[%swap3A_1578, %swap3A_1579, %swap3A_1580], %gather3A_1573 {strides = array<i32>} : memref<2x32x128xf32, #tpu.memory_space<vmem>>, vector<16xf32>,
        %add3A_1582 = arith.constant 96 : i32
        %add3A_1583 = vector.broadcast %add3A_1582 : i32 to vector<16xi32>
        %add3A_1584 = arith.addi %add3A_1583, %iota3A : vector<16xi32>
        %add3A_1585 = arith.addi %gather3A_1503, %add3A_1584 : vector<16xi32>
        %gather3A_1586 = tpu.vector_load_idx %arg6[%add3A_1585] : memref<115200xf32, #tpu.memory_space<vmem>>[vector<16xi32>], vector<16xf32>,
        %mul3A_1587 = arith.constant 16 : i32
        %mul3A_1588 = arith.muli %scan3A_89, %mul3A_1587 : i32
        %add3A_1589 = arith.constant 13 : i32
        %add3A_1590 = arith.addi %mul3A_1588, %add3A_1589 : i32
        %swap3A_1591 = arith.index_cast %rem3A_51 : i32 to index
        %swap3A_1592 = arith.index_cast %add3A_1590 : i32 to index
        %swap3A_1593 = arith.constant 96 : index
        %swap3A_1594 = tpu.vector_load %arg7[%swap3A_1591, %swap3A_1592, %swap3A_1593] {strides = array<i32>} : memref<2x32x128xf32, #tpu.memory_space<vmem>>, vector<16xf32>,
        tpu.vector_store %arg7[%swap3A_1591, %swap3A_1592, %swap3A_1593], %gather3A_1586 {strides = array<i32>} : memref<2x32x128xf32, #tpu.memory_space<vmem>>, vector<16xf32>,
        %add3A_1595 = arith.constant 112 : i32
        %add3A_1596 = vector.broadcast %add3A_1595 : i32 to vector<16xi32>
        %add3A_1597 = arith.addi %add3A_1596, %iota3A : vector<16xi32>
        %add3A_1598 = arith.addi %gather3A_1503, %add3A_1597 : vector<16xi32>
        %gather3A_1599 = tpu.vector_load_idx %arg6[%add3A_1598] : memref<115200xf32, #tpu.memory_space<vmem>>[vector<16xi32>], vector<16xf32>,
        %mul3A_1600 = arith.constant 16 : i32
        %mul3A_1601 = arith.muli %scan3A_89, %mul3A_1600 : i32
        %add3A_1602 = arith.constant 13 : i32
        %add3A_1603 = arith.addi %mul3A_1601, %add3A_1602 : i32
        %swap3A_1604 = arith.index_cast %rem3A_51 : i32 to index
        %swap3A_1605 = arith.index_cast %add3A_1603 : i32 to index
        %swap3A_1606 = arith.constant 112 : index
        %swap3A_1607 = tpu.vector_load %arg7[%swap3A_1604, %swap3A_1605, %swap3A_1606] {strides = array<i32>} : memref<2x32x128xf32, #tpu.memory_space<vmem>>, vector<16xf32>,
        tpu.vector_store %arg7[%swap3A_1604, %swap3A_1605, %swap3A_1606], %gather3A_1599 {strides = array<i32>} : memref<2x32x128xf32, #tpu.memory_space<vmem>>, vector<16xf32>,
        %broadcast_in_dim3A_1608 = arith.constant 14 : i32
        %broadcast_in_dim3A_1609 = vector.broadcast %broadcast_in_dim3A_1608 : i32 to vector<16x1xi32>
        %gather3A_1610 = vector.shape_cast %broadcast_in_dim3A_1609 : vector<16x1xi32> to vector<16xi32>
        %gather3A_1611 = tpu.dynamic_gather %mul3A_98[%gather3A_1610] in [0] : vector<16xi32>, vector<16xi32> -> vector<16xi32>
        %add3A_1612 = arith.constant 0 : i32
        %add3A_1613 = vector.broadcast %add3A_1612 : i32 to vector<16xi32>
        %add3A_1614 = arith.addi %add3A_1613, %iota3A : vector<16xi32>
        %add3A_1615 = arith.addi %gather3A_1611, %add3A_1614 : vector<16xi32>
        %gather3A_1616 = tpu.vector_load_idx %arg6[%add3A_1615] : memref<115200xf32, #tpu.memory_space<vmem>>[vector<16xi32>], vector<16xf32>,
        %mul3A_1617 = arith.constant 16 : i32
        %mul3A_1618 = arith.muli %scan3A_89, %mul3A_1617 : i32
        %add3A_1619 = arith.constant 14 : i32
        %add3A_1620 = arith.addi %mul3A_1618, %add3A_1619 : i32
        %swap3A_1621 = arith.index_cast %rem3A_51 : i32 to index
        %swap3A_1622 = arith.index_cast %add3A_1620 : i32 to index
        %swap3A_1623 = arith.constant 0 : index
        %swap3A_1624 = tpu.vector_load %arg7[%swap3A_1621, %swap3A_1622, %swap3A_1623] {strides = array<i32>} : memref<2x32x128xf32, #tpu.memory_space<vmem>>, vector<16xf32>,
        tpu.vector_store %arg7[%swap3A_1621, %swap3A_1622, %swap3A_1623], %gather3A_1616 {strides = array<i32>} : memref<2x32x128xf32, #tpu.memory_space<vmem>>, vector<16xf32>,
        %add3A_1625 = arith.constant 16 : i32
        %add3A_1626 = vector.broadcast %add3A_1625 : i32 to vector<16xi32>
        %add3A_1627 = arith.addi %add3A_1626, %iota3A : vector<16xi32>
        %add3A_1628 = arith.addi %gather3A_1611, %add3A_1627 : vector<16xi32>
        %gather3A_1629 = tpu.vector_load_idx %arg6[%add3A_1628] : memref<115200xf32, #tpu.memory_space<vmem>>[vector<16xi32>], vector<16xf32>,
        %mul3A_1630 = arith.constant 16 : i32
        %mul3A_1631 = arith.muli %scan3A_89, %mul3A_1630 : i32
        %add3A_1632 = arith.constant 14 : i32
        %add3A_1633 = arith.addi %mul3A_1631, %add3A_1632 : i32
        %swap3A_1634 = arith.index_cast %rem3A_51 : i32 to index
        %swap3A_1635 = arith.index_cast %add3A_1633 : i32 to index
        %swap3A_1636 = arith.constant 16 : index
        %swap3A_1637 = tpu.vector_load %arg7[%swap3A_1634, %swap3A_1635, %swap3A_1636] {strides = array<i32>} : memref<2x32x128xf32, #tpu.memory_space<vmem>>, vector<16xf32>,
        tpu.vector_store %arg7[%swap3A_1634, %swap3A_1635, %swap3A_1636], %gather3A_1629 {strides = array<i32>} : memref<2x32x128xf32, #tpu.memory_space<vmem>>, vector<16xf32>,
        %add3A_1638 = arith.constant 32 : i32
        %add3A_1639 = vector.broadcast %add3A_1638 : i32 to vector<16xi32>
        %add3A_1640 = arith.addi %add3A_1639, %iota3A : vector<16xi32>
        %add3A_1641 = arith.addi %gather3A_1611, %add3A_1640 : vector<16xi32>
        %gather3A_1642 = tpu.vector_load_idx %arg6[%add3A_1641] : memref<115200xf32, #tpu.memory_space<vmem>>[vector<16xi32>], vector<16xf32>,
        %mul3A_1643 = arith.constant 16 : i32
        %mul3A_1644 = arith.muli %scan3A_89, %mul3A_1643 : i32
        %add3A_1645 = arith.constant 14 : i32
        %add3A_1646 = arith.addi %mul3A_1644, %add3A_1645 : i32
        %swap3A_1647 = arith.index_cast %rem3A_51 : i32 to index
        %swap3A_1648 = arith.index_cast %add3A_1646 : i32 to index
        %swap3A_1649 = arith.constant 32 : index
        %swap3A_1650 = tpu.vector_load %arg7[%swap3A_1647, %swap3A_1648, %swap3A_1649] {strides = array<i32>} : memref<2x32x128xf32, #tpu.memory_space<vmem>>, vector<16xf32>,
        tpu.vector_store %arg7[%swap3A_1647, %swap3A_1648, %swap3A_1649], %gather3A_1642 {strides = array<i32>} : memref<2x32x128xf32, #tpu.memory_space<vmem>>, vector<16xf32>,
        %add3A_1651 = arith.constant 48 : i32
        %add3A_1652 = vector.broadcast %add3A_1651 : i32 to vector<16xi32>
        %add3A_1653 = arith.addi %add3A_1652, %iota3A : vector<16xi32>
        %add3A_1654 = arith.addi %gather3A_1611, %add3A_1653 : vector<16xi32>
        %gather3A_1655 = tpu.vector_load_idx %arg6[%add3A_1654] : memref<115200xf32, #tpu.memory_space<vmem>>[vector<16xi32>], vector<16xf32>,
        %mul3A_1656 = arith.constant 16 : i32
        %mul3A_1657 = arith.muli %scan3A_89, %mul3A_1656 : i32
        %add3A_1658 = arith.constant 14 : i32
        %add3A_1659 = arith.addi %mul3A_1657, %add3A_1658 : i32
        %swap3A_1660 = arith.index_cast %rem3A_51 : i32 to index
        %swap3A_1661 = arith.index_cast %add3A_1659 : i32 to index
        %swap3A_1662 = arith.constant 48 : index
        %swap3A_1663 = tpu.vector_load %arg7[%swap3A_1660, %swap3A_1661, %swap3A_1662] {strides = array<i32>} : memref<2x32x128xf32, #tpu.memory_space<vmem>>, vector<16xf32>,
        tpu.vector_store %arg7[%swap3A_1660, %swap3A_1661, %swap3A_1662], %gather3A_1655 {strides = array<i32>} : memref<2x32x128xf32, #tpu.memory_space<vmem>>, vector<16xf32>,
        %add3A_1664 = arith.constant 64 : i32
        %add3A_1665 = vector.broadcast %add3A_1664 : i32 to vector<16xi32>
        %add3A_1666 = arith.addi %add3A_1665, %iota3A : vector<16xi32>
        %add3A_1667 = arith.addi %gather3A_1611, %add3A_1666 : vector<16xi32>
        %gather3A_1668 = tpu.vector_load_idx %arg6[%add3A_1667] : memref<115200xf32, #tpu.memory_space<vmem>>[vector<16xi32>], vector<16xf32>,
        %mul3A_1669 = arith.constant 16 : i32
        %mul3A_1670 = arith.muli %scan3A_89, %mul3A_1669 : i32
        %add3A_1671 = arith.constant 14 : i32
        %add3A_1672 = arith.addi %mul3A_1670, %add3A_1671 : i32
        %swap3A_1673 = arith.index_cast %rem3A_51 : i32 to index
        %swap3A_1674 = arith.index_cast %add3A_1672 : i32 to index
        %swap3A_1675 = arith.constant 64 : index
        %swap3A_1676 = tpu.vector_load %arg7[%swap3A_1673, %swap3A_1674, %swap3A_1675] {strides = array<i32>} : memref<2x32x128xf32, #tpu.memory_space<vmem>>, vector<16xf32>,
        tpu.vector_store %arg7[%swap3A_1673, %swap3A_1674, %swap3A_1675], %gather3A_1668 {strides = array<i32>} : memref<2x32x128xf32, #tpu.memory_space<vmem>>, vector<16xf32>,
        %add3A_1677 = arith.constant 80 : i32
        %add3A_1678 = vector.broadcast %add3A_1677 : i32 to vector<16xi32>
        %add3A_1679 = arith.addi %add3A_1678, %iota3A : vector<16xi32>
        %add3A_1680 = arith.addi %gather3A_1611, %add3A_1679 : vector<16xi32>
        %gather3A_1681 = tpu.vector_load_idx %arg6[%add3A_1680] : memref<115200xf32, #tpu.memory_space<vmem>>[vector<16xi32>], vector<16xf32>,
        %mul3A_1682 = arith.constant 16 : i32
        %mul3A_1683 = arith.muli %scan3A_89, %mul3A_1682 : i32
        %add3A_1684 = arith.constant 14 : i32
        %add3A_1685 = arith.addi %mul3A_1683, %add3A_1684 : i32
        %swap3A_1686 = arith.index_cast %rem3A_51 : i32 to index
        %swap3A_1687 = arith.index_cast %add3A_1685 : i32 to index
        %swap3A_1688 = arith.constant 80 : index
        %swap3A_1689 = tpu.vector_load %arg7[%swap3A_1686, %swap3A_1687, %swap3A_1688] {strides = array<i32>} : memref<2x32x128xf32, #tpu.memory_space<vmem>>, vector<16xf32>,
        tpu.vector_store %arg7[%swap3A_1686, %swap3A_1687, %swap3A_1688], %gather3A_1681 {strides = array<i32>} : memref<2x32x128xf32, #tpu.memory_space<vmem>>, vector<16xf32>,
        %add3A_1690 = arith.constant 96 : i32
        %add3A_1691 = vector.broadcast %add3A_1690 : i32 to vector<16xi32>
        %add3A_1692 = arith.addi %add3A_1691, %iota3A : vector<16xi32>
        %add3A_1693 = arith.addi %gather3A_1611, %add3A_1692 : vector<16xi32>
        %gather3A_1694 = tpu.vector_load_idx %arg6[%add3A_1693] : memref<115200xf32, #tpu.memory_space<vmem>>[vector<16xi32>], vector<16xf32>,
        %mul3A_1695 = arith.constant 16 : i32
        %mul3A_1696 = arith.muli %scan3A_89, %mul3A_1695 : i32
        %add3A_1697 = arith.constant 14 : i32
        %add3A_1698 = arith.addi %mul3A_1696, %add3A_1697 : i32
        %swap3A_1699 = arith.index_cast %rem3A_51 : i32 to index
        %swap3A_1700 = arith.index_cast %add3A_1698 : i32 to index
        %swap3A_1701 = arith.constant 96 : index
        %swap3A_1702 = tpu.vector_load %arg7[%swap3A_1699, %swap3A_1700, %swap3A_1701] {strides = array<i32>} : memref<2x32x128xf32, #tpu.memory_space<vmem>>, vector<16xf32>,
        tpu.vector_store %arg7[%swap3A_1699, %swap3A_1700, %swap3A_1701], %gather3A_1694 {strides = array<i32>} : memref<2x32x128xf32, #tpu.memory_space<vmem>>, vector<16xf32>,
        %add3A_1703 = arith.constant 112 : i32
        %add3A_1704 = vector.broadcast %add3A_1703 : i32 to vector<16xi32>
        %add3A_1705 = arith.addi %add3A_1704, %iota3A : vector<16xi32>
        %add3A_1706 = arith.addi %gather3A_1611, %add3A_1705 : vector<16xi32>
        %gather3A_1707 = tpu.vector_load_idx %arg6[%add3A_1706] : memref<115200xf32, #tpu.memory_space<vmem>>[vector<16xi32>], vector<16xf32>,
        %mul3A_1708 = arith.constant 16 : i32
        %mul3A_1709 = arith.muli %scan3A_89, %mul3A_1708 : i32
        %add3A_1710 = arith.constant 14 : i32
        %add3A_1711 = arith.addi %mul3A_1709, %add3A_1710 : i32
        %swap3A_1712 = arith.index_cast %rem3A_51 : i32 to index
        %swap3A_1713 = arith.index_cast %add3A_1711 : i32 to index
        %swap3A_1714 = arith.constant 112 : index
        %swap3A_1715 = tpu.vector_load %arg7[%swap3A_1712, %swap3A_1713, %swap3A_1714] {strides = array<i32>} : memref<2x32x128xf32, #tpu.memory_space<vmem>>, vector<16xf32>,
        tpu.vector_store %arg7[%swap3A_1712, %swap3A_1713, %swap3A_1714], %gather3A_1707 {strides = array<i32>} : memref<2x32x128xf32, #tpu.memory_space<vmem>>, vector<16xf32>,
        %broadcast_in_dim3A_1716 = arith.constant 15 : i32
        %broadcast_in_dim3A_1717 = vector.broadcast %broadcast_in_dim3A_1716 : i32 to vector<16x1xi32>
        %gather3A_1718 = vector.shape_cast %broadcast_in_dim3A_1717 : vector<16x1xi32> to vector<16xi32>
        %gather3A_1719 = tpu.dynamic_gather %mul3A_98[%gather3A_1718] in [0] : vector<16xi32>, vector<16xi32> -> vector<16xi32>
        %add3A_1720 = arith.constant 0 : i32
        %add3A_1721 = vector.broadcast %add3A_1720 : i32 to vector<16xi32>
        %add3A_1722 = arith.addi %add3A_1721, %iota3A : vector<16xi32>
        %add3A_1723 = arith.addi %gather3A_1719, %add3A_1722 : vector<16xi32>
        %gather3A_1724 = tpu.vector_load_idx %arg6[%add3A_1723] : memref<115200xf32, #tpu.memory_space<vmem>>[vector<16xi32>], vector<16xf32>,
        %mul3A_1725 = arith.constant 16 : i32
        %mul3A_1726 = arith.muli %scan3A_89, %mul3A_1725 : i32
        %add3A_1727 = arith.constant 15 : i32
        %add3A_1728 = arith.addi %mul3A_1726, %add3A_1727 : i32
        %swap3A_1729 = arith.index_cast %rem3A_51 : i32 to index
        %swap3A_1730 = arith.index_cast %add3A_1728 : i32 to index
        %swap3A_1731 = arith.constant 0 : index
        %swap3A_1732 = tpu.vector_load %arg7[%swap3A_1729, %swap3A_1730, %swap3A_1731] {strides = array<i32>} : memref<2x32x128xf32, #tpu.memory_space<vmem>>, vector<16xf32>,
        tpu.vector_store %arg7[%swap3A_1729, %swap3A_1730, %swap3A_1731], %gather3A_1724 {strides = array<i32>} : memref<2x32x128xf32, #tpu.memory_space<vmem>>, vector<16xf32>,
        %add3A_1733 = arith.constant 16 : i32
        %add3A_1734 = vector.broadcast %add3A_1733 : i32 to vector<16xi32>
        %add3A_1735 = arith.addi %add3A_1734, %iota3A : vector<16xi32>
        %add3A_1736 = arith.addi %gather3A_1719, %add3A_1735 : vector<16xi32>
        %gather3A_1737 = tpu.vector_load_idx %arg6[%add3A_1736] : memref<115200xf32, #tpu.memory_space<vmem>>[vector<16xi32>], vector<16xf32>,
        %mul3A_1738 = arith.constant 16 : i32
        %mul3A_1739 = arith.muli %scan3A_89, %mul3A_1738 : i32
        %add3A_1740 = arith.constant 15 : i32
        %add3A_1741 = arith.addi %mul3A_1739, %add3A_1740 : i32
        %swap3A_1742 = arith.index_cast %rem3A_51 : i32 to index
        %swap3A_1743 = arith.index_cast %add3A_1741 : i32 to index
        %swap3A_1744 = arith.constant 16 : index
        %swap3A_1745 = tpu.vector_load %arg7[%swap3A_1742, %swap3A_1743, %swap3A_1744] {strides = array<i32>} : memref<2x32x128xf32, #tpu.memory_space<vmem>>, vector<16xf32>,
        tpu.vector_store %arg7[%swap3A_1742, %swap3A_1743, %swap3A_1744], %gather3A_1737 {strides = array<i32>} : memref<2x32x128xf32, #tpu.memory_space<vmem>>, vector<16xf32>,
        %add3A_1746 = arith.constant 32 : i32
        %add3A_1747 = vector.broadcast %add3A_1746 : i32 to vector<16xi32>
        %add3A_1748 = arith.addi %add3A_1747, %iota3A : vector<16xi32>
        %add3A_1749 = arith.addi %gather3A_1719, %add3A_1748 : vector<16xi32>
        %gather3A_1750 = tpu.vector_load_idx %arg6[%add3A_1749] : memref<115200xf32, #tpu.memory_space<vmem>>[vector<16xi32>], vector<16xf32>,
        %mul3A_1751 = arith.constant 16 : i32
        %mul3A_1752 = arith.muli %scan3A_89, %mul3A_1751 : i32
        %add3A_1753 = arith.constant 15 : i32
        %add3A_1754 = arith.addi %mul3A_1752, %add3A_1753 : i32
        %swap3A_1755 = arith.index_cast %rem3A_51 : i32 to index
        %swap3A_1756 = arith.index_cast %add3A_1754 : i32 to index
        %swap3A_1757 = arith.constant 32 : index
        %swap3A_1758 = tpu.vector_load %arg7[%swap3A_1755, %swap3A_1756, %swap3A_1757] {strides = array<i32>} : memref<2x32x128xf32, #tpu.memory_space<vmem>>, vector<16xf32>,
        tpu.vector_store %arg7[%swap3A_1755, %swap3A_1756, %swap3A_1757], %gather3A_1750 {strides = array<i32>} : memref<2x32x128xf32, #tpu.memory_space<vmem>>, vector<16xf32>,
        %add3A_1759 = arith.constant 48 : i32
        %add3A_1760 = vector.broadcast %add3A_1759 : i32 to vector<16xi32>
        %add3A_1761 = arith.addi %add3A_1760, %iota3A : vector<16xi32>
        %add3A_1762 = arith.addi %gather3A_1719, %add3A_1761 : vector<16xi32>
        %gather3A_1763 = tpu.vector_load_idx %arg6[%add3A_1762] : memref<115200xf32, #tpu.memory_space<vmem>>[vector<16xi32>], vector<16xf32>,
        %mul3A_1764 = arith.constant 16 : i32
        %mul3A_1765 = arith.muli %scan3A_89, %mul3A_1764 : i32
        %add3A_1766 = arith.constant 15 : i32
        %add3A_1767 = arith.addi %mul3A_1765, %add3A_1766 : i32
        %swap3A_1768 = arith.index_cast %rem3A_51 : i32 to index
        %swap3A_1769 = arith.index_cast %add3A_1767 : i32 to index
        %swap3A_1770 = arith.constant 48 : index
        %swap3A_1771 = tpu.vector_load %arg7[%swap3A_1768, %swap3A_1769, %swap3A_1770] {strides = array<i32>} : memref<2x32x128xf32, #tpu.memory_space<vmem>>, vector<16xf32>,
        tpu.vector_store %arg7[%swap3A_1768, %swap3A_1769, %swap3A_1770], %gather3A_1763 {strides = array<i32>} : memref<2x32x128xf32, #tpu.memory_space<vmem>>, vector<16xf32>,
        %add3A_1772 = arith.constant 64 : i32
        %add3A_1773 = vector.broadcast %add3A_1772 : i32 to vector<16xi32>
        %add3A_1774 = arith.addi %add3A_1773, %iota3A : vector<16xi32>
        %add3A_1775 = arith.addi %gather3A_1719, %add3A_1774 : vector<16xi32>
        %gather3A_1776 = tpu.vector_load_idx %arg6[%add3A_1775] : memref<115200xf32, #tpu.memory_space<vmem>>[vector<16xi32>], vector<16xf32>,
        %mul3A_1777 = arith.constant 16 : i32
        %mul3A_1778 = arith.muli %scan3A_89, %mul3A_1777 : i32
        %add3A_1779 = arith.constant 15 : i32
        %add3A_1780 = arith.addi %mul3A_1778, %add3A_1779 : i32
        %swap3A_1781 = arith.index_cast %rem3A_51 : i32 to index
        %swap3A_1782 = arith.index_cast %add3A_1780 : i32 to index
        %swap3A_1783 = arith.constant 64 : index
        %swap3A_1784 = tpu.vector_load %arg7[%swap3A_1781, %swap3A_1782, %swap3A_1783] {strides = array<i32>} : memref<2x32x128xf32, #tpu.memory_space<vmem>>, vector<16xf32>,
        tpu.vector_store %arg7[%swap3A_1781, %swap3A_1782, %swap3A_1783], %gather3A_1776 {strides = array<i32>} : memref<2x32x128xf32, #tpu.memory_space<vmem>>, vector<16xf32>,
        %add3A_1785 = arith.constant 80 : i32
        %add3A_1786 = vector.broadcast %add3A_1785 : i32 to vector<16xi32>
        %add3A_1787 = arith.addi %add3A_1786, %iota3A : vector<16xi32>
        %add3A_1788 = arith.addi %gather3A_1719, %add3A_1787 : vector<16xi32>
        %gather3A_1789 = tpu.vector_load_idx %arg6[%add3A_1788] : memref<115200xf32, #tpu.memory_space<vmem>>[vector<16xi32>], vector<16xf32>,
        %mul3A_1790 = arith.constant 16 : i32
        %mul3A_1791 = arith.muli %scan3A_89, %mul3A_1790 : i32
        %add3A_1792 = arith.constant 15 : i32
        %add3A_1793 = arith.addi %mul3A_1791, %add3A_1792 : i32
        %swap3A_1794 = arith.index_cast %rem3A_51 : i32 to index
        %swap3A_1795 = arith.index_cast %add3A_1793 : i32 to index
        %swap3A_1796 = arith.constant 80 : index
        %swap3A_1797 = tpu.vector_load %arg7[%swap3A_1794, %swap3A_1795, %swap3A_1796] {strides = array<i32>} : memref<2x32x128xf32, #tpu.memory_space<vmem>>, vector<16xf32>,
        tpu.vector_store %arg7[%swap3A_1794, %swap3A_1795, %swap3A_1796], %gather3A_1789 {strides = array<i32>} : memref<2x32x128xf32, #tpu.memory_space<vmem>>, vector<16xf32>,
        %add3A_1798 = arith.constant 96 : i32
        %add3A_1799 = vector.broadcast %add3A_1798 : i32 to vector<16xi32>
        %add3A_1800 = arith.addi %add3A_1799, %iota3A : vector<16xi32>
        %add3A_1801 = arith.addi %gather3A_1719, %add3A_1800 : vector<16xi32>
        %gather3A_1802 = tpu.vector_load_idx %arg6[%add3A_1801] : memref<115200xf32, #tpu.memory_space<vmem>>[vector<16xi32>], vector<16xf32>,
        %mul3A_1803 = arith.constant 16 : i32
        %mul3A_1804 = arith.muli %scan3A_89, %mul3A_1803 : i32
        %add3A_1805 = arith.constant 15 : i32
        %add3A_1806 = arith.addi %mul3A_1804, %add3A_1805 : i32
        %swap3A_1807 = arith.index_cast %rem3A_51 : i32 to index
        %swap3A_1808 = arith.index_cast %add3A_1806 : i32 to index
        %swap3A_1809 = arith.constant 96 : index
        %swap3A_1810 = tpu.vector_load %arg7[%swap3A_1807, %swap3A_1808, %swap3A_1809] {strides = array<i32>} : memref<2x32x128xf32, #tpu.memory_space<vmem>>, vector<16xf32>,
        tpu.vector_store %arg7[%swap3A_1807, %swap3A_1808, %swap3A_1809], %gather3A_1802 {strides = array<i32>} : memref<2x32x128xf32, #tpu.memory_space<vmem>>, vector<16xf32>,
        %add3A_1811 = arith.constant 112 : i32
        %add3A_1812 = vector.broadcast %add3A_1811 : i32 to vector<16xi32>
        %add3A_1813 = arith.addi %add3A_1812, %iota3A : vector<16xi32>
        %add3A_1814 = arith.addi %gather3A_1719, %add3A_1813 : vector<16xi32>
        %gather3A_1815 = tpu.vector_load_idx %arg6[%add3A_1814] : memref<115200xf32, #tpu.memory_space<vmem>>[vector<16xi32>], vector<16xf32>,
        %mul3A_1816 = arith.constant 16 : i32
        %mul3A_1817 = arith.muli %scan3A_89, %mul3A_1816 : i32
        %add3A_1818 = arith.constant 15 : i32
        %add3A_1819 = arith.addi %mul3A_1817, %add3A_1818 : i32
        %swap3A_1820 = arith.index_cast %rem3A_51 : i32 to index
        %swap3A_1821 = arith.index_cast %add3A_1819 : i32 to index
        %swap3A_1822 = arith.constant 112 : index
        %swap3A_1823 = tpu.vector_load %arg7[%swap3A_1820, %swap3A_1821, %swap3A_1822] {strides = array<i32>} : memref<2x32x128xf32, #tpu.memory_space<vmem>>, vector<16xf32>,
        tpu.vector_store %arg7[%swap3A_1820, %swap3A_1821, %swap3A_1822], %gather3A_1815 {strides = array<i32>} : memref<2x32x128xf32, #tpu.memory_space<vmem>>, vector<16xf32>,
      }
      %scan3A_75 = arith.constant 2 : i32
      %mul3A_76 = arith.constant 32 : i32
      %mul3A_77 = arith.muli %scan3A_50, %mul3A_76 : i32
      %add3A_78 = arith.addi %mul3A_0, %mul3A_77 : i32
      %dma_start3A_79 = arith.constant 0 : i32
      %dma_start3A_80 = arith.constant 0 : i32
      %dma_start3A_81 = tpu.memref_slice %arg7[%rem3A_51, %dma_start3A_79, %dma_start3A_80] : memref<2x32x128xf32, #tpu.memory_space<vmem>> -> memref<1x32x128xf32, #tpu.memory_space<vmem>>
      %dma_start3A_82 = tpu.memref_squeeze %dma_start3A_81 : memref<1x32x128xf32, #tpu.memory_space<vmem>> -> memref<32x128xf32, #tpu.memory_space<vmem>>
      %dma_start3A_83 = tpu.memref_slice %arg5[%add3A_78, %mul3A_2] : memref<327680x256xf32, #tpu.memory_space<hbm>> -> memref<32x128xf32, #tpu.memory_space<hbm>>
      %dma_start3A_84 = tpu.memref_slice %arg5[%add3A_78, %mul3A_2] : memref<327680x256xf32, #tpu.memory_space<hbm>> -> memref<32x128xf32, #tpu.memory_space<hbm>>
      %dma_start3A_85 = arith.constant 0 : i32
      %dma_start3A_86 = arith.constant 0 : i32
      %dma_start3A_87 = tpu.memref_slice %arg7[%rem3A_51, %dma_start3A_85, %dma_start3A_86] : memref<2x32x128xf32, #tpu.memory_space<vmem>> -> memref<1x32x128xf32, #tpu.memory_space<vmem>>
      %dma_start3A_88 = tpu.memref_squeeze %dma_start3A_87 : memref<1x32x128xf32, #tpu.memory_space<vmem>> -> memref<32x128xf32, #tpu.memory_space<vmem>>
      tpu.enqueue_dma source(%dma_start3A_88 : memref<32x128xf32, #tpu.memory_space<vmem>>) target(%dma_start3A_84 : memref<32x128xf32, #tpu.memory_space<hbm>>) target_semaphore(%arg10 : memref<!tpu.dma_semaphore, #tpu.memory_space<semaphore_mem>>)
    }
    %scan3A_20 = arith.constant 640 : i32
    %dma_wait3A = arith.constant 0 : i32
    %dma_wait3A_21 = arith.constant 0 : i32
    %dma_wait3A_22 = arith.constant 0 : i32
    %dma_wait3A_23 = tpu.memref_slice %arg7[%dma_wait3A, %dma_wait3A_21, %dma_wait3A_22] : memref<2x32x128xf32, #tpu.memory_space<vmem>> -> memref<1x32x128xf32, #tpu.memory_space<vmem>>
    %dma_wait3A_24 = tpu.memref_squeeze %dma_wait3A_23 : memref<1x32x128xf32, #tpu.memory_space<vmem>> -> memref<32x128xf32, #tpu.memory_space<vmem>>
    %dma_wait3A_25 = arith.constant 0 : i32
    %dma_wait3A_26 = arith.constant 0 : i32
    %dma_wait3A_27 = tpu.memref_slice %arg5[%dma_wait3A_25, %dma_wait3A_26] : memref<327680x256xf32, #tpu.memory_space<hbm>> -> memref<32x128xf32, #tpu.memory_space<hbm>>
    %dma_wait3A_28 = arith.constant 0 : i32
    %dma_wait3A_29 = arith.constant 0 : i32
    %dma_wait3A_30 = tpu.memref_slice %arg5[%dma_wait3A_28, %dma_wait3A_29] : memref<327680x256xf32, #tpu.memory_space<hbm>> -> memref<32x128xf32, #tpu.memory_space<hbm>>
    %dma_wait3A_31 = arith.constant 0 : i32
    %dma_wait3A_32 = arith.constant 0 : i32
    %dma_wait3A_33 = tpu.memref_slice %arg7[%dma_wait3A, %dma_wait3A_31, %dma_wait3A_32] : memref<2x32x128xf32, #tpu.memory_space<vmem>> -> memref<1x32x128xf32, #tpu.memory_space<vmem>>
    %dma_wait3A_34 = tpu.memref_squeeze %dma_wait3A_33 : memref<1x32x128xf32, #tpu.memory_space<vmem>> -> memref<32x128xf32, #tpu.memory_space<vmem>>
    tpu.wait_dma2 semaphore(%arg10 : memref<!tpu.dma_semaphore, #tpu.memory_space<semaphore_mem>>) src(%dma_wait3A_34 : memref<32x128xf32, #tpu.memory_space<vmem>>) dst(%dma_wait3A_30 : memref<32x128xf32, #tpu.memory_space<hbm>>)
    %dma_wait3A_35 = arith.constant 0 : i32
    %dma_wait3A_36 = arith.constant 0 : i32
    %dma_wait3A_37 = arith.constant 0 : i32
    %dma_wait3A_38 = tpu.memref_slice %arg7[%dma_wait3A_35, %dma_wait3A_36, %dma_wait3A_37] : memref<2x32x128xf32, #tpu.memory_space<vmem>> -> memref<1x32x128xf32, #tpu.memory_space<vmem>>
    %dma_wait3A_39 = tpu.memref_squeeze %dma_wait3A_38 : memref<1x32x128xf32, #tpu.memory_space<vmem>> -> memref<32x128xf32, #tpu.memory_space<vmem>>
    %dma_wait3A_40 = arith.constant 0 : i32
    %dma_wait3A_41 = arith.constant 0 : i32
    %dma_wait3A_42 = tpu.memref_slice %arg5[%dma_wait3A_40, %dma_wait3A_41] : memref<327680x256xf32, #tpu.memory_space<hbm>> -> memref<32x128xf32, #tpu.memory_space<hbm>>
    %dma_wait3A_43 = arith.constant 0 : i32
    %dma_wait3A_44 = arith.constant 0 : i32
    %dma_wait3A_45 = tpu.memref_slice %arg5[%dma_wait3A_43, %dma_wait3A_44] : memref<327680x256xf32, #tpu.memory_space<hbm>> -> memref<32x128xf32, #tpu.memory_space<hbm>>
    %dma_wait3A_46 = arith.constant 0 : i32
    %dma_wait3A_47 = arith.constant 0 : i32
    %dma_wait3A_48 = tpu.memref_slice %arg7[%dma_wait3A_35, %dma_wait3A_46, %dma_wait3A_47] : memref<2x32x128xf32, #tpu.memory_space<vmem>> -> memref<1x32x128xf32, #tpu.memory_space<vmem>>
    %dma_wait3A_49 = tpu.memref_squeeze %dma_wait3A_48 : memref<1x32x128xf32, #tpu.memory_space<vmem>> -> memref<32x128xf32, #tpu.memory_space<vmem>>
    tpu.wait_dma2 semaphore(%arg10 : memref<!tpu.dma_semaphore, #tpu.memory_space<semaphore_mem>>) src(%dma_wait3A_49 : memref<32x128xf32, #tpu.memory_space<vmem>>) dst(%dma_wait3A_45 : memref<32x128xf32, #tpu.memory_space<hbm>>)
    return
  }
}

</mosaic_0001>

<sc_bundles>
// kernel: kernel.3.cloned.1.call-start
scs
__scs_entry_jumppad:
0x0: {  	(pc) =	sbr.rel $0x88, $3  }
0x1: {  	(tag) =	ssettag $0x0;
	lr =	simm.s32 $0x1  }
0x2: {  	[smem:$0x3F9F] =	sst lr;
	_ =	strace $0xD0000000  }
0x3: {  	_ = 	snop  }
0x4: {  	_ = 	snop  }
0x5: {  	_ = 	snop  }
0x6: {  	_ = 	snop  }
0x7: {  	_ = 	snop  }
__scs_overlays_trampoline_lowered:
0x8: {  	[smem:$0x3FAE] =	sst s0  }
0x9: {  	[smem:$0x3FAF] =	sst s1  }
0xa: {  	[smem:$0x3FB0] =	sst s2  }
0xb: {  	[smem:$0x3FB1] =	sst s3  }
0xc: {  	[smem:$0x3FB2] =	sst s4  }
0xd: {  	[smem:$0x3FB3] =	sst s5  }
0xe: {  	[smem:$0x3FB4] =	sst s6  }
0xf: {  	[smem:$0x3FB5] =	sst s7  }
0x10: {  	[smem:$0x3FB6] =	sst s8  }
0x11: {  	[smem:$0x3FB7] =	sst s9;
	s0 =	simm.s32 @!p0 $0x0  }
0x12: {  	s1 =	sld [smem:$0x3F9D];
	s0 =	simm.s32 @p0 $0x1  }
0x13: {  	[smem:$0x3FB8] =	sst s0;
	s0 =	simm.s32 @!p1 $0x0  }
0x14: {  	s2 =	sld [smem:$0x3F9C];
	s0 =	simm.s32 @p1 $0x1  }
0x15: {  	[smem:$0x3FB9] =	sst s0;
	s0 =	simm.s32 @!p2 $0x0  }
0x16: {  	s3 =	sld [smem:$0x3FDB];
	s0 =	simm.s32 @p2 $0x1  }
0x17: {  	s4 =	simm.s32 $0x1BF5;
	[smem:$0x3FBB] =	sst s0  }
0x18: {  	s0 =	sld [smem:$0x3F9E];
	_ =	swait.ge [sflag:s4], $0x0  }
0x19: {  	s7 =	sld [smem:$0x3F9F]  }
0x1a: {  	s8 =	sadd.s32 $0xFFFFE003, lr  }
0x1b: {  	s9 =	sadd.s32 $0xFFFFFEF7, lr;
	s5 =	simm.s32 $0xFFFFFFFF;
	p2 =	slt.u32 s8, $0xFFFFF086  }
0x1c: {  	p1 =	slt.u32 s9, $0xF7A;
	s5 =	simm.s32 @!p2 $0x0  }
0x1d: {  	s5 =	simm.s32 @p1 $0x1;
	p0 =	seq.s32 s7, s2  }
0x1e: {  	s7 =	smul.u32 @!p0 $0xF7A, s2;
	p2 =	seq.s32 @!p0 s5, $0x0  }
0x1f: {  	s9 =	smul.u32 $0xF7A, s1;
	s8 =	simm.s32 @!p0 $0x1BF5;
	p2 =	por !p2, p0  }
0x20: {  	[sflag:s8] =	ssyncset.s32 @!p0 $0xFFFFF086;
	s6 =	sadd.s32 @!p0 s3, s7;
	s7 =	simm.s32 @!p0 $0x108  }
0x21: {  	s3 =	sadd.s32 s3, s9;
	s6 =	sadd.s32 @!p0 $0x88, s6;
	s7 =	simm.s32 @p2 $0x1082  }
0x22: {  	[simem:s7], [sflag:s8] =	dma.local @!p0 [hbm:s6], $0xF7A  }
0x23: {  	s9 =	sor.u32 $0xD0000000, s2;
	s6 =	simm.s32 $0x108;
	_ =	swait.ge @!p0 [sflag:s8], $0x0  }
0x24: {  	s3 =	sadd.s32 $0x88, s3;
	s6 =	simm.s32 @!p1 $0x1082;
	[sflag:s4] =	ssyncset.s32 $0xFFFFF086  }
0x25: {  	[simem:s6], [sflag:s4] =	dma.local [hbm:s3], $0xF7A  }
0x26: {  	[smem:$0x3F9F] =	sst s1;
	(tag) =	ssettag s2;
	_ =	strace s9  }
0x27: {  	s1 =	sld [smem:$0x3FAF]  }
0x28: {  	s2 =	sld [smem:$0x3FB0]  }
0x29: {  	s4 =	sld [smem:$0x3FB2]  }
0x2a: {  	p0 =	seq.s32 s5, $0x0;
	s5 =	sld [smem:$0x3FB3]  }
0x2b: {  	s6 =	sld [smem:$0x3FB4]  }
0x2c: {  	s7 =	sld [smem:$0x3FB5]  }
0x2d: {  	s3 =	simm.s32 $0x108;
	s8 =	sld [smem:$0x3FB6]  }
0x2e: {  	s3 =	simm.s32 @!p0 $0x1082;
	s9 =	sld [smem:$0x3FB7]  }
0x2f: {  	lr =	sadd.s32 s0, s3;
	s0 =	sld [smem:$0x3FAE]  }
0x30: {  	s3 =	sld [smem:$0x3FB1]  }
0x31: {  	[smem:$0x3FBA] =	sst s10  }
0x32: {  	s10 =	sld [smem:$0x3FB8];
	_ =	sdelay $0x3  }
0x33: {  	p0 =	seq.s32 s10, $0x1;
	s10 =	sld [smem:$0x3FBA];
	_ =	sdelay $0x3  }
0x34: {  	[smem:$0x3FBA] =	sst s10  }
0x35: {  	s10 =	sld [smem:$0x3FB9];
	_ =	sdelay $0x3  }
0x36: {  	p1 =	seq.s32 s10, $0x1;
	s10 =	sld [smem:$0x3FBA];
	_ =	sdelay $0x3  }
0x37: {  	[smem:$0x3FBA] =	sst s10  }
0x38: {  	s10 =	sld [smem:$0x3FBB]  }
0x39: {  	_ = 	snop;
	(pc) =	sbr.ind lr, $3  }
0x3a: {  	_ = 	snop  }
0x3b: {  	_ = 	snop  }
0x3c: {  	p2 =	seq.s32 s10, $0x1;
	s10 =	sld [smem:$0x3FBA]  }
0x3d: {  	_ =	shalt  }
0x3e: {  	_ =	shalt  }
0x3f: {  	_ =	shalt  }
0x40: {  	_ =	shalt  }
0x41: {  	_ =	shalt  }
0x42: {  	_ =	shalt  }
0x43: {  	_ =	shalt  }
0x44: {  	_ =	shalt  }
0x45: {  	_ =	shalt  }
0x46: {  	_ =	shalt  }
0x47: {  	_ =	shalt  }
0x48: {  	_ =	shalt  }
0x49: {  	_ =	shalt  }
0x4a: {  	_ =	shalt  }
0x4b: {  	_ =	shalt  }
0x4c: {  	_ =	shalt  }
0x4d: {  	_ =	shalt  }
0x4e: {  	_ =	shalt  }
0x4f: {  	_ =	shalt  }
0x50: {  	_ =	shalt  }
0x51: {  	_ =	shalt  }
0x52: {  	_ =	shalt  }
0x53: {  	_ =	shalt  }
0x54: {  	_ =	shalt  }
0x55: {  	_ =	shalt  }
0x56: {  	_ =	shalt  }
0x57: {  	_ =	shalt  }
0x58: {  	_ =	shalt  }
0x59: {  	_ =	shalt  }
0x5a: {  	_ =	shalt  }
0x5b: {  	_ =	shalt  }
0x5c: {  	_ =	shalt  }
0x5d: {  	_ =	shalt  }
0x5e: {  	_ =	shalt  }
0x5f: {  	_ =	shalt  }
0x60: {  	_ =	shalt  }
0x61: {  	_ =	shalt  }
0x62: {  	_ =	shalt  }
0x63: {  	_ =	shalt  }
0x64: {  	_ =	shalt  }
0x65: {  	_ =	shalt  }
0x66: {  	_ =	shalt  }
0x67: {  	_ =	shalt  }
0x68: {  	_ =	shalt  }
0x69: {  	_ =	shalt  }
0x6a: {  	_ =	shalt  }
0x6b: {  	_ =	shalt  }
0x6c: {  	_ =	shalt  }
0x6d: {  	_ =	shalt  }
0x6e: {  	_ =	shalt  }
0x6f: {  	_ =	shalt  }
0x70: {  	_ =	shalt  }
0x71: {  	_ =	shalt  }
0x72: {  	_ =	shalt  }
0x73: {  	_ =	shalt  }
0x74: {  	_ =	shalt  }
0x75: {  	_ =	shalt  }
0x76: {  	_ =	shalt  }
0x77: {  	_ =	shalt  }
0x78: {  	_ =	shalt  }
0x79: {  	_ =	shalt  }
0x7a: {  	_ =	shalt  }
0x7b: {  	_ =	shalt  }
0x7c: {  	_ =	shalt  }
0x7d: {  	_ =	shalt  }
0x7e: {  	_ =	shalt  }
0x7f: {  	_ =	shalt  }
0x80: {  	_ =	shalt  }
0x81: {  	_ =	shalt  }
0x82: {  	_ =	shalt  }
0x83: {  	_ =	shalt  }
0x84: {  	_ =	shalt  }
0x85: {  	_ =	shalt  }
0x86: {  	_ =	shalt  }
0x87: {  	_ =	shalt  }
.Lfunc_end0:
.L_simem_size_0:
called_computation.1_lowered:
.L_overlay_start_0:
0x88: {  	s2 =	sld [smem:$0x3FD9]  }
0x89: {  	s3 =	sld [smem:$0x3FFE];
	_ =	sdelay $0x1  }
0x8a: {  	s1 =	srdreg.scid  }
0x8b: {  	s0 =	sand.u32 $0x1, s1  }
0x8c: {  	s17 =	sshll.u32 s0, $0xA;
	s2 =	sadd.s32 s3, s2  }
0x8d: {  	s2 =	sadd.s32 s2, s17  }
0x8e: {  	[smem:$0x3FC6] =	sst s2  }
0x8f: {  	_ = 	snop  }
0x90: {  	s2 =	sld [smem:$0x3FD0];
	(tm) =	ssettm $0x1  }
0x91: {  	s18 =	sld [smem:$0x3FFB];
	_ =	sdelay $0x3  }
0x92: {  	_ =	strace s18  }
0x93: {  	s3 =	sld [smem:$0x3FFC];
	_ =	sdelay $0x3  }
0x94: {  	_ =	strace s3  }
0x95: {  	s3 =	sld [smem:$0x3FFD];
	_ =	sdelay $0x3  }
0x96: {  	_ =	strace s3  }
0x97: {  	_ =	strace $0x8FFFFFFF  }
0x98: {  	s19 =	sld [smem:$0x3FDB];
	_ =	sdelay $0x1  }
0x99: {  	s4 =	simm.s32 $_scs_section_size  }
0x9a: {  	s5 =	simm.s32 $_size__tile_overlayer_lowered;
	s6 =	simm.s32 $_tile_overlayer_lowered  }
0x9b: {  	s22 =	simm.s32 $0x1BFF;
	s21 =	sshll.u32 s6, $0x1;
	s3 =	sadd.s32 s4, s19  }
0x9c: {  	s7 =	simm.s32 $0x0;
	s20 =	sshll.u32 s5, $0x1;
	s5 =	sadd.s32 s21, s3  }
0x9d: {  	[timem:s7], [sflag:s22] =	dma.local [hbm:s5], s20  }
0x9e: {  	_ =	swait.ge [sflag:s22], s20  }
0x9f: {  	s4 =	ssub.s32 $0x0, s20;
	[sflag:s22] =	ssyncset.done $0x0  }
0xa0: {  	[sflag:s22] =	ssyncadd.s32 s4;
	_ =	sdelay $0x1  }
0xa1: {  	s23 =	simm.s32 $0x1B8B  }
0xa2: {  	_ =	swait.ge [sflag:s23], $0x1  }
0xa3: {  	[sflag:s23] =	ssyncset.done $0x0  }
0xa4: {  	s25 =	simm.s32 $0x1B8E;
	s24 =	sld [smem:$0x3FFE];
	[sflag:s23] =	ssyncadd.s32 $0xFFFFFFFF  }
0xa5: {  	s26 =	simm.s32 $execute0_lowered;
	[smem:$0x3FD2] =	sst s25  }
0xa6: {  	s5 =	sshll.u32 s26, $0x1;
	_ =	strace $0x80000046;
	[dreg:$0x1] =	wrdreg $0xFFFFFFFF  }
0xa7: {  	s28 =	simm.s32 $_size_execute0_lowered;
	s3 =	sadd.s32 s3, s5;
	[dreg:$0x0] =	wrdreg $0x0  }
0xa8: {  	s5 =	sshll.u32 s28, $0x1;
	[dreg:$0x2] =	wrdreg s3  }
0xa9: {  	[dreg:$0x3] =	wrdreg s5  }
0xaa: {  	[dreg:$0x4] =	wrdreg $0xC0  }
0xab: {  	_ =	task [dreg:s7], $0x5FFFF  }
0xac: {  	[dreg:$0x1] =	wrdreg $0xFFFFFFFF  }
0xad: {  	[dreg:$0x0] =	wrdreg $0x60  }
0xae: {  	[dreg:$0x2] =	wrdreg s24  }
0xaf: {  	[dreg:$0x3] =	wrdreg s2  }
0xb0: {  	[dreg:$0x4] =	wrdreg $0x9  }
0xb1: {  	_ =	task.clear_ibuf [dreg:s7], $0x5FFFF;
	_ =	strace $0x90000046  }
0xb2: {  	s29 =	simm.s32 $0x9;
	_ =	strace $0x80000048  }
0xb3: {  	_ =	swait.ge [sflag:s29], $0x1  }
0xb4: {  	[sflag:s29] =	ssyncadd.s32 $0xFFFFFFFF  }
0xb5: {  	_ =	strace $0x90000048  }
0xb6: {  	_ =	sfence  }
0xb7: {  	s30 =	sld [smem:$0x0];
	_ =	sdelay $0x2  }
0xb8: {  	s31 =	sshll.u32 s1, $0xD;
	s1 =	sshrl.u32 s1, $0x2  }
0xb9: {  	s3 =	sand.u32 $0x4000, s31;
	s1 =	sadd.s32 s1, s30  }
0xba: {  	s0 =	sor.u32 s3, s0;
	s1 =	sshll.u32 s1, $0x11  }
0xbb: {  	s0 =	sor.u32 s1, s0  }
0xbc: {  	s0 =	sadd.s32 $0x8F2B, s0  }
0xbd: {  	[sflag:s0] =	ssyncadd.remote.s32 $0x1  }
0xbe: {  	_ =	sfence.sel $0xFFFF  }
0xbf: {  	[dreg:$0x0] =	wrdreg $0xFFFFFFFF;
	(pc) =	sbr.abs _section_cstart, $3  }
0xc0: {  	[dreg:$0x1] =	wrdreg $0xFFFFFFFF  }
0xc1: {  	_ =	task.clear_ibuf [dreg:s7], $0x2FFFF;
	_ =	strace $0x9FFFFFFF  }
0xc2: {  	(tm) =	ssettm $0x7FFFFFFF  }
0xc3: {  	_ =	shalt  }
tec
execute0_lowered:
.L_overlay_start_1:
0x0: {  	(tag) =	ssettag $0x1  }
0x1: {  	s9 =	rddreg [dreg:$0x0]  }
0x2: {  	s1 =	rddreg [dreg:$0x1]  }
0x3: {  	s0 =	rddreg [dreg:$0x2];
	s2 =	simm.s32 $0x0  }
0x4: {  	s3 =	srdreg.scid;
	s12 =	simm.s32 $0xA00;
	s13 =	simm.s32 $0x2  }
0x5: {  	v0 =	vimm.s32 $0x7;
	v1 =	vimm.s32 $0x0;
	v2 =	vlaneseq.u32;
	s14 =	simm.s32 $0x400;
	s15 =	simm.s32 $0x800;
	s16 =	simm.s32 $0x0  }
0x6: {  	v10 =	vimm.s32 $0x1;
	v11 =	vimm.s32 $0x2;
	v12 =	vimm.s32 $0x3;
	[smem:$0x7FF] =	sst s2;
	s6 =	sand.u32 $0x1, s3;
	s3 =	stileid.u32  }
0x7: {  	v13 =	vimm.s32 $0x4;
	v14 =	vimm.s32 $0x5;
	v15 =	vimm.s32 $0x6;
	s4 =	sadd.s32 $0x7E00, s9;
	_ =	strace $0x80000047;
	s5 =	smul.u32 $0x5000, s3  }
0x8: {  	v16 =	vimm.s32 $0x8;
	v17 =	vimm.s32 $0x9;
	v18 =	vimm.s32 $0xA;
	s7 =	ssub.s32 $0x2, s6;
	p0 =	seq.s32 s6, $0x1;
	s31 =	smul.u32 $0x500000, s3  }
0x9: {  	v19 =	vimm.s32 $0xB;
	v20 =	vimm.s32 $0xC;
	v21 =	vimm.s32 $0xD;
	s11 =	sshll.u32 s6, $0xA;
	s8 =	sshrl.u32 s7, $0x1;
	s12 =	simm.s32 @!p0 $0x4400  }
0xa: {  	v22 =	vimm.s32 $0xE;
	v23 =	vimm.s32 $0xF;
	v3 =	vor.u32 $0x10, v2;
	s8 =	ssub.s32 s7, s8;
	s10 =	sshrl.u32 s5, $0x3;
	s7 =	sor.u32 s11, s31  }
0xb: {  	v4 =	vor.u32 $0x20, v2;
	v5 =	vor.u32 $0x30, v2;
	v6 =	vor.u32 $0x40, v2;
	s9 =	sadd.s32 s12, s9;
	s11 =	simm.s32 $0x1E200;
	s12 =	simm.s32 $0x1  }
0xc: {  	v7 =	vor.u32 $0x50, v2;
	v8 =	vor.u32 $0x60, v2;
	v9 =	vor.u32 $0x70, v2;
	s6 =	sadd.s32 s4, s10;
	s8 =	smax.u32 s8, $0x1;
	s10 =	simm.s32 $0x3  }
.LBB2_1:
0xd: {  	[tilespmem:s2], [sflag:$0x3] =	stream.linear.gather [hbm4b:s9+s2], $0x1C200, $0x38;
	[tilespmem:$0x1E280] =	vst v63  }
0xe: {  	_ =	swait.ge [sflag:s10], $0x1C200  }
0xf: {  	[sflag:s10] =	ssyncset.done $0x0  }
0x10: {  	s18 =	simm.s32 $0x0;
	[sflag:s10] =	ssyncadd.s32 $0xFFFE3E00  }
0x11: {  	[tilespmem:s11], [sflag:$0x1] =	stream.linear.gather [hbm4b:s6+s2], $0x20, $0x38;
	[tilespmem:$0x1E280] =	vst v63  }
.LBB2_2:
0x12: {  	s17 =	sadd.s32 $0x1, s18;
	p0 =	seq.s32 s18, $0x27F;
	_ =	swait.ge [sflag:s12], $0x20  }
0x13: {  	s19 =	sand.u32 $0x1, s18;
	s20 =	sshll.u32 @!p0 s17, $0x5;
	[sflag:s12] =	ssyncset.done $0x0  }
0x14: {  	s21 =	sshll.u32 @!p0 s19, $0x5;
	s22 =	simm.s32 @!p0 $0x0;
	s20 =	sadd.s32 @!p0 s5, s20  }
0x15: {  	p1 =	slt.u32 @!p0 s18, $0x2;
	s30 =	sshll.u32 s19, $0x5;
	s20 =	sshrl.u32 @!p0 s20, $0x3  }
0x16: {  	[sflag:s12] =	ssyncadd.s32 $0xFFFFFFE0;
	s21 =	sxor.u32 @!p0 $0x1E220, s21;
	s20 =	sadd.s32 @!p0 s4, s20  }
0x17: {  	[tilespmem:s21], [sflag:$0x1] =	stream.linear.gather @!p0 [hbm4b:s20+s22], $0x20, $0x38;
	[tilespmem:$0x1E280] =	vst v63  }
0x18: {  	s31 =	sor.u32 $0x1E200, s30;
	p0 =	por p0, !p1  }
0x19: {  	s19 =	sshll.u32 s19, $0xC;
	v24 =	vmov s31;
	_ =	swait.ge @p0 [sflag:s13], $0x1000  }
0x1a: {  	s19 =	sor.u32 $0x1C200, s19;
	[sflag:s13] =	ssyncset.done @p0 $0x0  }
0x1b: {  	v25 =	vmov s19;
	s20 =	simm.s32 $0x0;
	[sflag:s13] =	ssyncadd.s32 @p0 $0xFFFFF000;
	p0 =	por $0x1, $0x1  }
.LBB2_3:
0x1c: {  	s21 =	sshll.u32 s20, $0x4  }
0x1d: {  	s21 =	sand.u32 $0x3FFFFFF0, s21  }
0x1e: {  	v26 =	vld.idx.msk [tilespmem:v24+s21+$0x0 ss:$0x1], $0xffff;
	_ =	sdelay $0x4  }
0x1f: {  	v26 =	vshll.u32 v26, $0x7  }
0x20: {  	v27 =	vperm.xlane v26, v1;
	_ =	sdelay $0x1  }
0x21: {  	v28 =	vadd.s32 v2, v27;
	_ =	sdelay $0x4  }
0x22: {  	v28 =	vld.idx.msk [tilespmem:v28+s2+$0x0], $0xffff  }
0x23: {  	v29 =	vadd.s32 v3, v27;
	_ =	sdelay $0x1  }
0x24: {  	s31 =	sshll.u32 s20, $0xB  }
0x25: {  	s20 =	sand.u32 $0x3FFFF800, s31  }
0x26: {  	[tilespmem:v25+s20+$0x0 ss:$0x1] =	vst.idx.msk $0xffff, v28  }
0x27: {  	v28 =	vld.idx.msk [tilespmem:v29+s2+$0x0], $0xffff  }
0x28: {  	v43 =	vadd.s32 v4, v27;
	_ =	sdelay $0x3  }
0x29: {  	[tilespmem:v25+s20+$0x10 ss:$0x1] =	vst.idx.msk $0xffff, v28  }
0x2a: {  	v28 =	vld.idx.msk [tilespmem:v43+s2+$0x0], $0xffff  }
0x2b: {  	v44 =	vadd.s32 v5, v27;
	_ =	sdelay $0x3  }
0x2c: {  	[tilespmem:v25+s20+$0x20 ss:$0x1] =	vst.idx.msk $0xffff, v28  }
0x2d: {  	v28 =	vld.idx.msk [tilespmem:v44+s2+$0x0], $0xffff  }
0x2e: {  	v45 =	vadd.s32 v6, v27;
	_ =	sdelay $0x3  }
0x2f: {  	[tilespmem:v25+s20+$0x30 ss:$0x1] =	vst.idx.msk $0xffff, v28  }
0x30: {  	v28 =	vld.idx.msk [tilespmem:v45+s2+$0x0], $0xffff  }
0x31: {  	v46 =	vadd.s32 v7, v27;
	_ =	sdelay $0x3  }
0x32: {  	[tilespmem:v25+s20+$0x40 ss:$0x1] =	vst.idx.msk $0xffff, v28  }
0x33: {  	v28 =	vld.idx.msk [tilespmem:v46+s2+$0x0], $0xffff  }
0x34: {  	v47 =	vadd.s32 v8, v27;
	_ =	sdelay $0x3  }
0x35: {  	[tilespmem:v25+s20+$0x50 ss:$0x1] =	vst.idx.msk $0xffff, v28  }
0x36: {  	v28 =	vld.idx.msk [tilespmem:v47+s2+$0x0], $0xffff  }
0x37: {  	v27 =	vadd.s32 v9, v27;
	_ =	sdelay $0x3  }
0x38: {  	v48 =	vperm.xlane v26, v10;
	[tilespmem:v25+s20+$0x60 ss:$0x1] =	vst.idx.msk $0xffff, v28  }
0x39: {  	v27 =	vld.idx.msk [tilespmem:v27+s2+$0x0], $0xffff  }
0x3a: {  	v49 =	vadd.s32 v2, v48;
	_ =	sdelay $0x3  }
0x3b: {  	[tilespmem:v25+s20+$0x70 ss:$0x1] =	vst.idx.msk $0xffff, v27  }
0x3c: {  	v27 =	vld.idx.msk [tilespmem:v49+s2+$0x0], $0xffff  }
0x3d: {  	v50 =	vadd.s32 v3, v48;
	_ =	sdelay $0x3  }
0x3e: {  	[tilespmem:v25+s20+$0x80 ss:$0x1] =	vst.idx.msk $0xffff, v27  }
0x3f: {  	v27 =	vld.idx.msk [tilespmem:v50+s2+$0x0], $0xffff  }
0x40: {  	v51 =	vadd.s32 v4, v48;
	_ =	sdelay $0x3  }
0x41: {  	[tilespmem:v25+s20+$0x90 ss:$0x1] =	vst.idx.msk $0xffff, v27  }
0x42: {  	v27 =	vld.idx.msk [tilespmem:v51+s2+$0x0], $0xffff  }
0x43: {  	v52 =	vadd.s32 v5, v48;
	_ =	sdelay $0x3  }
0x44: {  	[tilespmem:v25+s20+$0xA0 ss:$0x1] =	vst.idx.msk $0xffff, v27  }
0x45: {  	v27 =	vld.idx.msk [tilespmem:v52+s2+$0x0], $0xffff  }
0x46: {  	v53 =	vadd.s32 v6, v48;
	_ =	sdelay $0x3  }
0x47: {  	[tilespmem:v25+s20+$0xB0 ss:$0x1] =	vst.idx.msk $0xffff, v27  }
0x48: {  	v27 =	vld.idx.msk [tilespmem:v53+s2+$0x0], $0xffff  }
0x49: {  	v54 =	vadd.s32 v7, v48;
	_ =	sdelay $0x3  }
0x4a: {  	[tilespmem:v25+s20+$0xC0 ss:$0x1] =	vst.idx.msk $0xffff, v27  }
0x4b: {  	v27 =	vld.idx.msk [tilespmem:v54+s2+$0x0], $0xffff  }
0x4c: {  	v55 =	vadd.s32 v8, v48;
	_ =	sdelay $0x3  }
0x4d: {  	[tilespmem:v25+s20+$0xD0 ss:$0x1] =	vst.idx.msk $0xffff, v27  }
0x4e: {  	v27 =	vld.idx.msk [tilespmem:v55+s2+$0x0], $0xffff  }
0x4f: {  	v28 =	vadd.s32 v9, v48;
	_ =	sdelay $0x3  }
0x50: {  	[tilespmem:v25+s20+$0xE0 ss:$0x1] =	vst.idx.msk $0xffff, v27;
	v27 =	vperm.xlane v26, v11  }
0x51: {  	v28 =	vld.idx.msk [tilespmem:v28+s2+$0x0], $0xffff  }
0x52: {  	v56 =	vadd.s32 v2, v27;
	_ =	sdelay $0x3  }
0x53: {  	[tilespmem:v25+s20+$0xF0 ss:$0x1] =	vst.idx.msk $0xffff, v28  }
0x54: {  	v28 =	vld.idx.msk [tilespmem:v56+s2+$0x0], $0xffff  }
0x55: {  	v57 =	vadd.s32 v3, v27;
	_ =	sdelay $0x3  }
0x56: {  	[tilespmem:v25+s20+$0x100 ss:$0x1] =	vst.idx.msk $0xffff, v28  }
0x57: {  	v28 =	vld.idx.msk [tilespmem:v57+s2+$0x0], $0xffff  }
0x58: {  	v58 =	vadd.s32 v4, v27;
	_ =	sdelay $0x3  }
0x59: {  	[tilespmem:v25+s20+$0x110 ss:$0x1] =	vst.idx.msk $0xffff, v28  }
0x5a: {  	v28 =	vld.idx.msk [tilespmem:v58+s2+$0x0], $0xffff  }
0x5b: {  	v59 =	vadd.s32 v5, v27;
	_ =	sdelay $0x3  }
0x5c: {  	[tilespmem:v25+s20+$0x120 ss:$0x1] =	vst.idx.msk $0xffff, v28  }
0x5d: {  	v28 =	vld.idx.msk [tilespmem:v59+s2+$0x0], $0xffff  }
0x5e: {  	v60 =	vadd.s32 v6, v27;
	_ =	sdelay $0x3  }
0x5f: {  	[tilespmem:v25+s20+$0x130 ss:$0x1] =	vst.idx.msk $0xffff, v28  }
0x60: {  	v28 =	vld.idx.msk [tilespmem:v60+s2+$0x0], $0xffff  }
0x61: {  	v61 =	vadd.s32 v7, v27;
	_ =	sdelay $0x3  }
0x62: {  	[tilespmem:v25+s20+$0x140 ss:$0x1] =	vst.idx.msk $0xffff, v28  }
0x63: {  	v28 =	vld.idx.msk [tilespmem:v61+s2+$0x0], $0xffff  }
0x64: {  	v62 =	vadd.s32 v8, v27;
	_ =	sdelay $0x3  }
0x65: {  	[tilespmem:v25+s20+$0x150 ss:$0x1] =	vst.idx.msk $0xffff, v28  }
0x66: {  	v28 =	vld.idx.msk [tilespmem:v62+s2+$0x0], $0xffff  }
0x67: {  	v27 =	vadd.s32 v9, v27;
	_ =	sdelay $0x3  }
0x68: {  	v63 =	vperm.xlane v26, v12;
	[tilespmem:v25+s20+$0x160 ss:$0x1] =	vst.idx.msk $0xffff, v28  }
0x69: {  	v27 =	vld.idx.msk [tilespmem:v27+s2+$0x0], $0xffff  }
0x6a: {  	v32 =	vadd.s32 v2, v63;
	_ =	sdelay $0x3  }
0x6b: {  	[tilespmem:v25+s20+$0x170 ss:$0x1] =	vst.idx.msk $0xffff, v27  }
0x6c: {  	v27 =	vld.idx.msk [tilespmem:v32+s2+$0x0], $0xffff  }
0x6d: {  	v33 =	vadd.s32 v3, v63;
	_ =	sdelay $0x3  }
0x6e: {  	[tilespmem:v25+s20+$0x180 ss:$0x1] =	vst.idx.msk $0xffff, v27  }
0x6f: {  	v27 =	vld.idx.msk [tilespmem:v33+s2+$0x0], $0xffff  }
0x70: {  	v34 =	vadd.s32 v4, v63;
	_ =	sdelay $0x3  }
0x71: {  	[tilespmem:v25+s20+$0x190 ss:$0x1] =	vst.idx.msk $0xffff, v27  }
0x72: {  	v27 =	vld.idx.msk [tilespmem:v34+s2+$0x0], $0xffff  }
0x73: {  	v35 =	vadd.s32 v5, v63;
	_ =	sdelay $0x3  }
0x74: {  	[tilespmem:v25+s20+$0x1A0 ss:$0x1] =	vst.idx.msk $0xffff, v27  }
0x75: {  	v27 =	vld.idx.msk [tilespmem:v35+s2+$0x0], $0xffff  }
0x76: {  	v36 =	vadd.s32 v6, v63;
	_ =	sdelay $0x3  }
0x77: {  	[tilespmem:v25+s20+$0x1B0 ss:$0x1] =	vst.idx.msk $0xffff, v27  }
0x78: {  	v27 =	vld.idx.msk [tilespmem:v36+s2+$0x0], $0xffff  }
0x79: {  	v37 =	vadd.s32 v7, v63;
	_ =	sdelay $0x3  }
0x7a: {  	[tilespmem:v25+s20+$0x1C0 ss:$0x1] =	vst.idx.msk $0xffff, v27  }
0x7b: {  	v27 =	vld.idx.msk [tilespmem:v37+s2+$0x0], $0xffff  }
0x7c: {  	v38 =	vadd.s32 v8, v63;
	_ =	sdelay $0x3  }
0x7d: {  	[tilespmem:v25+s20+$0x1D0 ss:$0x1] =	vst.idx.msk $0xffff, v27  }
0x7e: {  	v27 =	vld.idx.msk [tilespmem:v38+s2+$0x0], $0xffff  }
0x7f: {  	v28 =	vadd.s32 v9, v63;
	_ =	sdelay $0x3  }
0x80: {  	[tilespmem:v25+s20+$0x1E0 ss:$0x1] =	vst.idx.msk $0xffff, v27;
	v27 =	vperm.xlane v26, v13  }
0x81: {  	v28 =	vld.idx.msk [tilespmem:v28+s2+$0x0], $0xffff  }
0x82: {  	v39 =	vadd.s32 v2, v27;
	_ =	sdelay $0x3  }
0x83: {  	[tilespmem:v25+s20+$0x1F0 ss:$0x1] =	vst.idx.msk $0xffff, v28  }
0x84: {  	v28 =	vld.idx.msk [tilespmem:v39+s2+$0x0], $0xffff  }
0x85: {  	v40 =	vadd.s32 v3, v27;
	_ =	sdelay $0x3  }
0x86: {  	[tilespmem:v25+s20+$0x200 ss:$0x1] =	vst.idx.msk $0xffff, v28  }
0x87: {  	v28 =	vld.idx.msk [tilespmem:v40+s2+$0x0], $0xffff  }
0x88: {  	v41 =	vadd.s32 v4, v27;
	_ =	sdelay $0x3  }
0x89: {  	[tilespmem:v25+s20+$0x210 ss:$0x1] =	vst.idx.msk $0xffff, v28  }
0x8a: {  	v28 =	vld.idx.msk [tilespmem:v41+s2+$0x0], $0xffff  }
0x8b: {  	v42 =	vadd.s32 v5, v27;
	_ =	sdelay $0x3  }
0x8c: {  	[tilespmem:v25+s20+$0x220 ss:$0x1] =	vst.idx.msk $0xffff, v28  }
0x8d: {  	v28 =	vld.idx.msk [tilespmem:v42+s2+$0x0], $0xffff  }
0x8e: {  	v43 =	vadd.s32 v6, v27;
	_ =	sdelay $0x3  }
0x8f: {  	[tilespmem:v25+s20+$0x230 ss:$0x1] =	vst.idx.msk $0xffff, v28  }
0x90: {  	v28 =	vld.idx.msk [tilespmem:v43+s2+$0x0], $0xffff  }
0x91: {  	v44 =	vadd.s32 v7, v27;
	_ =	sdelay $0x3  }
0x92: {  	[tilespmem:v25+s20+$0x240 ss:$0x1] =	vst.idx.msk $0xffff, v28  }
0x93: {  	v28 =	vld.idx.msk [tilespmem:v44+s2+$0x0], $0xffff  }
0x94: {  	v45 =	vadd.s32 v8, v27;
	_ =	sdelay $0x3  }
0x95: {  	[tilespmem:v25+s20+$0x250 ss:$0x1] =	vst.idx.msk $0xffff, v28  }
0x96: {  	v28 =	vld.idx.msk [tilespmem:v45+s2+$0x0], $0xffff  }
0x97: {  	v27 =	vadd.s32 v9, v27;
	_ =	sdelay $0x3  }
0x98: {  	v46 =	vperm.xlane v26, v14;
	[tilespmem:v25+s20+$0x260 ss:$0x1] =	vst.idx.msk $0xffff, v28  }
0x99: {  	v27 =	vld.idx.msk [tilespmem:v27+s2+$0x0], $0xffff  }
0x9a: {  	v47 =	vadd.s32 v2, v46;
	_ =	sdelay $0x3  }
0x9b: {  	[tilespmem:v25+s20+$0x270 ss:$0x1] =	vst.idx.msk $0xffff, v27  }
0x9c: {  	v27 =	vld.idx.msk [tilespmem:v47+s2+$0x0], $0xffff  }
0x9d: {  	v48 =	vadd.s32 v3, v46;
	_ =	sdelay $0x3  }
0x9e: {  	[tilespmem:v25+s20+$0x280 ss:$0x1] =	vst.idx.msk $0xffff, v27  }
0x9f: {  	v27 =	vld.idx.msk [tilespmem:v48+s2+$0x0], $0xffff  }
0xa0: {  	v49 =	vadd.s32 v4, v46;
	_ =	sdelay $0x3  }
0xa1: {  	[tilespmem:v25+s20+$0x290 ss:$0x1] =	vst.idx.msk $0xffff, v27  }
0xa2: {  	v27 =	vld.idx.msk [tilespmem:v49+s2+$0x0], $0xffff  }
0xa3: {  	v50 =	vadd.s32 v5, v46;
	_ =	sdelay $0x3  }
0xa4: {  	[tilespmem:v25+s20+$0x2A0 ss:$0x1] =	vst.idx.msk $0xffff, v27  }
0xa5: {  	v27 =	vld.idx.msk [tilespmem:v50+s2+$0x0], $0xffff  }
0xa6: {  	v51 =	vadd.s32 v6, v46;
	_ =	sdelay $0x3  }
0xa7: {  	[tilespmem:v25+s20+$0x2B0 ss:$0x1] =	vst.idx.msk $0xffff, v27  }
0xa8: {  	v27 =	vld.idx.msk [tilespmem:v51+s2+$0x0], $0xffff  }
0xa9: {  	v52 =	vadd.s32 v7, v46;
	_ =	sdelay $0x3  }
0xaa: {  	[tilespmem:v25+s20+$0x2C0 ss:$0x1] =	vst.idx.msk $0xffff, v27  }
0xab: {  	v27 =	vld.idx.msk [tilespmem:v52+s2+$0x0], $0xffff  }
0xac: {  	v53 =	vadd.s32 v8, v46;
	_ =	sdelay $0x3  }
0xad: {  	[tilespmem:v25+s20+$0x2D0 ss:$0x1] =	vst.idx.msk $0xffff, v27  }
0xae: {  	v27 =	vld.idx.msk [tilespmem:v53+s2+$0x0], $0xffff  }
0xaf: {  	v28 =	vadd.s32 v9, v46;
	_ =	sdelay $0x3  }
0xb0: {  	[tilespmem:v25+s20+$0x2E0 ss:$0x1] =	vst.idx.msk $0xffff, v27;
	v27 =	vperm.xlane v26, v15  }
0xb1: {  	v28 =	vld.idx.msk [tilespmem:v28+s2+$0x0], $0xffff  }
0xb2: {  	v54 =	vadd.s32 v2, v27;
	_ =	sdelay $0x3  }
0xb3: {  	[tilespmem:v25+s20+$0x2F0 ss:$0x1] =	vst.idx.msk $0xffff, v28  }
0xb4: {  	v28 =	vld.idx.msk [tilespmem:v54+s2+$0x0], $0xffff  }
0xb5: {  	v55 =	vadd.s32 v3, v27;
	_ =	sdelay $0x3  }
0xb6: {  	[tilespmem:v25+s20+$0x300 ss:$0x1] =	vst.idx.msk $0xffff, v28  }
0xb7: {  	v28 =	vld.idx.msk [tilespmem:v55+s2+$0x0], $0xffff  }
0xb8: {  	v56 =	vadd.s32 v4, v27;
	_ =	sdelay $0x3  }
0xb9: {  	[tilespmem:v25+s20+$0x310 ss:$0x1] =	vst.idx.msk $0xffff, v28  }
0xba: {  	v28 =	vld.idx.msk [tilespmem:v56+s2+$0x0], $0xffff  }
0xbb: {  	v57 =	vadd.s32 v5, v27;
	_ =	sdelay $0x3  }
0xbc: {  	[tilespmem:v25+s20+$0x320 ss:$0x1] =	vst.idx.msk $0xffff, v28  }
0xbd: {  	v28 =	vld.idx.msk [tilespmem:v57+s2+$0x0], $0xffff  }
0xbe: {  	v58 =	vadd.s32 v6, v27;
	_ =	sdelay $0x3  }
0xbf: {  	[tilespmem:v25+s20+$0x330 ss:$0x1] =	vst.idx.msk $0xffff, v28  }
0xc0: {  	v28 =	vld.idx.msk [tilespmem:v58+s2+$0x0], $0xffff  }
0xc1: {  	v59 =	vadd.s32 v7, v27;
	_ =	sdelay $0x3  }
0xc2: {  	[tilespmem:v25+s20+$0x340 ss:$0x1] =	vst.idx.msk $0xffff, v28  }
0xc3: {  	v28 =	vld.idx.msk [tilespmem:v59+s2+$0x0], $0xffff  }
0xc4: {  	v60 =	vadd.s32 v8, v27;
	_ =	sdelay $0x3  }
0xc5: {  	[tilespmem:v25+s20+$0x350 ss:$0x1] =	vst.idx.msk $0xffff, v28  }
0xc6: {  	v28 =	vld.idx.msk [tilespmem:v60+s2+$0x0], $0xffff  }
0xc7: {  	v27 =	vadd.s32 v9, v27;
	_ =	sdelay $0x3  }
0xc8: {  	v61 =	vperm.xlane v26, v0;
	[tilespmem:v25+s20+$0x360 ss:$0x1] =	vst.idx.msk $0xffff, v28  }
0xc9: {  	v27 =	vld.idx.msk [tilespmem:v27+s2+$0x0], $0xffff  }
0xca: {  	v62 =	vadd.s32 v2, v61;
	_ =	sdelay $0x3  }
0xcb: {  	[tilespmem:v25+s20+$0x370 ss:$0x1] =	vst.idx.msk $0xffff, v27  }
0xcc: {  	v27 =	vld.idx.msk [tilespmem:v62+s2+$0x0], $0xffff  }
0xcd: {  	v63 =	vadd.s32 v3, v61;
	_ =	sdelay $0x3  }
0xce: {  	[tilespmem:v25+s20+$0x380 ss:$0x1] =	vst.idx.msk $0xffff, v27  }
0xcf: {  	v27 =	vld.idx.msk [tilespmem:v63+s2+$0x0], $0xffff  }
0xd0: {  	v32 =	vadd.s32 v4, v61;
	_ =	sdelay $0x3  }
0xd1: {  	[tilespmem:v25+s20+$0x390 ss:$0x1] =	vst.idx.msk $0xffff, v27  }
0xd2: {  	v27 =	vld.idx.msk [tilespmem:v32+s2+$0x0], $0xffff  }
0xd3: {  	v33 =	vadd.s32 v5, v61;
	_ =	sdelay $0x3  }
0xd4: {  	[tilespmem:v25+s20+$0x3A0 ss:$0x1] =	vst.idx.msk $0xffff, v27  }
0xd5: {  	v27 =	vld.idx.msk [tilespmem:v33+s2+$0x0], $0xffff  }
0xd6: {  	v34 =	vadd.s32 v6, v61;
	_ =	sdelay $0x3  }
0xd7: {  	[tilespmem:v25+s20+$0x3B0 ss:$0x1] =	vst.idx.msk $0xffff, v27  }
0xd8: {  	v27 =	vld.idx.msk [tilespmem:v34+s2+$0x0], $0xffff  }
0xd9: {  	v35 =	vadd.s32 v7, v61;
	_ =	sdelay $0x3  }
0xda: {  	[tilespmem:v25+s20+$0x3C0 ss:$0x1] =	vst.idx.msk $0xffff, v27  }
0xdb: {  	v27 =	vld.idx.msk [tilespmem:v35+s2+$0x0], $0xffff  }
0xdc: {  	v36 =	vadd.s32 v8, v61;
	_ =	sdelay $0x3  }
0xdd: {  	[tilespmem:v25+s20+$0x3D0 ss:$0x1] =	vst.idx.msk $0xffff, v27  }
0xde: {  	v27 =	vld.idx.msk [tilespmem:v36+s2+$0x0], $0xffff  }
0xdf: {  	v28 =	vadd.s32 v9, v61;
	_ =	sdelay $0x3  }
0xe0: {  	[tilespmem:v25+s20+$0x3E0 ss:$0x1] =	vst.idx.msk $0xffff, v27;
	v27 =	vperm.xlane v26, v16  }
0xe1: {  	v28 =	vld.idx.msk [tilespmem:v28+s2+$0x0], $0xffff  }
0xe2: {  	v37 =	vadd.s32 v2, v27;
	_ =	sdelay $0x3  }
0xe3: {  	[tilespmem:v25+s20+$0x3F0 ss:$0x1] =	vst.idx.msk $0xffff, v28  }
0xe4: {  	v28 =	vld.idx.msk [tilespmem:v37+s2+$0x0], $0xffff  }
0xe5: {  	v38 =	vadd.s32 v3, v27;
	_ =	sdelay $0x3  }
0xe6: {  	[tilespmem:v25+s20+$0x400 ss:$0x1] =	vst.idx.msk $0xffff, v28  }
0xe7: {  	v28 =	vld.idx.msk [tilespmem:v38+s2+$0x0], $0xffff  }
0xe8: {  	v39 =	vadd.s32 v4, v27;
	_ =	sdelay $0x3  }
0xe9: {  	[tilespmem:v25+s20+$0x410 ss:$0x1] =	vst.idx.msk $0xffff, v28  }
0xea: {  	v28 =	vld.idx.msk [tilespmem:v39+s2+$0x0], $0xffff  }
0xeb: {  	v40 =	vadd.s32 v5, v27;
	_ =	sdelay $0x3  }
0xec: {  	[tilespmem:v25+s20+$0x420 ss:$0x1] =	vst.idx.msk $0xffff, v28  }
0xed: {  	v28 =	vld.idx.msk [tilespmem:v40+s2+$0x0], $0xffff  }
0xee: {  	v41 =	vadd.s32 v6, v27;
	_ =	sdelay $0x3  }
0xef: {  	[tilespmem:v25+s20+$0x430 ss:$0x1] =	vst.idx.msk $0xffff, v28  }
0xf0: {  	v28 =	vld.idx.msk [tilespmem:v41+s2+$0x0], $0xffff  }
0xf1: {  	v42 =	vadd.s32 v7, v27;
	_ =	sdelay $0x3  }
0xf2: {  	[tilespmem:v25+s20+$0x440 ss:$0x1] =	vst.idx.msk $0xffff, v28  }
0xf3: {  	v28 =	vld.idx.msk [tilespmem:v42+s2+$0x0], $0xffff  }
0xf4: {  	v43 =	vadd.s32 v8, v27;
	_ =	sdelay $0x3  }
0xf5: {  	[tilespmem:v25+s20+$0x450 ss:$0x1] =	vst.idx.msk $0xffff, v28  }
0xf6: {  	v28 =	vld.idx.msk [tilespmem:v43+s2+$0x0], $0xffff  }
0xf7: {  	v27 =	vadd.s32 v9, v27;
	_ =	sdelay $0x3  }
0xf8: {  	v44 =	vperm.xlane v26, v17;
	[tilespmem:v25+s20+$0x460 ss:$0x1] =	vst.idx.msk $0xffff, v28  }
0xf9: {  	v27 =	vld.idx.msk [tilespmem:v27+s2+$0x0], $0xffff  }
0xfa: {  	v45 =	vadd.s32 v2, v44;
	_ =	sdelay $0x3  }
0xfb: {  	[tilespmem:v25+s20+$0x470 ss:$0x1] =	vst.idx.msk $0xffff, v27  }
0xfc: {  	v27 =	vld.idx.msk [tilespmem:v45+s2+$0x0], $0xffff  }
0xfd: {  	v46 =	vadd.s32 v3, v44;
	_ =	sdelay $0x3  }
0xfe: {  	[tilespmem:v25+s20+$0x480 ss:$0x1] =	vst.idx.msk $0xffff, v27  }
0xff: {  	v27 =	vld.idx.msk [tilespmem:v46+s2+$0x0], $0xffff  }
0x100: {  	v47 =	vadd.s32 v4, v44;
	_ =	sdelay $0x3  }
0x101: {  	[tilespmem:v25+s20+$0x490 ss:$0x1] =	vst.idx.msk $0xffff, v27  }
0x102: {  	v27 =	vld.idx.msk [tilespmem:v47+s2+$0x0], $0xffff  }
0x103: {  	v48 =	vadd.s32 v5, v44;
	_ =	sdelay $0x3  }
0x104: {  	[tilespmem:v25+s20+$0x4A0 ss:$0x1] =	vst.idx.msk $0xffff, v27  }
0x105: {  	v27 =	vld.idx.msk [tilespmem:v48+s2+$0x0], $0xffff  }
0x106: {  	v49 =	vadd.s32 v6, v44;
	_ =	sdelay $0x3  }
0x107: {  	[tilespmem:v25+s20+$0x4B0 ss:$0x1] =	vst.idx.msk $0xffff, v27  }
0x108: {  	v27 =	vld.idx.msk [tilespmem:v49+s2+$0x0], $0xffff  }
0x109: {  	v50 =	vadd.s32 v7, v44;
	_ =	sdelay $0x3  }
0x10a: {  	[tilespmem:v25+s20+$0x4C0 ss:$0x1] =	vst.idx.msk $0xffff, v27  }
0x10b: {  	v27 =	vld.idx.msk [tilespmem:v50+s2+$0x0], $0xffff  }
0x10c: {  	v51 =	vadd.s32 v8, v44;
	_ =	sdelay $0x3  }
0x10d: {  	[tilespmem:v25+s20+$0x4D0 ss:$0x1] =	vst.idx.msk $0xffff, v27  }
0x10e: {  	v27 =	vld.idx.msk [tilespmem:v51+s2+$0x0], $0xffff  }
0x10f: {  	v28 =	vadd.s32 v9, v44;
	_ =	sdelay $0x3  }
0x110: {  	[tilespmem:v25+s20+$0x4E0 ss:$0x1] =	vst.idx.msk $0xffff, v27;
	v27 =	vperm.xlane v26, v18  }
0x111: {  	v28 =	vld.idx.msk [tilespmem:v28+s2+$0x0], $0xffff  }
0x112: {  	v52 =	vadd.s32 v2, v27;
	_ =	sdelay $0x3  }
0x113: {  	[tilespmem:v25+s20+$0x4F0 ss:$0x1] =	vst.idx.msk $0xffff, v28  }
0x114: {  	v28 =	vld.idx.msk [tilespmem:v52+s2+$0x0], $0xffff  }
0x115: {  	v53 =	vadd.s32 v3, v27;
	_ =	sdelay $0x3  }
0x116: {  	[tilespmem:v25+s20+$0x500 ss:$0x1] =	vst.idx.msk $0xffff, v28  }
0x117: {  	v28 =	vld.idx.msk [tilespmem:v53+s2+$0x0], $0xffff  }
0x118: {  	v54 =	vadd.s32 v4, v27;
	_ =	sdelay $0x3  }
0x119: {  	[tilespmem:v25+s20+$0x510 ss:$0x1] =	vst.idx.msk $0xffff, v28  }
0x11a: {  	v28 =	vld.idx.msk [tilespmem:v54+s2+$0x0], $0xffff  }
0x11b: {  	v55 =	vadd.s32 v5, v27;
	_ =	sdelay $0x3  }
0x11c: {  	[tilespmem:v25+s20+$0x520 ss:$0x1] =	vst.idx.msk $0xffff, v28  }
0x11d: {  	v28 =	vld.idx.msk [tilespmem:v55+s2+$0x0], $0xffff  }
0x11e: {  	v56 =	vadd.s32 v6, v27;
	_ =	sdelay $0x3  }
0x11f: {  	[tilespmem:v25+s20+$0x530 ss:$0x1] =	vst.idx.msk $0xffff, v28  }
0x120: {  	v28 =	vld.idx.msk [tilespmem:v56+s2+$0x0], $0xffff  }
0x121: {  	v57 =	vadd.s32 v7, v27;
	_ =	sdelay $0x3  }
0x122: {  	[tilespmem:v25+s20+$0x540 ss:$0x1] =	vst.idx.msk $0xffff, v28  }
0x123: {  	v28 =	vld.idx.msk [tilespmem:v57+s2+$0x0], $0xffff  }
0x124: {  	v58 =	vadd.s32 v8, v27;
	_ =	sdelay $0x3  }
0x125: {  	[tilespmem:v25+s20+$0x550 ss:$0x1] =	vst.idx.msk $0xffff, v28  }
0x126: {  	v28 =	vld.idx.msk [tilespmem:v58+s2+$0x0], $0xffff  }
0x127: {  	v27 =	vadd.s32 v9, v27;
	_ =	sdelay $0x3  }
0x128: {  	v59 =	vperm.xlane v26, v19;
	[tilespmem:v25+s20+$0x560 ss:$0x1] =	vst.idx.msk $0xffff, v28  }
0x129: {  	v27 =	vld.idx.msk [tilespmem:v27+s2+$0x0], $0xffff  }
0x12a: {  	v60 =	vadd.s32 v2, v59;
	_ =	sdelay $0x3  }
0x12b: {  	[tilespmem:v25+s20+$0x570 ss:$0x1] =	vst.idx.msk $0xffff, v27  }
0x12c: {  	v27 =	vld.idx.msk [tilespmem:v60+s2+$0x0], $0xffff  }
0x12d: {  	v61 =	vadd.s32 v3, v59;
	_ =	sdelay $0x3  }
0x12e: {  	[tilespmem:v25+s20+$0x580 ss:$0x1] =	vst.idx.msk $0xffff, v27  }
0x12f: {  	v27 =	vld.idx.msk [tilespmem:v61+s2+$0x0], $0xffff  }
0x130: {  	v62 =	vadd.s32 v4, v59;
	_ =	sdelay $0x3  }
0x131: {  	[tilespmem:v25+s20+$0x590 ss:$0x1] =	vst.idx.msk $0xffff, v27  }
0x132: {  	v27 =	vld.idx.msk [tilespmem:v62+s2+$0x0], $0xffff  }
0x133: {  	v63 =	vadd.s32 v5, v59;
	_ =	sdelay $0x3  }
0x134: {  	[tilespmem:v25+s20+$0x5A0 ss:$0x1] =	vst.idx.msk $0xffff, v27  }
0x135: {  	v27 =	vld.idx.msk [tilespmem:v63+s2+$0x0], $0xffff  }
0x136: {  	v32 =	vadd.s32 v6, v59;
	_ =	sdelay $0x3  }
0x137: {  	[tilespmem:v25+s20+$0x5B0 ss:$0x1] =	vst.idx.msk $0xffff, v27  }
0x138: {  	v27 =	vld.idx.msk [tilespmem:v32+s2+$0x0], $0xffff  }
0x139: {  	v33 =	vadd.s32 v7, v59;
	_ =	sdelay $0x3  }
0x13a: {  	[tilespmem:v25+s20+$0x5C0 ss:$0x1] =	vst.idx.msk $0xffff, v27  }
0x13b: {  	v27 =	vld.idx.msk [tilespmem:v33+s2+$0x0], $0xffff  }
0x13c: {  	v34 =	vadd.s32 v8, v59;
	_ =	sdelay $0x3  }
0x13d: {  	[tilespmem:v25+s20+$0x5D0 ss:$0x1] =	vst.idx.msk $0xffff, v27  }
0x13e: {  	v27 =	vld.idx.msk [tilespmem:v34+s2+$0x0], $0xffff  }
0x13f: {  	v28 =	vadd.s32 v9, v59;
	_ =	sdelay $0x3  }
0x140: {  	[tilespmem:v25+s20+$0x5E0 ss:$0x1] =	vst.idx.msk $0xffff, v27;
	v27 =	vperm.xlane v26, v20  }
0x141: {  	v28 =	vld.idx.msk [tilespmem:v28+s2+$0x0], $0xffff  }
0x142: {  	v35 =	vadd.s32 v2, v27;
	_ =	sdelay $0x3  }
0x143: {  	[tilespmem:v25+s20+$0x5F0 ss:$0x1] =	vst.idx.msk $0xffff, v28  }
0x144: {  	v28 =	vld.idx.msk [tilespmem:v35+s2+$0x0], $0xffff  }
0x145: {  	v36 =	vadd.s32 v3, v27;
	_ =	sdelay $0x3  }
0x146: {  	[tilespmem:v25+s20+$0x600 ss:$0x1] =	vst.idx.msk $0xffff, v28  }
0x147: {  	v28 =	vld.idx.msk [tilespmem:v36+s2+$0x0], $0xffff  }
0x148: {  	v37 =	vadd.s32 v4, v27;
	_ =	sdelay $0x3  }
0x149: {  	[tilespmem:v25+s20+$0x610 ss:$0x1] =	vst.idx.msk $0xffff, v28  }
0x14a: {  	v28 =	vld.idx.msk [tilespmem:v37+s2+$0x0], $0xffff  }
0x14b: {  	v38 =	vadd.s32 v5, v27;
	_ =	sdelay $0x3  }
0x14c: {  	[tilespmem:v25+s20+$0x620 ss:$0x1] =	vst.idx.msk $0xffff, v28  }
0x14d: {  	v28 =	vld.idx.msk [tilespmem:v38+s2+$0x0], $0xffff  }
0x14e: {  	v39 =	vadd.s32 v6, v27;
	_ =	sdelay $0x3  }
0x14f: {  	[tilespmem:v25+s20+$0x630 ss:$0x1] =	vst.idx.msk $0xffff, v28  }
0x150: {  	v28 =	vld.idx.msk [tilespmem:v39+s2+$0x0], $0xffff  }
0x151: {  	v40 =	vadd.s32 v7, v27;
	_ =	sdelay $0x3  }
0x152: {  	[tilespmem:v25+s20+$0x640 ss:$0x1] =	vst.idx.msk $0xffff, v28  }
0x153: {  	v28 =	vld.idx.msk [tilespmem:v40+s2+$0x0], $0xffff  }
0x154: {  	v41 =	vadd.s32 v8, v27;
	_ =	sdelay $0x3  }
0x155: {  	[tilespmem:v25+s20+$0x650 ss:$0x1] =	vst.idx.msk $0xffff, v28  }
0x156: {  	v28 =	vld.idx.msk [tilespmem:v41+s2+$0x0], $0xffff  }
0x157: {  	v27 =	vadd.s32 v9, v27;
	_ =	sdelay $0x3  }
0x158: {  	v42 =	vperm.xlane v26, v21;
	[tilespmem:v25+s20+$0x660 ss:$0x1] =	vst.idx.msk $0xffff, v28  }
0x159: {  	v27 =	vld.idx.msk [tilespmem:v27+s2+$0x0], $0xffff  }
0x15a: {  	v43 =	vadd.s32 v2, v42;
	_ =	sdelay $0x3  }
0x15b: {  	[tilespmem:v25+s20+$0x670 ss:$0x1] =	vst.idx.msk $0xffff, v27  }
0x15c: {  	v27 =	vld.idx.msk [tilespmem:v43+s2+$0x0], $0xffff  }
0x15d: {  	v44 =	vadd.s32 v3, v42;
	_ =	sdelay $0x3  }
0x15e: {  	[tilespmem:v25+s20+$0x680 ss:$0x1] =	vst.idx.msk $0xffff, v27  }
0x15f: {  	v27 =	vld.idx.msk [tilespmem:v44+s2+$0x0], $0xffff  }
0x160: {  	v45 =	vadd.s32 v4, v42;
	_ =	sdelay $0x3  }
0x161: {  	[tilespmem:v25+s20+$0x690 ss:$0x1] =	vst.idx.msk $0xffff, v27  }
0x162: {  	v27 =	vld.idx.msk [tilespmem:v45+s2+$0x0], $0xffff  }
0x163: {  	v46 =	vadd.s32 v5, v42;
	_ =	sdelay $0x3  }
0x164: {  	[tilespmem:v25+s20+$0x6A0 ss:$0x1] =	vst.idx.msk $0xffff, v27  }
0x165: {  	v27 =	vld.idx.msk [tilespmem:v46+s2+$0x0], $0xffff  }
0x166: {  	v47 =	vadd.s32 v6, v42;
	_ =	sdelay $0x3  }
0x167: {  	[tilespmem:v25+s20+$0x6B0 ss:$0x1] =	vst.idx.msk $0xffff, v27  }
0x168: {  	v27 =	vld.idx.msk [tilespmem:v47+s2+$0x0], $0xffff  }
0x169: {  	v48 =	vadd.s32 v7, v42;
	_ =	sdelay $0x3  }
0x16a: {  	[tilespmem:v25+s20+$0x6C0 ss:$0x1] =	vst.idx.msk $0xffff, v27  }
0x16b: {  	v27 =	vld.idx.msk [tilespmem:v48+s2+$0x0], $0xffff  }
0x16c: {  	v49 =	vadd.s32 v8, v42;
	_ =	sdelay $0x3  }
0x16d: {  	[tilespmem:v25+s20+$0x6D0 ss:$0x1] =	vst.idx.msk $0xffff, v27  }
0x16e: {  	v27 =	vld.idx.msk [tilespmem:v49+s2+$0x0], $0xffff  }
0x16f: {  	v28 =	vadd.s32 v9, v42;
	_ =	sdelay $0x3  }
0x170: {  	[tilespmem:v25+s20+$0x6E0 ss:$0x1] =	vst.idx.msk $0xffff, v27;
	v27 =	vperm.xlane v26, v22  }
0x171: {  	v28 =	vld.idx.msk [tilespmem:v28+s2+$0x0], $0xffff  }
0x172: {  	v50 =	vadd.s32 v2, v27;
	_ =	sdelay $0x3  }
0x173: {  	[tilespmem:v25+s20+$0x6F0 ss:$0x1] =	vst.idx.msk $0xffff, v28  }
0x174: {  	v28 =	vld.idx.msk [tilespmem:v50+s2+$0x0], $0xffff  }
0x175: {  	v51 =	vadd.s32 v3, v27;
	_ =	sdelay $0x3  }
0x176: {  	[tilespmem:v25+s20+$0x700 ss:$0x1] =	vst.idx.msk $0xffff, v28  }
0x177: {  	v28 =	vld.idx.msk [tilespmem:v51+s2+$0x0], $0xffff  }
0x178: {  	v52 =	vadd.s32 v4, v27;
	_ =	sdelay $0x3  }
0x179: {  	[tilespmem:v25+s20+$0x710 ss:$0x1] =	vst.idx.msk $0xffff, v28  }
0x17a: {  	v28 =	vld.idx.msk [tilespmem:v52+s2+$0x0], $0xffff  }
0x17b: {  	v53 =	vadd.s32 v5, v27;
	_ =	sdelay $0x3  }
0x17c: {  	[tilespmem:v25+s20+$0x720 ss:$0x1] =	vst.idx.msk $0xffff, v28  }
0x17d: {  	v28 =	vld.idx.msk [tilespmem:v53+s2+$0x0], $0xffff  }
0x17e: {  	v54 =	vadd.s32 v6, v27;
	_ =	sdelay $0x3  }
0x17f: {  	[tilespmem:v25+s20+$0x730 ss:$0x1] =	vst.idx.msk $0xffff, v28  }
0x180: {  	v28 =	vld.idx.msk [tilespmem:v54+s2+$0x0], $0xffff  }
0x181: {  	v55 =	vadd.s32 v7, v27;
	_ =	sdelay $0x3  }
0x182: {  	[tilespmem:v25+s20+$0x740 ss:$0x1] =	vst.idx.msk $0xffff, v28  }
0x183: {  	v28 =	vld.idx.msk [tilespmem:v55+s2+$0x0], $0xffff  }
0x184: {  	v56 =	vadd.s32 v8, v27;
	_ =	sdelay $0x3  }
0x185: {  	[tilespmem:v25+s20+$0x750 ss:$0x1] =	vst.idx.msk $0xffff, v28  }
0x186: {  	v28 =	vld.idx.msk [tilespmem:v56+s2+$0x0], $0xffff  }
0x187: {  	v27 =	vadd.s32 v9, v27;
	_ =	sdelay $0x3  }
0x188: {  	v26 =	vperm.xlane v26, v23;
	[tilespmem:v25+s20+$0x760 ss:$0x1] =	vst.idx.msk $0xffff, v28  }
0x189: {  	v27 =	vld.idx.msk [tilespmem:v27+s2+$0x0], $0xffff  }
0x18a: {  	v57 =	vadd.s32 v2, v26;
	_ =	sdelay $0x3  }
0x18b: {  	[tilespmem:v25+s20+$0x770 ss:$0x1] =	vst.idx.msk $0xffff, v27  }
0x18c: {  	v27 =	vld.idx.msk [tilespmem:v57+s2+$0x0], $0xffff  }
0x18d: {  	v58 =	vadd.s32 v3, v26;
	_ =	sdelay $0x3  }
0x18e: {  	[tilespmem:v25+s20+$0x780 ss:$0x1] =	vst.idx.msk $0xffff, v27  }
0x18f: {  	v27 =	vld.idx.msk [tilespmem:v58+s2+$0x0], $0xffff  }
0x190: {  	v59 =	vadd.s32 v4, v26;
	_ =	sdelay $0x3  }
0x191: {  	[tilespmem:v25+s20+$0x790 ss:$0x1] =	vst.idx.msk $0xffff, v27  }
0x192: {  	v27 =	vld.idx.msk [tilespmem:v59+s2+$0x0], $0xffff  }
0x193: {  	v60 =	vadd.s32 v5, v26;
	_ =	sdelay $0x3  }
0x194: {  	[tilespmem:v25+s20+$0x7A0 ss:$0x1] =	vst.idx.msk $0xffff, v27  }
0x195: {  	v27 =	vld.idx.msk [tilespmem:v60+s2+$0x0], $0xffff  }
0x196: {  	v61 =	vadd.s32 v6, v26;
	_ =	sdelay $0x3  }
0x197: {  	[tilespmem:v25+s20+$0x7B0 ss:$0x1] =	vst.idx.msk $0xffff, v27  }
0x198: {  	v27 =	vld.idx.msk [tilespmem:v61+s2+$0x0], $0xffff  }
0x199: {  	v62 =	vadd.s32 v7, v26;
	_ =	sdelay $0x3  }
0x19a: {  	[tilespmem:v25+s20+$0x7C0 ss:$0x1] =	vst.idx.msk $0xffff, v27  }
0x19b: {  	v27 =	vld.idx.msk [tilespmem:v62+s2+$0x0], $0xffff  }
0x19c: {  	v63 =	vadd.s32 v8, v26;
	_ =	sdelay $0x3  }
0x19d: {  	[tilespmem:v25+s20+$0x7D0 ss:$0x1] =	vst.idx.msk $0xffff, v27  }
0x19e: {  	v27 =	vld.idx.msk [tilespmem:v63+s2+$0x0], $0xffff  }
0x19f: {  	v26 =	vadd.s32 v9, v26;
	_ =	sdelay $0x3  }
0x1a0: {  	[tilespmem:v25+s20+$0x7E0 ss:$0x1] =	vst.idx.msk $0xffff, v27  }
0x1a1: {  	p1 =	por p0, p0;
	v26 =	vld.idx.msk [tilespmem:v26+s2+$0x0], $0xffff  }
.Ltmp0:
0x1a2: {  	_ = 	snop;
	(pc) =	sbr.rel @p1 .LBB2_3-.Ltmp0, $2  }
0x1a3: {  	_ =	sdelay $0x2  }
0x1a4: {  	p0 =	por $0x0, $0x0;
	[tilespmem:v25+s20+$0x7F0 ss:$0x1] =	vst.idx.msk $0xffff, v26;
	s20 =	simm.s32 $0x1  }
0x1a5: {  	s18 =	sshll.u32 s18, $0xD;
	p0 =	sne.s32 s17, $0x280  }
.Ltmp1:
0x1a6: {  	s18 =	sadd.s32 s7, s18;
	(pc) =	sbr.rel @p0 .LBB2_2-.Ltmp1, $4  }
0x1a7: {  	s18 =	sshrl.u32 s18, $0x3  }
0x1a8: {  	s18 =	sadd.s32 s1, s18  }
0x1a9: {  	[hbm4b:s18+s14] =	stream.strided.scatter [tilespmem:s19], [sflag:$0x2], $0x1000, s15, s14, $0x38;
	[tilespmem:$0x1E280] =	vst v63  }
0x1aa: {  	s18 =	smov.u32 s17  }
0x1ab: {  	s16 =	sadd.s32 $0x1, s16  }
0x1ac: {  	_ =	swait.ge [sflag:s13], $0x1000;
	p0 =	sne.s32 s16, s8  }
.Ltmp2:
0x1ad: {  	[sflag:s13] =	ssyncset.done $0x0;
	(pc) =	sbr.rel @p0 .LBB2_1-.Ltmp2, $4  }
0x1ae: {  	[sflag:s13] =	ssyncadd.s32 $0xFFFFF000  }
0x1af: {  	_ =	swait.ge [sflag:s13], $0x1000  }
0x1b0: {  	[sflag:s13] =	ssyncset.done $0x0  }
0x1b1: {  	[sflag:s13] =	ssyncadd.s32 $0xFFFFF000  }
0x1b2: {  	_ =	sfence.sel $0x180000  }
0x1b3: {  	[bflag:$0x0] =	sbarrier.arrive $0xFFFF  }
0x1b4: {  	p0 =	sne.s32 s3, $0x0;
	_ =	strace $0x90000047  }
0x1b5: {  	s0 =	sadd.s32 @!p0 $0x100000, s0;
	[bflag:$0x2] =	sbarrier.arrive $0xFFFF  }
0x1b6: {  	[sflag:s0] =	ssyncadd.tile.s32 @!p0 $0x1;
	_ =	shalt  }
.Lfunc_end2:
_tile_overlayer_lowered:
.L_overlay_start_2:
0x1b7: {  	(tag) =	ssettag $0x2  }
0x1b8: {  	s0 =	rddreg [dreg:$0x0];
	s2 =	stileid.u32  }
0x1b9: {  	s1 =	rddreg [dreg:$0x1];
	p0 =	sne.s32 s2, $0x0  }
0x1ba: {  	s3 =	rddreg [dreg:$0x2];
	[bflag:$0x3] =	sbarrier.arrive $0xFFFF;
	s2 =	simm.s32 @!p0 $0x1C03  }
0x1bb: {  	[timem:s3], [sflag:s2] =	dma.local @!p0 [hbm:s0], s1  }
0x1bc: {  	s0 =	simm.s32 @!p0 $0x3  }
0x1bd: {  	_ =	swait.ge @!p0 [sflag:s0], s1  }
0x1be: {  	s1 =	ssub.s32 @!p0 $0x0, s1;
	[sflag:s0] =	ssyncset.done @!p0 $0x0  }
0x1bf: {  	[sflag:s0] =	ssyncadd.s32 @!p0 s1  }
0x1c0: {  	[bflag:$0x3] =	sbarrier.arrive $0xFFFF  }
0x1c1: {  	_ =	shalt  }

// kernel: sparse-core-data-format-call.cloned.1.call-start
scs
called_computation_lowered:
.L_overlay_start_0:
0x0: {  	s2 =	sld [smem:$0x3FD9]  }
0x1: {  	s3 =	sld [smem:$0x3FFE];
	_ =	sdelay $0x1  }
0x2: {  	s1 =	srdreg.scid  }
0x3: {  	s0 =	sand.u32 $0x1, s1  }
0x4: {  	s18 =	sshll.u32 s0, $0xA;
	s2 =	sadd.s32 s3, s2  }
0x5: {  	s2 =	sadd.s32 s2, s18  }
0x6: {  	[smem:$0x3FC6] =	sst s2  }
0x7: {  	_ = 	snop  }
0x8: {  	s2 =	sld [smem:$0x3FD0];
	(tm) =	ssettm $0x1  }
0x9: {  	s19 =	sld [smem:$0x3FFB];
	_ =	sdelay $0x3  }
0xa: {  	_ =	strace s19  }
0xb: {  	s3 =	sld [smem:$0x3FFC];
	_ =	sdelay $0x3  }
0xc: {  	_ =	strace s3  }
0xd: {  	s3 =	sld [smem:$0x3FFD];
	_ =	sdelay $0x3  }
0xe: {  	_ =	strace s3  }
0xf: {  	_ =	strace $0x8FFFFFFF  }
0x10: {  	s20 =	sld [smem:$0x3FDB];
	_ =	sdelay $0x1  }
0x11: {  	s4 =	simm.s32 $_scs_section_size  }
0x12: {  	s5 =	simm.s32 $_size__tile_overlayer_lowered;
	s6 =	simm.s32 $_tile_overlayer_lowered  }
0x13: {  	s23 =	simm.s32 $0x1BFF;
	s22 =	sshll.u32 s6, $0x1;
	s3 =	sadd.s32 s4, s20  }
0x14: {  	s7 =	simm.s32 $0x0;
	s21 =	sshll.u32 s5, $0x1;
	s5 =	sadd.s32 s22, s3  }
0x15: {  	[timem:s7], [sflag:s23] =	dma.local [hbm:s5], s21  }
0x16: {  	_ =	swait.ge [sflag:s23], s21  }
0x17: {  	s4 =	ssub.s32 $0x0, s21;
	[sflag:s23] =	ssyncset.done $0x0  }
0x18: {  	[sflag:s23] =	ssyncadd.s32 s4;
	_ =	sdelay $0x1  }
0x19: {  	s24 =	simm.s32 $0x1B8B  }
0x1a: {  	_ =	swait.ge [sflag:s24], $0x1  }
0x1b: {  	[sflag:s24] =	ssyncset.done $0x0  }
0x1c: {  	s26 =	simm.s32 $0x1B8E;
	s25 =	sld [smem:$0x3FFE];
	[sflag:s24] =	ssyncadd.s32 $0xFFFFFFFF  }
0x1d: {  	s27 =	simm.s32 $execute0_lowered;
	[smem:$0x3FD2] =	sst s26  }
0x1e: {  	s5 =	sshll.u32 s27, $0x1;
	_ =	strace $0x80000049;
	[dreg:$0x1] =	wrdreg $0xFFFFFFFF  }
0x1f: {  	s28 =	simm.s32 $_size_execute0_lowered;
	s3 =	sadd.s32 s3, s5;
	[dreg:$0x0] =	wrdreg $0x0  }
0x20: {  	s5 =	sshll.u32 s28, $0x1;
	[dreg:$0x2] =	wrdreg s3  }
0x21: {  	[dreg:$0x3] =	wrdreg s5  }
0x22: {  	[dreg:$0x4] =	wrdreg $0xC0  }
0x23: {  	_ =	task [dreg:s7], $0x5FFFF  }
0x24: {  	[dreg:$0x1] =	wrdreg $0xFFFFFFFF  }
0x25: {  	[dreg:$0x0] =	wrdreg $0x60  }
0x26: {  	[dreg:$0x2] =	wrdreg s25  }
0x27: {  	[dreg:$0x3] =	wrdreg s2  }
0x28: {  	[dreg:$0x4] =	wrdreg $0x9  }
0x29: {  	_ =	task.clear_ibuf [dreg:s7], $0x5FFFF;
	_ =	strace $0x90000049  }
0x2a: {  	s29 =	simm.s32 $0x9;
	_ =	strace $0x8000004B  }
0x2b: {  	_ =	swait.ge [sflag:s29], $0x1  }
0x2c: {  	[sflag:s29] =	ssyncadd.s32 $0xFFFFFFFF  }
0x2d: {  	_ =	strace $0x9000004B  }
0x2e: {  	_ =	sfence  }
0x2f: {  	s30 =	sld [smem:$0x0];
	_ =	sdelay $0x2  }
0x30: {  	s31 =	sshll.u32 s1, $0xD;
	s1 =	sshrl.u32 s1, $0x2  }
0x31: {  	s3 =	sand.u32 $0x4000, s31;
	s1 =	sadd.s32 s1, s30  }
0x32: {  	s0 =	sor.u32 s3, s0;
	s1 =	sshll.u32 s1, $0x11  }
0x33: {  	s0 =	sor.u32 s1, s0  }
0x34: {  	s0 =	sadd.s32 $0x8F2B, s0  }
0x35: {  	[sflag:s0] =	ssyncadd.remote.s32 $0x1  }
0x36: {  	_ =	sfence.sel $0xFFFF  }
0x37: {  	[dreg:$0x0] =	wrdreg $0xFFFFFFFF;
	(pc) =	sbr.abs _section_cstart, $3  }
0x38: {  	[dreg:$0x1] =	wrdreg $0xFFFFFFFF  }
0x39: {  	_ =	task.clear_ibuf [dreg:s7], $0x2FFFF;
	_ =	strace $0x9FFFFFFF  }
0x3a: {  	(tm) =	ssettm $0x7FFFFFFF  }
0x3b: {  	_ =	shalt  }
tec
execute0_lowered:
.L_overlay_start_1:
0x0: {  	(tag) =	ssettag $0x1  }
0x1: {  	s0 =	srdreg.scid  }
0x2: {  	s1 =	sshll.u32 s0, $0x4  }
0x3: {  	s6 =	rddreg [dreg:$0x0];
	s0 =	stileid.u32;
	s1 =	sand.u32 $0x10, s1  }
0x4: {  	s3 =	rddreg [dreg:$0x1];
	s1 =	sor.u32 s0, s1  }
0x5: {  	s5 =	simm.s32 $0x1;
	s31 =	simm.s32 $0x2;
	s2 =	sshll.u32 s1, $0x7  }
0x6: {  	s14 =	simm.s32 $0x0;
	s8 =	simm.s32 $0x800;
	s4 =	ssub.s32 $0x4000, s2  }
0x7: {  	s9 =	simm.s32 $0x0;
	s15 =	simm.s32 $0x0;
	s30 =	sand.u32 $0xF80, s4  }
0x8: {  	s16 =	simm.s32 $0x0;
	s10 =	simm.s32 $0x0;
	p0 =	sne.s32 s30, $0x0  }
.Ltmp0:
0x9: {  	s7 =	sshrl.u32 s4, $0xC;
	s5 =	simm.s32 @!p0 $0x0;
	(pc) =	sbr.rel .LBB1_1-.Ltmp0, $4  }
0xa: {  	s11 =	simm.s32 $0x0;
	s1 =	rddreg [dreg:$0x2];
	s5 =	sadd.s32 s5, s7  }
0xb: {  	_ =	strace $0x8000004A;
	s4 =	simm.s32 $0x1;
	s5 =	smul.u32 $0x28, s5  }
0xc: {  	s13 =	simm.s32 $0x0;
	s6 =	sadd.s32 $0xA00, s6;
	[sflag:s4] =	ssyncpa.u1 $0x0  }
0xd: {  	s12 =	smov.u32 s2;
	[sflag:s31] =	ssyncpa.u1 $0x0;
	s7 =	sor.u32 $0x1, s5  }
.LBB1_4:
0xe: {  	_ =	sdelay $0x3  }
0xf: {  	[tilespmem:v0+s19+$0xFFFFFFD0 ss:$0x1] =	vst.idx.msk $0xffff, v6  }
0x10: {  	v56 =	vld.idx.msk [tilespmem:v1+s18+$0x0 ss:$0x1], $0xffff;
	[tilespmem:v0+s19+$0xFFFFFFE0 ss:$0x1] =	vst.idx.msk $0xffff, v4  }
0x11: {  	v57 =	vld.idx.msk [tilespmem:v1+s18+$0xFFFFFF90 ss:$0x1], $0xffff;
	[tilespmem:v0+s19+$0xFFFFFFF0 ss:$0x1] =	vst.idx.msk $0xffff, v2  }
0x12: {  	v58 =	vld.idx.msk [tilespmem:v1+s18+$0xFFFFFFA0 ss:$0x1], $0xffff;
	[tilespmem:v0+s19+$0x0 ss:$0x1] =	vst.idx.msk $0xffff, v3  }
0x13: {  	v59 =	vld.idx.msk [tilespmem:v1+s18+$0xFFFFFFB0 ss:$0x1], $0xffff;
	[tilespmem:v0+s19+$0x10 ss:$0x1] =	vst.idx.msk $0xffff, v5  }
0x14: {  	v60 =	vld.idx.msk [tilespmem:v1+s18+$0xFFFFFFC0 ss:$0x1], $0xffff;
	[tilespmem:v0+s19+$0x20 ss:$0x1] =	vst.idx.msk $0xffff, v7  }
0x15: {  	v61 =	vld.idx.msk [tilespmem:v1+s18+$0xFFFFFFD0 ss:$0x1], $0xffff;
	s27 =	sshll.u32 s16, $0x8;
	[tilespmem:v0+s18+$0x30 ss:$0x1] =	vst.idx.msk $0xffff, v56  }
0x16: {  	s20 =	sshll.u32 s14, $0x3;
	v62 =	vld.idx.msk [tilespmem:v1+s18+$0xFFFFFFE0 ss:$0x1], $0xffff;
	s30 =	sand.u32 $0x78, s14;
	s15 =	sshll.u32 s15, $0x13;
	[tilespmem:v0+s18+$0xFFFFFFC0 ss:$0x1] =	vst.idx.msk $0xffff, v57  }
0x17: {  	s28 =	sshll.u32 s16, $0x7;
	v63 =	vld.idx.msk [tilespmem:v1+s18+$0xFFFFFFF0 ss:$0x1], $0xffff;
	s19 =	sand.u32 $0x3FF800, s27;
	s20 =	sand.u32 $0x3FFC00, s20;
	[tilespmem:v0+s18+$0xFFFFFFD0 ss:$0x1] =	vst.idx.msk $0xffff, v58  }
0x18: {  	s29 =	sand.u32 $0x300, s28;
	s16 =	sand.u32 $0x80, s28;
	s19 =	sadd.s32 s19, s20;
	[tilespmem:v0+s18+$0xFFFFFFE0 ss:$0x1] =	vst.idx.msk $0xffff, v59  }
0x19: {  	s31 =	sand.u32 $0x7, s14;
	s16 =	sor.u32 s16, s30;
	s19 =	sor.u32 s29, s19;
	[tilespmem:v0+s18+$0xFFFFFFF0 ss:$0x1] =	vst.idx.msk $0xffff, v60  }
0x1a: {  	s15 =	sadd.s32 s3, s15;
	s16 =	sshrl.u32 s16, $0x3;
	s19 =	sshrl.u32 s19, $0x3;
	[tilespmem:v0+s18+$0x0 ss:$0x1] =	vst.idx.msk $0xffff, v61  }
0x1b: {  	s14 =	sshll.u32 s31, $0x12;
	s15 =	sadd.s32 s16, s15;
	[tilespmem:v0+s18+$0x10 ss:$0x1] =	vst.idx.msk $0xffff, v62;
	s19 =	sand.u32 $0x7FFE0, s19  }
0x1c: {  	s14 =	sor.u32 $0x400, s14;
	[tilespmem:v0+s18+$0x20 ss:$0x1] =	vst.idx.msk $0xffff, v63;
	s15 =	sadd.s32 s19, s15  }
0x1d: {  	[hbm4b:s15+s14] =	stream.strided.scatter [tilespmem:s17], [sflag:$0x2], $0x4000, s8, s14, $0x38;
	[tilespmem:$0x10000] =	vst v63  }
.LBB1_5:
0x1e: {  	s17 =	sadd.s32 $0x80, s10  }
0x1f: {  	s14 =	simm.s32 $0x1;
	p1 =	sgt.s32 s17, $0xFF  }
0x20: {  	s14 =	simm.s32 @!p1 $0x0  }
0x21: {  	s18 =	sadd.s32 s14, s11  }
0x22: {  	s20 =	smov.u32 s12;
	s14 =	sadd.s32 $0x1000, s12;
	p2 =	sgt.s32 s18, $0x13  }
0x23: {  	s20 =	smov.u32 @p2 s14  }
0x24: {  	p0 =	slt.u32 s13, $0x2;
	s17 =	simm.s32 @p1 $0x0;
	p1 =	sgt.s32 s20, $0x3FFF  }
0x25: {  	s19 =	simm.s32 @!p0 $0x2;
	s20 =	smov.u32 @p1 s2;
	p1 =	sne.s32 s13, s7  }
.Ltmp1:
0x26: {  	_ =	swait.ge @!p0 [sflag:s19], $0x4000;
	(pc) =	sbr.rel @!p1 .LBB1_6-.Ltmp1, $4  }
0x27: {  	s15 =	smov.u32 s11;
	[sflag:s19] =	ssyncset.done @!p0 $0x0  }
0x28: {  	s16 =	smov.u32 s12;
	s9 =	sadd.s32 $0x4000, s9;
	[sflag:s19] =	ssyncadd.s32 @!p0 $0xFFFFC000  }
0x29: {  	s18 =	simm.s32 @p2 $0x0;
	s14 =	smov.u32 s10;
	s10 =	smov.u32 s17  }
0x2a: {  	s11 =	smov.u32 s18;
	s13 =	sadd.s32 $0x1, s13;
	s12 =	smov.u32 s20  }
.LBB1_1:
0x2b: {  	p0 =	sge.u32 s13, s5  }
0x2c: {  	s17 =	sshll.u32 @!p0 s11, $0x8;
	s18 =	sshll.u32 @!p0 s10, $0x3  }
0x2d: {  	s19 =	sshll.u32 @!p0 s11, $0x7;
	s17 =	sand.u32 @!p0 $0xFFFFF800, s17;
	s18 =	sand.u32 @!p0 $0xFFFFFC00, s18  }
0x2e: {  	s17 =	sadd.s32 @!p0 s17, s18;
	s18 =	sand.u32 @!p0 $0x300, s19  }
0x2f: {  	s17 =	sor.u32 @!p0 s18, s17  }
0x30: {  	s17 =	sshrl.u32 @!p0 s17, $0x8  }
0x31: {  	s31 =	sadd.s32 $0xFFFFFFFF, s13;
	s18 =	smulhi.u32 @!p0 $0xAAAAAAB, s17  }
0x32: {  	s20 =	sxor.u32 @!p0 $0xFFFFFFFF, s13;
	s21 =	sand.u32 @!p0 $0x78, s10;
	s22 =	smul.u32 @!p0 $0x300, s12  }
0x33: {  	s20 =	sshll.u32 @!p0 s20, $0xE;
	s19 =	sand.u32 @!p0 $0x80, s19;
	s18 =	smul.u32 @!p0 $0x18, s18  }
0x34: {  	s20 =	sand.u32 @!p0 $0x4000, s20;
	s19 =	sor.u32 @!p0 s21, s19;
	s21 =	sand.u32 @!p0 $0x7, s10  }
0x35: {  	s17 =	ssub.s32 @!p0 s17, s18;
	s18 =	sshrl.u32 @!p0 s19, $0x3;
	s19 =	sadd.s32 @!p0 s6, s22  }
0x36: {  	s17 =	sshll.u32 @!p0 s17, $0x5;
	s18 =	sadd.s32 @!p0 s18, s19;
	s19 =	sshll.u32 @!p0 s21, $0x12  }
0x37: {  	s17 =	sadd.s32 @!p0 s17, s18;
	s18 =	sor.u32 @!p0 $0x80, s19;
	s19 =	simm.s32 @!p0 $0x1800  }
0x38: {  	[tilespmem:s20], [sflag:$0x1] =	stream.strided.gather @!p0 [hbm4b:s17+s18], $0x4000, s19, s18, $0x38;
	[tilespmem:$0x10000] =	vst v63  }
0x39: {  	p0 =	sge.u32 s31, s5  }
.Ltmp2:
0x3a: {  	_ = 	snop;
	(pc) =	sbr.rel @p0 .LBB1_5-.Ltmp2, $1  }
0x3b: {  	_ =	sdelay $0x3  }
0x3c: {  	s17 =	sand.u32 $0x4000, s9  }
0x3d: {  	s18 =	sor.u32 $0x70, s17  }
0x3e: {  	v1 =	vmov s18;
	_ =	sdelay $0x1  }
0x3f: {  	_ =	swait.ge [sflag:s4], $0x4000  }
0x40: {  	[sflag:s4] =	ssyncset.done $0x0  }
0x41: {  	s19 =	simm.s32 $0x0;
	[sflag:s4] =	ssyncadd.s32 $0xFFFFC000  }
0x42: {  	s17 =	sor.u32 $0x8040, s17;
	v7 =	vld.idx.msk [tilespmem:v1+s19+$0x0 ss:$0x1], $0xffff  }
0x43: {  	v0 =	vmov s17;
	v8 =	vld.idx.msk [tilespmem:v1+s19+$0xFFFFFF90 ss:$0x1], $0xffff  }
0x44: {  	v6 =	vld.idx.msk [tilespmem:v1+s19+$0xFFFFFFA0 ss:$0x1], $0xffff  }
0x45: {  	v4 =	vld.idx.msk [tilespmem:v1+s19+$0xFFFFFFB0 ss:$0x1], $0xffff  }
0x46: {  	v2 =	vld.idx.msk [tilespmem:v1+s19+$0xFFFFFFC0 ss:$0x1], $0xffff  }
0x47: {  	s31 =	sshll.u32 s13, $0xE;
	v3 =	vld.idx.msk [tilespmem:v1+s19+$0xFFFFFFD0 ss:$0x1], $0xffff  }
0x48: {  	s17 =	sand.u32 $0x4000, s31;
	v5 =	vld.idx.msk [tilespmem:v1+s19+$0xFFFFFFE0 ss:$0x1], $0xffff;
	[tilespmem:v0+s19+$0x30 ss:$0x1] =	vst.idx.msk $0xffff, v7  }
0x49: {  	s20 =	simm.s32 $0x400;
	s18 =	simm.s32 $0x80;
	s17 =	sor.u32 $0x8000, s17;
	[tilespmem:v0+s19+$0xFFFFFFC0 ss:$0x1] =	vst.idx.msk $0xffff, v8;
	v7 =	vld.idx.msk [tilespmem:v1+s19+$0xFFFFFFF0 ss:$0x1], $0xffff  }
.LBB1_3:
0x4a: {  	p0 =	sne.s32 s20, $0xFE00;
	v8 =	vld.idx.msk [tilespmem:v1+s18+$0x0 ss:$0x1], $0xffff;
	[tilespmem:v0+s19+$0xFFFFFFD0 ss:$0x1] =	vst.idx.msk $0xffff, v6  }
0x4b: {  	v9 =	vld.idx.msk [tilespmem:v1+s18+$0xFFFFFF90 ss:$0x1], $0xffff;
	[tilespmem:v0+s19+$0xFFFFFFE0 ss:$0x1] =	vst.idx.msk $0xffff, v4  }
0x4c: {  	v6 =	vld.idx.msk [tilespmem:v1+s18+$0xFFFFFFA0 ss:$0x1], $0xffff;
	[tilespmem:v0+s19+$0xFFFFFFF0 ss:$0x1] =	vst.idx.msk $0xffff, v2  }
.Ltmp3:
0x4d: {  	v4 =	vld.idx.msk [tilespmem:v1+s18+$0xFFFFFFB0 ss:$0x1], $0xffff;
	[tilespmem:v0+s19+$0x0 ss:$0x1] =	vst.idx.msk $0xffff, v3;
	(pc) =	sbr.rel @p0 .LBB1_3-.Ltmp3, $4  }
0x4e: {  	v2 =	vld.idx.msk [tilespmem:v1+s18+$0xFFFFFFC0 ss:$0x1], $0xffff;
	[tilespmem:v0+s19+$0x10 ss:$0x1] =	vst.idx.msk $0xffff, v5  }
0x4f: {  	v3 =	vld.idx.msk [tilespmem:v1+s18+$0xFFFFFFD0 ss:$0x1], $0xffff;
	[tilespmem:v0+s19+$0x20 ss:$0x1] =	vst.idx.msk $0xffff, v7;
	s19 =	smov.u32 s18  }
0x50: {  	v5 =	vld.idx.msk [tilespmem:v1+s19+$0xFFFFFFE0 ss:$0x1], $0xffff;
	[tilespmem:v0+s19+$0x30 ss:$0x1] =	vst.idx.msk $0xffff, v8  }
0x51: {  	s18 =	sshra.s32 s20, $0x2;
	s20 =	sadd.s32 $0x200, s20;
	[tilespmem:v0+s19+$0xFFFFFFC0 ss:$0x1] =	vst.idx.msk $0xffff, v9;
	v7 =	vld.idx.msk [tilespmem:v1+s19+$0xFFFFFFF0 ss:$0x1], $0xffff  }
.Ltmp4:
0x52: {  	_ = 	snop;
	(pc) =	sbr.rel .LBB1_4-.Ltmp4, $1  }
0x53: {  	_ =	sdelay $0x3  }
.LBB1_6:
0x54: {  	_ =	sfence.sel $0x180000  }
0x55: {  	s2 =	simm.s32 $0x1;
	[bflag:$0x0] =	sbarrier.arrive $0xFFFF  }
0x56: {  	s31 =	simm.s32 $0x2;
	[sflag:s2] =	ssyncpa.u1 $0x1  }
0x57: {  	[sflag:s31] =	ssyncpa.u1 $0x1  }
0x58: {  	p0 =	sne.s32 s0, $0x0;
	_ =	strace $0x9000004A  }
0x59: {  	s0 =	sadd.s32 @!p0 $0x100000, s1;
	[bflag:$0x2] =	sbarrier.arrive $0xFFFF  }
0x5a: {  	[sflag:s0] =	ssyncadd.tile.s32 @!p0 $0x1;
	_ =	shalt  }
.Lfunc_end1:
_tile_overlayer_lowered:
.L_overlay_start_2:
0x5b: {  	(tag) =	ssettag $0x2  }
0x5c: {  	s0 =	rddreg [dreg:$0x0];
	s2 =	stileid.u32  }
0x5d: {  	s1 =	rddreg [dreg:$0x1];
	p0 =	sne.s32 s2, $0x0  }
0x5e: {  	s3 =	rddreg [dreg:$0x2];
	[bflag:$0x3] =	sbarrier.arrive $0xFFFF;
	s2 =	simm.s32 @!p0 $0x1C01  }
0x5f: {  	[timem:s3], [sflag:s2] =	dma.local @!p0 [hbm:s0], s1  }
0x60: {  	s0 =	simm.s32 @!p0 $0x1  }
0x61: {  	_ =	swait.ge @!p0 [sflag:s0], s1  }
0x62: {  	s1 =	ssub.s32 @!p0 $0x0, s1;
	[sflag:s0] =	ssyncset.done @!p0 $0x0  }
0x63: {  	[sflag:s0] =	ssyncadd.s32 @!p0 s1  }
0x64: {  	[bflag:$0x3] =	sbarrier.arrive $0xFFFF  }
0x65: {  	_ =	shalt  }

</sc_bundles>
